<compile_context>
chip_gen: v7x
topology: tpu7x:2x2x1
jax: 0.10.2.dev20260603
libtpu: 0.0.44.dev20260713+nightly
codegen_flags: <defaults>
</compile_context>

<pallas_src>
import functools

import jax
import jax.numpy as jnp
from jax import lax
from jax.experimental import pallas as pl
from jax.experimental.pallas import tpu as pltpu
from jax.experimental.pallas import tpu_sc as plsc

N = 10000
D_IN = 128
D_H = 256
D_OUT = 128
E = 320000
NT = 16
NC = 2
CH = 128
CHUNKS = E // CH
FULL = CHUNKS // NT
HFULL = FULL // 2
TAIL = CHUNKS - FULL * NT
OWN = 640
LAST = N - OWN * (NT - 1)
BR = 1000


@functools.lru_cache(maxsize=None)
def _mesh():
    return plsc.VectorSubcoreMesh(core_axis_name="c", subcore_axis_name="s",
                                  num_cores=NC, num_subcores=NT)


def _sc_layer1(x_hbm, src_hbm, dst_hbm, ones_hbm, zeros_hbm,
               sum_hbm, cnt_hbm,
               acc, isa, ida, isb, idb, ra, rb, ones_v,
               sga, sgb, ssa, ssb, sia, sib, sem):
    c = lax.axis_index("c")
    s = lax.axis_index("s")
    r0 = s * OWN
    base_e = c * E

    def eoff(k):
        return base_e + (s + k * NT) * CH

    pltpu.sync_copy(ones_hbm, ones_v)

    for p in range(2):
        @pl.when(s < NT - 1)
        def _():
            pltpu.sync_copy(zeros_hbm.at[pl.ds(r0, OWN), :],
                            acc.at[pl.ds(r0, OWN), :])

        @pl.when(s == NT - 1)
        def _():
            pltpu.sync_copy(zeros_hbm.at[pl.ds(r0, LAST), :],
                            acc.at[pl.ds(r0, LAST), :])

        plsc.subcore_barrier()

        if p == 0:
            pltpu.sync_copy(src_hbm.at[pl.ds(eoff(0), CH)], isa)
            pltpu.sync_copy(dst_hbm.at[pl.ds(eoff(0), CH)], ida)
            pltpu.async_copy(x_hbm.at[isa], ra, sga)

            def body(j, carry):
                @pl.when(j > 0)
                def _():
                    pltpu.make_async_copy(rb, acc.at[idb], ssb).wait()

                pltpu.async_copy(src_hbm.at[pl.ds(eoff(2 * j + 1), CH)],
                                 isb, sib)
                pltpu.async_copy(dst_hbm.at[pl.ds(eoff(2 * j + 1), CH)],
                                 idb, sib)
                pltpu.make_async_copy(x_hbm.at[isa], ra, sga).wait()
                pltpu.make_async_copy(
                    src_hbm.at[pl.ds(eoff(0), CH)], isb, sib).wait()
                pltpu.make_async_copy(
                    dst_hbm.at[pl.ds(eoff(0), CH)], idb, sib).wait()
                pltpu.async_copy(x_hbm.at[isb], rb, sgb)
                pltpu.async_copy(ra, acc.at[ida], ssa, add=True)
                pltpu.make_async_copy(ra, acc.at[ida], ssa).wait()

                @pl.when(j < HFULL - 1)
                def _():
                    pltpu.async_copy(
                        src_hbm.at[pl.ds(eoff(2 * j + 2), CH)], isa, sia)
                    pltpu.async_copy(
                        dst_hbm.at[pl.ds(eoff(2 * j + 2), CH)], ida, sia)

                pltpu.make_async_copy(x_hbm.at[isb], rb, sgb).wait()
                pltpu.async_copy(rb, acc.at[idb], ssb, add=True)

                @pl.when(j < HFULL - 1)
                def _():
                    pltpu.make_async_copy(
                        src_hbm.at[pl.ds(eoff(0), CH)], isa, sia).wait()
                    pltpu.make_async_copy(
                        dst_hbm.at[pl.ds(eoff(0), CH)], ida, sia).wait()
                    pltpu.async_copy(x_hbm.at[isa], ra, sga)

                return carry

            lax.fori_loop(0, HFULL, body, 0)
            pltpu.make_async_copy(rb, acc.at[idb], ssb).wait()

            @pl.when(s < TAIL)
            def _():
                off = base_e + (FULL * NT + s) * CH
                pltpu.sync_copy(src_hbm.at[pl.ds(off, CH)], isa)
                pltpu.sync_copy(dst_hbm.at[pl.ds(off, CH)], ida)
                pltpu.async_copy(x_hbm.at[isa], ra, sem).wait()
                pltpu.sync_copy(ra, acc.at[ida], add=True)
        else:
            pltpu.sync_copy(dst_hbm.at[pl.ds(eoff(0), CH)], ida)

            def body(j, carry):
                pltpu.async_copy(ones_v, acc.at[ida], ssa, add=True)

                @pl.when(j > 0)
                def _():
                    pltpu.make_async_copy(ones_v, acc.at[idb], ssb).wait()

                pltpu.async_copy(dst_hbm.at[pl.ds(eoff(2 * j + 1), CH)],
                                 idb, sib)
                pltpu.make_async_copy(
                    dst_hbm.at[pl.ds(eoff(0), CH)], idb, sib).wait()
                pltpu.async_copy(ones_v, acc.at[idb], ssb, add=True)
                pltpu.make_async_copy(ones_v, acc.at[ida], ssa).wait()

                @pl.when(j < HFULL - 1)
                def _():
                    pltpu.async_copy(
                        dst_hbm.at[pl.ds(eoff(2 * j + 2), CH)], ida, sia)
                    pltpu.make_async_copy(
                        dst_hbm.at[pl.ds(eoff(0), CH)], ida, sia).wait()

                return carry

            lax.fori_loop(0, HFULL, body, 0)
            pltpu.make_async_copy(ones_v, acc.at[idb], ssb).wait()

            @pl.when(s < TAIL)
            def _():
                off = base_e + (FULL * NT + s) * CH
                pltpu.sync_copy(dst_hbm.at[pl.ds(off, CH)], ida)
                pltpu.sync_copy(ones_v, acc.at[ida], add=True)

        plsc.subcore_barrier()

        out_hbm = sum_hbm if p == 0 else cnt_hbm

        @pl.when(s < NT - 1)
        def _():
            pltpu.sync_copy(acc.at[pl.ds(r0, OWN), :],
                            out_hbm.at[pl.ds(c * N + r0, OWN), :])

        @pl.when(s == NT - 1)
        def _():
            pltpu.sync_copy(acc.at[pl.ds(r0, LAST), :],
                            out_hbm.at[pl.ds(c * N + r0, LAST), :])

        if p == 0:
            plsc.subcore_barrier()


@functools.lru_cache(maxsize=None)
def _layer1_call():
    return pl.kernel(
        _sc_layer1,
        out_type=[jax.ShapeDtypeStruct((NC * N, D_IN), jnp.float32),
                  jax.ShapeDtypeStruct((NC * N, 128), jnp.float32)],
        mesh=_mesh(),
        scratch_types=[
            pltpu.VMEM_SHARED((N, D_IN), jnp.float32),
            pltpu.VMEM((CH,), jnp.int32),
            pltpu.VMEM((CH,), jnp.int32),
            pltpu.VMEM((CH,), jnp.int32),
            pltpu.VMEM((CH,), jnp.int32),
            pltpu.VMEM((CH, D_IN), jnp.float32),
            pltpu.VMEM((CH, D_IN), jnp.float32),
            pltpu.VMEM((CH, 128), jnp.float32),
            pltpu.SemaphoreType.DMA,
            pltpu.SemaphoreType.DMA,
            pltpu.SemaphoreType.DMA,
            pltpu.SemaphoreType.DMA,
            pltpu.SemaphoreType.DMA,
            pltpu.SemaphoreType.DMA,
            pltpu.SemaphoreType.DMA,
        ],
    )


def _sc_layer2(h_hbm, src_hbm, dst_hbm, zeros_hbm,
               sum_hbm,
               acc, isa, ida, isb, idb, ra, rb,
               sga, sgb, ssa, ssb, sia, sib, sem):
    c = lax.axis_index("c")
    s = lax.axis_index("s")
    r0 = s * OWN

    for p in range(2):
        base_e = (2 * c + p) * E
        base_d = c * E

        def eoff(k):
            return base_e + (s + k * NT) * CH

        def doff(k):
            return base_d + (s + k * NT) * CH

        @pl.when(s < NT - 1)
        def _():
            pltpu.sync_copy(zeros_hbm.at[pl.ds(r0, OWN), :],
                            acc.at[pl.ds(r0, OWN), :])

        @pl.when(s == NT - 1)
        def _():
            pltpu.sync_copy(zeros_hbm.at[pl.ds(r0, LAST), :],
                            acc.at[pl.ds(r0, LAST), :])

        plsc.subcore_barrier()

        pltpu.sync_copy(src_hbm.at[pl.ds(eoff(0), CH)], isa)
        pltpu.sync_copy(dst_hbm.at[pl.ds(doff(0), CH)], ida)
        pltpu.async_copy(h_hbm.at[isa], ra, sga)

        def body(j, carry):
            @pl.when(j > 0)
            def _():
                pltpu.make_async_copy(rb, acc.at[idb], ssb).wait()

            pltpu.async_copy(src_hbm.at[pl.ds(eoff(2 * j + 1), CH)],
                             isb, sib)
            pltpu.async_copy(dst_hbm.at[pl.ds(doff(2 * j + 1), CH)],
                             idb, sib)
            pltpu.make_async_copy(h_hbm.at[isa], ra, sga).wait()
            pltpu.make_async_copy(
                src_hbm.at[pl.ds(eoff(0), CH)], isb, sib).wait()
            pltpu.make_async_copy(
                dst_hbm.at[pl.ds(doff(0), CH)], idb, sib).wait()
            pltpu.async_copy(h_hbm.at[isb], rb, sgb)
            pltpu.async_copy(ra, acc.at[ida], ssa, add=True)
            pltpu.make_async_copy(ra, acc.at[ida], ssa).wait()

            @pl.when(j < HFULL - 1)
            def _():
                pltpu.async_copy(
                    src_hbm.at[pl.ds(eoff(2 * j + 2), CH)], isa, sia)
                pltpu.async_copy(
                    dst_hbm.at[pl.ds(doff(2 * j + 2), CH)], ida, sia)

            pltpu.make_async_copy(h_hbm.at[isb], rb, sgb).wait()
            pltpu.async_copy(rb, acc.at[idb], ssb, add=True)

            @pl.when(j < HFULL - 1)
            def _():
                pltpu.make_async_copy(
                    src_hbm.at[pl.ds(eoff(0), CH)], isa, sia).wait()
                pltpu.make_async_copy(
                    dst_hbm.at[pl.ds(doff(0), CH)], ida, sia).wait()
                pltpu.async_copy(h_hbm.at[isa], ra, sga)

            return carry

        lax.fori_loop(0, HFULL, body, 0)
        pltpu.make_async_copy(rb, acc.at[idb], ssb).wait()

        @pl.when(s < TAIL)
        def _():
            off_e = base_e + (FULL * NT + s) * CH
            off_d = base_d + (FULL * NT + s) * CH
            pltpu.sync_copy(src_hbm.at[pl.ds(off_e, CH)], isa)
            pltpu.sync_copy(dst_hbm.at[pl.ds(off_d, CH)], ida)
            pltpu.async_copy(h_hbm.at[isa], ra, sem).wait()
            pltpu.sync_copy(ra, acc.at[ida], add=True)

        plsc.subcore_barrier()

        @pl.when(s < NT - 1)
        def _():
            pltpu.sync_copy(
                acc.at[pl.ds(r0, OWN), :],
                sum_hbm.at[pl.ds(c * N + r0, OWN), pl.ds(p * 128, 128)])

        @pl.when(s == NT - 1)
        def _():
            pltpu.sync_copy(
                acc.at[pl.ds(r0, LAST), :],
                sum_hbm.at[pl.ds(c * N + r0, LAST), pl.ds(p * 128, 128)])

        plsc.subcore_barrier()


@functools.lru_cache(maxsize=None)
def _layer2_call():
    return pl.kernel(
        _sc_layer2,
        out_type=[jax.ShapeDtypeStruct((NC * N, D_H), jnp.float32)],
        mesh=_mesh(),
        scratch_types=[
            pltpu.VMEM_SHARED((N, 128), jnp.float32),
            pltpu.VMEM((CH,), jnp.int32),
            pltpu.VMEM((CH,), jnp.int32),
            pltpu.VMEM((CH,), jnp.int32),
            pltpu.VMEM((CH,), jnp.int32),
            pltpu.VMEM((CH, 128), jnp.float32),
            pltpu.VMEM((CH, 128), jnp.float32),
            pltpu.SemaphoreType.DMA,
            pltpu.SemaphoreType.DMA,
            pltpu.SemaphoreType.DMA,
            pltpu.SemaphoreType.DMA,
            pltpu.SemaphoreType.DMA,
            pltpu.SemaphoreType.DMA,
            pltpu.SemaphoreType.DMA,
        ],
    )


def _tc_dense1(sum_ref, cnt_ref, xr_ref, wrel_ref, wroot_ref, b_ref, out_ref):
    cnt = jnp.maximum(cnt_ref[:, 0:1], 1.0)
    agg = sum_ref[...] / cnt
    h = jnp.dot(agg, wrel_ref[0], preferred_element_type=jnp.float32)
    h = h + jnp.dot(xr_ref[...], wroot_ref[0], preferred_element_type=jnp.float32)
    h = h + b_ref[0]
    h = jnp.maximum(h, 0.0)
    out_ref[0] = h[:, :128]
    out_ref[1] = h[:, 128:]


_dense1_call = pl.pallas_call(
    _tc_dense1,
    grid=(2, N // BR),
    in_specs=[
        pl.BlockSpec((BR, D_IN), lambda t, r: (t * (N // BR) + r, 0)),
        pl.BlockSpec((BR, 128), lambda t, r: (t * (N // BR) + r, 0)),
        pl.BlockSpec((BR, D_IN), lambda t, r: (t * (N // BR) + r, 0)),
        pl.BlockSpec((1, D_IN, D_H), lambda t, r: (t, 0, 0)),
        pl.BlockSpec((1, D_IN, D_H), lambda t, r: (t, 0, 0)),
        pl.BlockSpec((1, 1, D_H), lambda t, r: (t, 0, 0)),
    ],
    out_specs=pl.BlockSpec((2, BR, 128), lambda t, r: (1 - t, r, 0)),
    out_shape=jax.ShapeDtypeStruct((4, N, 128), jnp.float32),
)


def _tc_dense2(sum_ref, cnt_ref, h4_ref, wrel_ref, wroot_ref, b_ref,
               lw_ref, lb_ref, out_ref):
    cnt = jnp.maximum(cnt_ref[:, 0:1], 1.0)
    agg = sum_ref[...] / cnt
    o = jnp.dot(agg, wrel_ref[0], preferred_element_type=jnp.float32)
    o = o + jnp.dot(h4_ref[0], wroot_ref[0, :128, :],
                    preferred_element_type=jnp.float32)
    o = o + jnp.dot(h4_ref[1], wroot_ref[0, 128:, :],
                    preferred_element_type=jnp.float32)
    o = o + b_ref[0]
    out_ref[0] = jnp.dot(o, lw_ref[0], preferred_element_type=jnp.float32) \
        + lb_ref[0]


_dense2_call = pl.pallas_call(
    _tc_dense2,
    grid=(2, N // BR),
    in_specs=[
        pl.BlockSpec((BR, D_H), lambda t, r: (t * (N // BR) + r, 0)),
        pl.BlockSpec((BR, 128), lambda t, r: (t * (N // BR) + r, 0)),
        pl.BlockSpec((2, BR, 128), lambda t, r: (1 - t, r, 0)),
        pl.BlockSpec((1, D_H, D_OUT), lambda t, r: (t, 0, 0)),
        pl.BlockSpec((1, D_H, D_OUT), lambda t, r: (t, 0, 0)),
        pl.BlockSpec((1, 1, D_OUT), lambda t, r: (t, 0, 0)),
        pl.BlockSpec((1, D_OUT, D_OUT), lambda t, r: (t, 0, 0)),
        pl.BlockSpec((1, 1, D_OUT), lambda t, r: (t, 0, 0)),
    ],
    out_specs=pl.BlockSpec((1, BR, D_OUT), lambda t, r: (t, r, 0)),
    out_shape=jax.ShapeDtypeStruct((2, N, D_OUT), jnp.float32),
)


def kernel(x_user, x_item, edge_index_user_rates_item, edge_index_item_rated_by_user,
           l1_ui_Wrel, l1_ui_Wroot, l1_ui_b, l1_iu_Wrel, l1_iu_Wroot, l1_iu_b,
           l2_ui_Wrel, l2_ui_Wroot, l2_ui_b, l2_iu_Wrel, l2_iu_Wroot, l2_iu_b,
           lin_user_W, lin_user_b, lin_item_W, lin_item_b):
    src_ui = edge_index_user_rates_item[0].astype(jnp.int32)
    dst_ui = edge_index_user_rates_item[1].astype(jnp.int32)
    src_iu = edge_index_item_rated_by_user[0].astype(jnp.int32)
    dst_iu = edge_index_item_rated_by_user[1].astype(jnp.int32)

    x_all = jnp.concatenate([x_user, x_item], axis=0)
    src1 = jnp.concatenate([src_ui, src_iu + N])
    dst1 = jnp.concatenate([dst_ui, dst_iu])
    src2 = jnp.concatenate([src_ui, src_ui + N,
                            src_iu + 2 * N, src_iu + 3 * N])
    ones128 = jnp.ones((CH, 128), jnp.float32)
    zeros = jnp.zeros((N, D_IN), jnp.float32)

    sum1, cnt = _layer1_call()(x_all, src1, dst1, ones128, zeros)

    xr = jnp.concatenate([x_item, x_user], axis=0)
    w1rel = jnp.stack([l1_ui_Wrel, l1_iu_Wrel])
    w1root = jnp.stack([l1_ui_Wroot, l1_iu_Wroot])
    b1 = jnp.stack([l1_ui_b, l1_iu_b])[:, None, :]
    h4 = _dense1_call(sum1, cnt, xr, w1rel, w1root, b1)

    h_tab = h4.reshape(4 * N, 128)
    (sum2,) = _layer2_call()(h_tab, src2, dst1, zeros)

    w2rel = jnp.stack([l2_ui_Wrel, l2_iu_Wrel])
    w2root = jnp.stack([l2_ui_Wroot, l2_iu_Wroot])
    b2 = jnp.stack([l2_ui_b, l2_iu_b])[:, None, :]
    lw = jnp.stack([lin_item_W, lin_user_W])
    lb = jnp.stack([lin_item_b, lin_user_b])[:, None, :]
    out = _dense2_call(sum2, cnt, h4, w2rel, w2root, b2, lw, lb)
    return (out[1], out[0])

# --- scband reference (transcript-rebuilt; emitter-appended) ---
"""Pipeline reference for scband-hetero-rgcn-146028888140 (READ-ONLY COPY).

The authoritative reference and input builder live on the scoring server;
editing this copy changes nothing except your own understanding.
"""

import jax, jax.numpy as jnp
import numpy as np

N_U = 10000
N_I = 10000
D_IN = 128
D_H = 256
D_OUT = 128
E = 320000


def rgcn_conv(x_src, x_dst, edge_index, W_rel, W_root, b):
    # PyG RGCNConv with num_relations=1, aggr='mean', root weight + bias
    src = edge_index[0]
    dst = edge_index[1]
    msg = jnp.take(x_src, src, axis=0) @ W_rel
    n_dst = x_dst.shape[0]
    agg = jax.ops.segment_sum(msg, dst, num_segments=n_dst)
    cnt = jax.ops.segment_sum(jnp.ones((msg.shape[0],), dtype=msg.dtype), dst, num_segments=n_dst)
    agg = agg / jnp.maximum(cnt, 1.0)[:, None]
    return agg + x_dst @ W_root + b


def _glorot(k, fan_in, fan_out):
    return jax.random.normal(k, (fan_in, fan_out), dtype=jnp.float32) * (1.0 / np.sqrt(fan_in))


def setup_inputs(seed: int = 0) -> dict:
    key = jax.random.key(seed)
    ks = jax.random.split(key, 24)
    inp = {}
    inp['x_user'] = jax.random.normal(ks[0], (N_U, D_IN), dtype=jnp.float32)
    inp['x_item'] = jax.random.normal(ks[1], (N_I, D_IN), dtype=jnp.float32)
    inp['edge_index_user_rates_item'] = jax.random.randint(ks[2], (2, E), 0, N_U)
    inp['edge_index_item_rated_by_user'] = jax.random.randint(ks[3], (2, E), 0, N_I)
    # layer 1 conv params (in=128 -> hidden=256) per edge type
    inp['l1_ui_Wrel'] = _glorot(ks[4], D_IN, D_H)
    inp['l1_ui_Wroot'] = _glorot(ks[5], D_IN, D_H)
    inp['l1_ui_b'] = jnp.zeros((D_H,), dtype=jnp.float32)
    inp['l1_iu_Wrel'] = _glorot(ks[6], D_IN, D_H)
    inp['l1_iu_Wroot'] = _glorot(ks[7], D_IN, D_H)
    inp['l1_iu_b'] = jnp.zeros((D_H,), dtype=jnp.float32)
    # layer 2 (last) conv params (hidden=256 -> out=128) per edge type
    inp['l2_ui_Wrel'] = _glorot(ks[8], D_H, D_OUT)
    inp['l2_ui_Wroot'] = _glorot(ks[9], D_H, D_OUT)
    inp['l2_ui_b'] = jnp.zeros((D_OUT,), dtype=jnp.float32)
    inp['l2_iu_Wrel'] = _glorot(ks[10], D_H, D_OUT)
    inp['l2_iu_Wroot'] = _glorot(ks[11], D_H, D_OUT)
    inp['l2_iu_b'] = jnp.zeros((D_OUT,), dtype=jnp.float32)
    # per-node-type output linear (out=128 -> out=128)
    inp['lin_user_W'] = _glorot(ks[12], D_OUT, D_OUT)
    inp['lin_user_b'] = jnp.zeros((D_OUT,), dtype=jnp.float32)
    inp['lin_item_W'] = _glorot(ks[13], D_OUT, D_OUT)
    inp['lin_item_b'] = jnp.zeros((D_OUT,), dtype=jnp.float32)
    return inp


def reference(x_user, x_item, edge_index_user_rates_item, edge_index_item_rated_by_user,
              l1_ui_Wrel, l1_ui_Wroot, l1_ui_b, l1_iu_Wrel, l1_iu_Wroot, l1_iu_b,
              l2_ui_Wrel, l2_ui_Wroot, l2_ui_b, l2_iu_Wrel, l2_iu_Wroot, l2_iu_b,
              lin_user_W, lin_user_b, lin_item_W, lin_item_b):
    # Layer 1: HeteroConv over two edge types (each node type is dst of exactly one)
    h_item = rgcn_conv(x_user, x_item, edge_index_user_rates_item, l1_ui_Wrel, l1_ui_Wroot, l1_ui_b)
    h_user = rgcn_conv(x_item, x_user, edge_index_item_rated_by_user, l1_iu_Wrel, l1_iu_Wroot, l1_iu_b)
    h_user = jax.nn.relu(h_user)
    h_item = jax.nn.relu(h_item)
    # dropout(p=0.1) is identity in eval mode
    # Last layer: HeteroConv hidden -> out
    o_item = rgcn_conv(h_user, h_item, edge_index_user_rates_item, l2_ui_Wrel, l2_ui_Wroot, l2_ui_b)
    o_user = rgcn_conv(h_item, h_user, edge_index_item_rated_by_user, l2_iu_Wrel, l2_iu_Wroot, l2_iu_b)
    # per-node-type linear heads
    out_user = o_user @ lin_user_W + lin_user_b
    out_item = o_item @ lin_item_W + lin_item_b
    return (out_user, out_item)

if __name__ == "__main__":
    import jax
    _d = setup_inputs()
    print(jax.jit(kernel)(*tuple(_d.values())))

</pallas_src>

<mosaic_0001>
#map = affine_map<(d0, d1) -> (0, 0)>
#map1 = affine_map<(d0, d1) -> (0)>
module attributes {stable_mosaic.version = 14 : i64} {
  func.func @_sc_layer1(%arg0: i32, %arg1: i32, %arg2: memref<20000x128xf32, #tpu.memory_space<hbm>>, %arg3: memref<640000xi32, #tpu.memory_space<hbm>>, %arg4: memref<640000xi32, #tpu.memory_space<hbm>>, %arg5: memref<128x128xf32, #tpu.memory_space<hbm>>, %arg6: memref<10000x128xf32, #tpu.memory_space<hbm>>, %arg7: memref<20000x128xf32, #tpu.memory_space<hbm>>, %arg8: memref<20000x128xf32, #tpu.memory_space<hbm>>, %arg9: memref<10000x128xf32, #tpu.memory_space<vmem_shared>>, %arg10: memref<128xi32, #tpu.memory_space<vmem>>, %arg11: memref<128xi32, #tpu.memory_space<vmem>>, %arg12: memref<128xi32, #tpu.memory_space<vmem>>, %arg13: memref<128xi32, #tpu.memory_space<vmem>>, %arg14: memref<128x128xf32, #tpu.memory_space<vmem>>, %arg15: memref<128x128xf32, #tpu.memory_space<vmem>>, %arg16: memref<128x128xf32, #tpu.memory_space<vmem>>, %arg17: memref<!tpu.dma_semaphore, #tpu.memory_space<semaphore_mem>>, %arg18: memref<!tpu.dma_semaphore, #tpu.memory_space<semaphore_mem>>, %arg19: memref<!tpu.dma_semaphore, #tpu.memory_space<semaphore_mem>>, %arg20: memref<!tpu.dma_semaphore, #tpu.memory_space<semaphore_mem>>, %arg21: memref<!tpu.dma_semaphore, #tpu.memory_space<semaphore_mem>>, %arg22: memref<!tpu.dma_semaphore, #tpu.memory_space<semaphore_mem>>, %arg23: memref<!tpu.dma_semaphore, #tpu.memory_space<semaphore_mem>>) attributes {dimension_semantics = [#tpu.dimension_semantics<core_parallel>, #tpu.dimension_semantics<subcore_parallel>], iteration_bounds = array<i64: 2, 16>, scalar_prefetch = 0 : i64, scratch_operands = 15 : i64, tpu.core_type = #tpu.core_type<sc_vector_subcore>, window_params = [{transform_indices = #map}, {transform_indices = #map1}, {transform_indices = #map1}, {transform_indices = #map}, {transform_indices = #map}, {transform_indices = #map}, {transform_indices = #map}]} {
    %mul3A = arith.constant 640 : i32
    %mul3A_0 = arith.muli %arg1, %mul3A : i32
    %mul3A_1 = arith.constant 320000 : i32
    %mul3A_2 = arith.muli %arg0, %mul3A_1 : i32
    "tpu.region"() ({
      %run_scoped3A = tpu.sem_alloc : memref<!tpu.dma_semaphore, #tpu.memory_space<semaphore_mem>>
      tpu.enqueue_dma source(%arg5 : memref<128x128xf32, #tpu.memory_space<hbm>>) target(%arg16 : memref<128x128xf32, #tpu.memory_space<vmem>>) target_semaphore(%run_scoped3A : memref<!tpu.dma_semaphore, #tpu.memory_space<semaphore_mem>>)
      tpu.wait_dma2 semaphore(%run_scoped3A : memref<!tpu.dma_semaphore, #tpu.memory_space<semaphore_mem>>) src(%arg5 : memref<128x128xf32, #tpu.memory_space<hbm>>) dst(%arg16 : memref<128x128xf32, #tpu.memory_space<vmem>>)
      tpu.yield
    }) : () -> ()
    %lt3A = arith.constant 15 : i32
    %lt3A_3 = arith.cmpi slt, %arg1, %lt3A : i32
    %convert_element_type3A = arith.extui %lt3A_3 : i1 to i32
    %cond3A = arith.constant 0 : i32
    %cond3A_4 = arith.cmpi ne, %convert_element_type3A, %cond3A : i32
    scf.if %cond3A_4 {
      "tpu.region"() ({
        %run_scoped3A = tpu.sem_alloc : memref<!tpu.dma_semaphore, #tpu.memory_space<semaphore_mem>>
        %dma_start3A_85 = arith.constant 0 : i32
        %dma_start3A_86 = tpu.memref_slice %arg9[%mul3A_0, %dma_start3A_85] : memref<10000x128xf32, #tpu.memory_space<vmem_shared>> -> memref<640x128xf32, #tpu.memory_space<vmem_shared>>
        %dma_start3A_87 = arith.constant 0 : i32
        %dma_start3A_88 = tpu.memref_slice %arg6[%mul3A_0, %dma_start3A_87] : memref<10000x128xf32, #tpu.memory_space<hbm>> -> memref<640x128xf32, #tpu.memory_space<hbm>>
        tpu.enqueue_dma source(%dma_start3A_88 : memref<640x128xf32, #tpu.memory_space<hbm>>) target(%dma_start3A_86 : memref<640x128xf32, #tpu.memory_space<vmem_shared>>) target_semaphore(%run_scoped3A : memref<!tpu.dma_semaphore, #tpu.memory_space<semaphore_mem>>)
        %dma_wait3A_89 = arith.constant 0 : i32
        %dma_wait3A_90 = tpu.memref_slice %arg9[%mul3A_0, %dma_wait3A_89] : memref<10000x128xf32, #tpu.memory_space<vmem_shared>> -> memref<640x128xf32, #tpu.memory_space<vmem_shared>>
        %dma_wait3A_91 = arith.constant 0 : i32
        %dma_wait3A_92 = tpu.memref_slice %arg6[%mul3A_0, %dma_wait3A_91] : memref<10000x128xf32, #tpu.memory_space<hbm>> -> memref<640x128xf32, #tpu.memory_space<hbm>>
        tpu.wait_dma2 semaphore(%run_scoped3A : memref<!tpu.dma_semaphore, #tpu.memory_space<semaphore_mem>>) src(%dma_wait3A_92 : memref<640x128xf32, #tpu.memory_space<hbm>>) dst(%dma_wait3A_90 : memref<640x128xf32, #tpu.memory_space<vmem_shared>>)
        tpu.yield
      }) : () -> ()
    } else {
    }
    %eq3A = arith.constant 15 : i32
    %eq3A_5 = arith.cmpi eq, %arg1, %eq3A : i32
    %convert_element_type3A_6 = arith.extui %eq3A_5 : i1 to i32
    %cond3A_7 = arith.constant 0 : i32
    %cond3A_8 = arith.cmpi ne, %convert_element_type3A_6, %cond3A_7 : i32
    scf.if %cond3A_8 {
      "tpu.region"() ({
        %run_scoped3A = tpu.sem_alloc : memref<!tpu.dma_semaphore, #tpu.memory_space<semaphore_mem>>
        %dma_start3A_85 = arith.constant 0 : i32
        %dma_start3A_86 = tpu.memref_slice %arg9[%mul3A_0, %dma_start3A_85] : memref<10000x128xf32, #tpu.memory_space<vmem_shared>> -> memref<400x128xf32, #tpu.memory_space<vmem_shared>>
        %dma_start3A_87 = arith.constant 0 : i32
        %dma_start3A_88 = tpu.memref_slice %arg6[%mul3A_0, %dma_start3A_87] : memref<10000x128xf32, #tpu.memory_space<hbm>> -> memref<400x128xf32, #tpu.memory_space<hbm>>
        tpu.enqueue_dma source(%dma_start3A_88 : memref<400x128xf32, #tpu.memory_space<hbm>>) target(%dma_start3A_86 : memref<400x128xf32, #tpu.memory_space<vmem_shared>>) target_semaphore(%run_scoped3A : memref<!tpu.dma_semaphore, #tpu.memory_space<semaphore_mem>>)
        %dma_wait3A_89 = arith.constant 0 : i32
        %dma_wait3A_90 = tpu.memref_slice %arg9[%mul3A_0, %dma_wait3A_89] : memref<10000x128xf32, #tpu.memory_space<vmem_shared>> -> memref<400x128xf32, #tpu.memory_space<vmem_shared>>
        %dma_wait3A_91 = arith.constant 0 : i32
        %dma_wait3A_92 = tpu.memref_slice %arg6[%mul3A_0, %dma_wait3A_91] : memref<10000x128xf32, #tpu.memory_space<hbm>> -> memref<400x128xf32, #tpu.memory_space<hbm>>
        tpu.wait_dma2 semaphore(%run_scoped3A : memref<!tpu.dma_semaphore, #tpu.memory_space<semaphore_mem>>) src(%dma_wait3A_92 : memref<400x128xf32, #tpu.memory_space<hbm>>) dst(%dma_wait3A_90 : memref<400x128xf32, #tpu.memory_space<vmem_shared>>)
        tpu.yield
      }) : () -> ()
    } else {
    }
    %barrier3A = arith.constant 0 : index
    tpu.barrier barrier_id(%barrier3A)
    %add3A = arith.constant 0 : i32
    %add3A_9 = arith.addi %arg1, %add3A : i32
    %mul3A_10 = arith.constant 128 : i32
    %mul3A_11 = arith.muli %add3A_9, %mul3A_10 : i32
    %add3A_12 = arith.addi %mul3A_2, %mul3A_11 : i32
    "tpu.region"() ({
      %run_scoped3A = tpu.sem_alloc : memref<!tpu.dma_semaphore, #tpu.memory_space<semaphore_mem>>
      %dma_start3A_85 = tpu.memref_slice %arg3[%add3A_12] : memref<640000xi32, #tpu.memory_space<hbm>> -> memref<128xi32, #tpu.memory_space<hbm>>
      %dma_start3A_86 = tpu.memref_slice %arg3[%add3A_12] : memref<640000xi32, #tpu.memory_space<hbm>> -> memref<128xi32, #tpu.memory_space<hbm>>
      tpu.enqueue_dma source(%dma_start3A_86 : memref<128xi32, #tpu.memory_space<hbm>>) target(%arg10 : memref<128xi32, #tpu.memory_space<vmem>>) target_semaphore(%run_scoped3A : memref<!tpu.dma_semaphore, #tpu.memory_space<semaphore_mem>>)
      %dma_wait3A_87 = tpu.memref_slice %arg3[%add3A_12] : memref<640000xi32, #tpu.memory_space<hbm>> -> memref<128xi32, #tpu.memory_space<hbm>>
      %dma_wait3A_88 = tpu.memref_slice %arg3[%add3A_12] : memref<640000xi32, #tpu.memory_space<hbm>> -> memref<128xi32, #tpu.memory_space<hbm>>
      tpu.wait_dma2 semaphore(%run_scoped3A : memref<!tpu.dma_semaphore, #tpu.memory_space<semaphore_mem>>) src(%dma_wait3A_88 : memref<128xi32, #tpu.memory_space<hbm>>) dst(%arg10 : memref<128xi32, #tpu.memory_space<vmem>>)
      tpu.yield
    }) : () -> ()
    %add3A_13 = arith.constant 0 : i32
    %add3A_14 = arith.addi %arg1, %add3A_13 : i32
    %mul3A_15 = arith.constant 128 : i32
    %mul3A_16 = arith.muli %add3A_14, %mul3A_15 : i32
    %add3A_17 = arith.addi %mul3A_2, %mul3A_16 : i32
    "tpu.region"() ({
      %run_scoped3A = tpu.sem_alloc : memref<!tpu.dma_semaphore, #tpu.memory_space<semaphore_mem>>
      %dma_start3A_85 = tpu.memref_slice %arg4[%add3A_17] : memref<640000xi32, #tpu.memory_space<hbm>> -> memref<128xi32, #tpu.memory_space<hbm>>
      %dma_start3A_86 = tpu.memref_slice %arg4[%add3A_17] : memref<640000xi32, #tpu.memory_space<hbm>> -> memref<128xi32, #tpu.memory_space<hbm>>
      tpu.enqueue_dma source(%dma_start3A_86 : memref<128xi32, #tpu.memory_space<hbm>>) target(%arg11 : memref<128xi32, #tpu.memory_space<vmem>>) target_semaphore(%run_scoped3A : memref<!tpu.dma_semaphore, #tpu.memory_space<semaphore_mem>>)
      %dma_wait3A_87 = tpu.memref_slice %arg4[%add3A_17] : memref<640000xi32, #tpu.memory_space<hbm>> -> memref<128xi32, #tpu.memory_space<hbm>>
      %dma_wait3A_88 = tpu.memref_slice %arg4[%add3A_17] : memref<640000xi32, #tpu.memory_space<hbm>> -> memref<128xi32, #tpu.memory_space<hbm>>
      tpu.wait_dma2 semaphore(%run_scoped3A : memref<!tpu.dma_semaphore, #tpu.memory_space<semaphore_mem>>) src(%dma_wait3A_88 : memref<128xi32, #tpu.memory_space<hbm>>) dst(%arg11 : memref<128xi32, #tpu.memory_space<vmem>>)
      tpu.yield
    }) : () -> ()
    %dma_start3A = arith.constant 0 : i32
    %dma_start3A_18 = arith.constant 0 : i32
    %dma_start3A_19 = tpu.memref_slice %arg2[%dma_start3A, %dma_start3A_18] : memref<20000x128xf32, #tpu.memory_space<hbm>> -> memref<20000x128xf32, #tpu.memory_space<hbm>>
    tpu.enqueue_indirect_dma source(%dma_start3A_19 : memref<20000x128xf32, #tpu.memory_space<hbm>>) target(%arg14 : memref<128x128xf32, #tpu.memory_space<vmem>>) offsets(%arg10 : memref<128xi32, #tpu.memory_space<vmem>>) semaphore(%arg17 : memref<!tpu.dma_semaphore, #tpu.memory_space<semaphore_mem>>)
    %scan3A = arith.constant 0 : i32
    %scan3A_20 = arith.constant 0 : i32
    %scan3A_21 = arith.constant 78 : i32
    %scan3A_22 = arith.addi %scan3A_20, %scan3A_21 : i32
    %scan3A_23 = arith.constant 1 : i32
    scf.for %scan3A_85 = %scan3A_20 to %scan3A_22 step %scan3A_23  : i32 {
      %gt3A = arith.constant 0 : i32
      %gt3A_86 = arith.cmpi sgt, %scan3A_85, %gt3A : i32
      %convert_element_type3A_87 = arith.extui %gt3A_86 : i1 to i32
      %cond3A_88 = arith.constant 0 : i32
      %cond3A_89 = arith.cmpi ne, %convert_element_type3A_87, %cond3A_88 : i32
      scf.if %cond3A_89 {
        %dma_wait3A_156 = arith.constant 0 : i32
        %dma_wait3A_157 = arith.constant 0 : i32
        %dma_wait3A_158 = tpu.memref_slice %arg9[%dma_wait3A_156, %dma_wait3A_157] : memref<10000x128xf32, #tpu.memory_space<vmem_shared>> -> memref<10000x128xf32, #tpu.memory_space<vmem_shared>>
        tpu.wait_indirect_dma semaphore(%arg20 : memref<!tpu.dma_semaphore, #tpu.memory_space<semaphore_mem>>) src(%arg15 : memref<128x128xf32, #tpu.memory_space<vmem>>) dst(%dma_wait3A_158 : memref<10000x128xf32, #tpu.memory_space<vmem_shared>>)
      } else {
      }
      %mul3A_90 = arith.constant 2 : i32
      %mul3A_91 = arith.muli %mul3A_90, %scan3A_85 : i32
      %add3A_92 = arith.constant 1 : i32
      %add3A_93 = arith.addi %mul3A_91, %add3A_92 : i32
      %mul3A_94 = arith.constant 16 : i32
      %mul3A_95 = arith.muli %add3A_93, %mul3A_94 : i32
      %add3A_96 = arith.addi %arg1, %mul3A_95 : i32
      %mul3A_97 = arith.constant 128 : i32
      %mul3A_98 = arith.muli %add3A_96, %mul3A_97 : i32
      %add3A_99 = arith.addi %mul3A_2, %mul3A_98 : i32
      %dma_start3A_100 = tpu.memref_slice %arg3[%add3A_99] : memref<640000xi32, #tpu.memory_space<hbm>> -> memref<128xi32, #tpu.memory_space<hbm>>
      %dma_start3A_101 = tpu.memref_slice %arg3[%add3A_99] : memref<640000xi32, #tpu.memory_space<hbm>> -> memref<128xi32, #tpu.memory_space<hbm>>
      tpu.enqueue_dma source(%dma_start3A_101 : memref<128xi32, #tpu.memory_space<hbm>>) target(%arg12 : memref<128xi32, #tpu.memory_space<vmem>>) target_semaphore(%arg22 : memref<!tpu.dma_semaphore, #tpu.memory_space<semaphore_mem>>)
      %mul3A_102 = arith.constant 2 : i32
      %mul3A_103 = arith.muli %mul3A_102, %scan3A_85 : i32
      %add3A_104 = arith.constant 1 : i32
      %add3A_105 = arith.addi %mul3A_103, %add3A_104 : i32
      %mul3A_106 = arith.constant 16 : i32
      %mul3A_107 = arith.muli %add3A_105, %mul3A_106 : i32
      %add3A_108 = arith.addi %arg1, %mul3A_107 : i32
      %mul3A_109 = arith.constant 128 : i32
      %mul3A_110 = arith.muli %add3A_108, %mul3A_109 : i32
      %add3A_111 = arith.addi %mul3A_2, %mul3A_110 : i32
      %dma_start3A_112 = tpu.memref_slice %arg4[%add3A_111] : memref<640000xi32, #tpu.memory_space<hbm>> -> memref<128xi32, #tpu.memory_space<hbm>>
      %dma_start3A_113 = tpu.memref_slice %arg4[%add3A_111] : memref<640000xi32, #tpu.memory_space<hbm>> -> memref<128xi32, #tpu.memory_space<hbm>>
      tpu.enqueue_dma source(%dma_start3A_113 : memref<128xi32, #tpu.memory_space<hbm>>) target(%arg13 : memref<128xi32, #tpu.memory_space<vmem>>) target_semaphore(%arg22 : memref<!tpu.dma_semaphore, #tpu.memory_space<semaphore_mem>>)
      %dma_wait3A_114 = arith.constant 0 : i32
      %dma_wait3A_115 = arith.constant 0 : i32
      %dma_wait3A_116 = tpu.memref_slice %arg2[%dma_wait3A_114, %dma_wait3A_115] : memref<20000x128xf32, #tpu.memory_space<hbm>> -> memref<20000x128xf32, #tpu.memory_space<hbm>>
      tpu.wait_indirect_dma semaphore(%arg17 : memref<!tpu.dma_semaphore, #tpu.memory_space<semaphore_mem>>) src(%dma_wait3A_116 : memref<20000x128xf32, #tpu.memory_space<hbm>>) dst(%arg14 : memref<128x128xf32, #tpu.memory_space<vmem>>)
      %add3A_117 = arith.constant 0 : i32
      %add3A_118 = arith.addi %arg1, %add3A_117 : i32
      %mul3A_119 = arith.constant 128 : i32
      %mul3A_120 = arith.muli %add3A_118, %mul3A_119 : i32
      %add3A_121 = arith.addi %mul3A_2, %mul3A_120 : i32
      %dma_wait3A_122 = tpu.memref_slice %arg3[%add3A_121] : memref<640000xi32, #tpu.memory_space<hbm>> -> memref<128xi32, #tpu.memory_space<hbm>>
      %dma_wait3A_123 = tpu.memref_slice %arg3[%add3A_121] : memref<640000xi32, #tpu.memory_space<hbm>> -> memref<128xi32, #tpu.memory_space<hbm>>
      tpu.wait_dma2 semaphore(%arg22 : memref<!tpu.dma_semaphore, #tpu.memory_space<semaphore_mem>>) src(%dma_wait3A_123 : memref<128xi32, #tpu.memory_space<hbm>>) dst(%arg12 : memref<128xi32, #tpu.memory_space<vmem>>)
      %add3A_124 = arith.constant 0 : i32
      %add3A_125 = arith.addi %arg1, %add3A_124 : i32
      %mul3A_126 = arith.constant 128 : i32
      %mul3A_127 = arith.muli %add3A_125, %mul3A_126 : i32
      %add3A_128 = arith.addi %mul3A_2, %mul3A_127 : i32
      %dma_wait3A_129 = tpu.memref_slice %arg4[%add3A_128] : memref<640000xi32, #tpu.memory_space<hbm>> -> memref<128xi32, #tpu.memory_space<hbm>>
      %dma_wait3A_130 = tpu.memref_slice %arg4[%add3A_128] : memref<640000xi32, #tpu.memory_space<hbm>> -> memref<128xi32, #tpu.memory_space<hbm>>
      tpu.wait_dma2 semaphore(%arg22 : memref<!tpu.dma_semaphore, #tpu.memory_space<semaphore_mem>>) src(%dma_wait3A_130 : memref<128xi32, #tpu.memory_space<hbm>>) dst(%arg13 : memref<128xi32, #tpu.memory_space<vmem>>)
      %dma_start3A_131 = arith.constant 0 : i32
      %dma_start3A_132 = arith.constant 0 : i32
      %dma_start3A_133 = tpu.memref_slice %arg2[%dma_start3A_131, %dma_start3A_132] : memref<20000x128xf32, #tpu.memory_space<hbm>> -> memref<20000x128xf32, #tpu.memory_space<hbm>>
      tpu.enqueue_indirect_dma source(%dma_start3A_133 : memref<20000x128xf32, #tpu.memory_space<hbm>>) target(%arg15 : memref<128x128xf32, #tpu.memory_space<vmem>>) offsets(%arg12 : memref<128xi32, #tpu.memory_space<vmem>>) semaphore(%arg18 : memref<!tpu.dma_semaphore, #tpu.memory_space<semaphore_mem>>)
      %dma_start3A_134 = arith.constant 0 : i32
      %dma_start3A_135 = arith.constant 0 : i32
      %dma_start3A_136 = tpu.memref_slice %arg9[%dma_start3A_134, %dma_start3A_135] : memref<10000x128xf32, #tpu.memory_space<vmem_shared>> -> memref<10000x128xf32, #tpu.memory_space<vmem_shared>>
      tpu.enqueue_indirect_dma source(%arg14 : memref<128x128xf32, #tpu.memory_space<vmem>>) target(%dma_start3A_136 : memref<10000x128xf32, #tpu.memory_space<vmem_shared>>) offsets(%arg11 : memref<128xi32, #tpu.memory_space<vmem>>) semaphore(%arg19 : memref<!tpu.dma_semaphore, #tpu.memory_space<semaphore_mem>>) {add = true}
      %dma_wait3A_137 = arith.constant 0 : i32
      %dma_wait3A_138 = arith.constant 0 : i32
      %dma_wait3A_139 = tpu.memref_slice %arg9[%dma_wait3A_137, %dma_wait3A_138] : memref<10000x128xf32, #tpu.memory_space<vmem_shared>> -> memref<10000x128xf32, #tpu.memory_space<vmem_shared>>
      tpu.wait_indirect_dma semaphore(%arg19 : memref<!tpu.dma_semaphore, #tpu.memory_space<semaphore_mem>>) src(%arg14 : memref<128x128xf32, #tpu.memory_space<vmem>>) dst(%dma_wait3A_139 : memref<10000x128xf32, #tpu.memory_space<vmem_shared>>)
      %lt3A_140 = arith.constant 77 : i32
      %lt3A_141 = arith.cmpi slt, %scan3A_85, %lt3A_140 : i32
      %convert_element_type3A_142 = arith.extui %lt3A_141 : i1 to i32
      %cond3A_143 = arith.constant 0 : i32
      %cond3A_144 = arith.cmpi ne, %convert_element_type3A_142, %cond3A_143 : i32
      scf.if %cond3A_144 {
        %mul3A_156 = arith.constant 2 : i32
        %mul3A_157 = arith.muli %mul3A_156, %scan3A_85 : i32
        %add3A_158 = arith.constant 2 : i32
        %add3A_159 = arith.addi %mul3A_157, %add3A_158 : i32
        %mul3A_160 = arith.constant 16 : i32
        %mul3A_161 = arith.muli %add3A_159, %mul3A_160 : i32
        %add3A_162 = arith.addi %arg1, %mul3A_161 : i32
        %mul3A_163 = arith.constant 128 : i32
        %mul3A_164 = arith.muli %add3A_162, %mul3A_163 : i32
        %add3A_165 = arith.addi %mul3A_2, %mul3A_164 : i32
        %dma_start3A_166 = tpu.memref_slice %arg3[%add3A_165] : memref<640000xi32, #tpu.memory_space<hbm>> -> memref<128xi32, #tpu.memory_space<hbm>>
        %dma_start3A_167 = tpu.memref_slice %arg3[%add3A_165] : memref<640000xi32, #tpu.memory_space<hbm>> -> memref<128xi32, #tpu.memory_space<hbm>>
        tpu.enqueue_dma source(%dma_start3A_167 : memref<128xi32, #tpu.memory_space<hbm>>) target(%arg10 : memref<128xi32, #tpu.memory_space<vmem>>) target_semaphore(%arg21 : memref<!tpu.dma_semaphore, #tpu.memory_space<semaphore_mem>>)
        %mul3A_168 = arith.constant 2 : i32
        %mul3A_169 = arith.muli %mul3A_168, %scan3A_85 : i32
        %add3A_170 = arith.constant 2 : i32
        %add3A_171 = arith.addi %mul3A_169, %add3A_170 : i32
        %mul3A_172 = arith.constant 16 : i32
        %mul3A_173 = arith.muli %add3A_171, %mul3A_172 : i32
        %add3A_174 = arith.addi %arg1, %mul3A_173 : i32
        %mul3A_175 = arith.constant 128 : i32
        %mul3A_176 = arith.muli %add3A_174, %mul3A_175 : i32
        %add3A_177 = arith.addi %mul3A_2, %mul3A_176 : i32
        %dma_start3A_178 = tpu.memref_slice %arg4[%add3A_177] : memref<640000xi32, #tpu.memory_space<hbm>> -> memref<128xi32, #tpu.memory_space<hbm>>
        %dma_start3A_179 = tpu.memref_slice %arg4[%add3A_177] : memref<640000xi32, #tpu.memory_space<hbm>> -> memref<128xi32, #tpu.memory_space<hbm>>
        tpu.enqueue_dma source(%dma_start3A_179 : memref<128xi32, #tpu.memory_space<hbm>>) target(%arg11 : memref<128xi32, #tpu.memory_space<vmem>>) target_semaphore(%arg21 : memref<!tpu.dma_semaphore, #tpu.memory_space<semaphore_mem>>)
      } else {
      }
      %dma_wait3A_145 = arith.constant 0 : i32
      %dma_wait3A_146 = arith.constant 0 : i32
      %dma_wait3A_147 = tpu.memref_slice %arg2[%dma_wait3A_145, %dma_wait3A_146] : memref<20000x128xf32, #tpu.memory_space<hbm>> -> memref<20000x128xf32, #tpu.memory_space<hbm>>
      tpu.wait_indirect_dma semaphore(%arg18 : memref<!tpu.dma_semaphore, #tpu.memory_space<semaphore_mem>>) src(%dma_wait3A_147 : memref<20000x128xf32, #tpu.memory_space<hbm>>) dst(%arg15 : memref<128x128xf32, #tpu.memory_space<vmem>>)
      %dma_start3A_148 = arith.constant 0 : i32
      %dma_start3A_149 = arith.constant 0 : i32
      %dma_start3A_150 = tpu.memref_slice %arg9[%dma_start3A_148, %dma_start3A_149] : memref<10000x128xf32, #tpu.memory_space<vmem_shared>> -> memref<10000x128xf32, #tpu.memory_space<vmem_shared>>
      tpu.enqueue_indirect_dma source(%arg15 : memref<128x128xf32, #tpu.memory_space<vmem>>) target(%dma_start3A_150 : memref<10000x128xf32, #tpu.memory_space<vmem_shared>>) offsets(%arg13 : memref<128xi32, #tpu.memory_space<vmem>>) semaphore(%arg20 : memref<!tpu.dma_semaphore, #tpu.memory_space<semaphore_mem>>) {add = true}
      %lt3A_151 = arith.constant 77 : i32
      %lt3A_152 = arith.cmpi slt, %scan3A_85, %lt3A_151 : i32
      %convert_element_type3A_153 = arith.extui %lt3A_152 : i1 to i32
      %cond3A_154 = arith.constant 0 : i32
      %cond3A_155 = arith.cmpi ne, %convert_element_type3A_153, %cond3A_154 : i32
      scf.if %cond3A_155 {
        %add3A_156 = arith.constant 0 : i32
        %add3A_157 = arith.addi %arg1, %add3A_156 : i32
        %mul3A_158 = arith.constant 128 : i32
        %mul3A_159 = arith.muli %add3A_157, %mul3A_158 : i32
        %add3A_160 = arith.addi %mul3A_2, %mul3A_159 : i32
        %dma_wait3A_161 = tpu.memref_slice %arg3[%add3A_160] : memref<640000xi32, #tpu.memory_space<hbm>> -> memref<128xi32, #tpu.memory_space<hbm>>
        %dma_wait3A_162 = tpu.memref_slice %arg3[%add3A_160] : memref<640000xi32, #tpu.memory_space<hbm>> -> memref<128xi32, #tpu.memory_space<hbm>>
        tpu.wait_dma2 semaphore(%arg21 : memref<!tpu.dma_semaphore, #tpu.memory_space<semaphore_mem>>) src(%dma_wait3A_162 : memref<128xi32, #tpu.memory_space<hbm>>) dst(%arg10 : memref<128xi32, #tpu.memory_space<vmem>>)
        %add3A_163 = arith.constant 0 : i32
        %add3A_164 = arith.addi %arg1, %add3A_163 : i32
        %mul3A_165 = arith.constant 128 : i32
        %mul3A_166 = arith.muli %add3A_164, %mul3A_165 : i32
        %add3A_167 = arith.addi %mul3A_2, %mul3A_166 : i32
        %dma_wait3A_168 = tpu.memref_slice %arg4[%add3A_167] : memref<640000xi32, #tpu.memory_space<hbm>> -> memref<128xi32, #tpu.memory_space<hbm>>
        %dma_wait3A_169 = tpu.memref_slice %arg4[%add3A_167] : memref<640000xi32, #tpu.memory_space<hbm>> -> memref<128xi32, #tpu.memory_space<hbm>>
        tpu.wait_dma2 semaphore(%arg21 : memref<!tpu.dma_semaphore, #tpu.memory_space<semaphore_mem>>) src(%dma_wait3A_169 : memref<128xi32, #tpu.memory_space<hbm>>) dst(%arg11 : memref<128xi32, #tpu.memory_space<vmem>>)
        %dma_start3A_170 = arith.constant 0 : i32
        %dma_start3A_171 = arith.constant 0 : i32
        %dma_start3A_172 = tpu.memref_slice %arg2[%dma_start3A_170, %dma_start3A_171] : memref<20000x128xf32, #tpu.memory_space<hbm>> -> memref<20000x128xf32, #tpu.memory_space<hbm>>
        tpu.enqueue_indirect_dma source(%dma_start3A_172 : memref<20000x128xf32, #tpu.memory_space<hbm>>) target(%arg14 : memref<128x128xf32, #tpu.memory_space<vmem>>) offsets(%arg10 : memref<128xi32, #tpu.memory_space<vmem>>) semaphore(%arg17 : memref<!tpu.dma_semaphore, #tpu.memory_space<semaphore_mem>>)
      } else {
      }
    }
    %scan3A_24 = arith.constant 78 : i32
    %dma_wait3A = arith.constant 0 : i32
    %dma_wait3A_25 = arith.constant 0 : i32
    %dma_wait3A_26 = tpu.memref_slice %arg9[%dma_wait3A, %dma_wait3A_25] : memref<10000x128xf32, #tpu.memory_space<vmem_shared>> -> memref<10000x128xf32, #tpu.memory_space<vmem_shared>>
    tpu.wait_indirect_dma semaphore(%arg20 : memref<!tpu.dma_semaphore, #tpu.memory_space<semaphore_mem>>) src(%arg15 : memref<128x128xf32, #tpu.memory_space<vmem>>) dst(%dma_wait3A_26 : memref<10000x128xf32, #tpu.memory_space<vmem_shared>>)
    %lt3A_27 = arith.constant 4 : i32
    %lt3A_28 = arith.cmpi slt, %arg1, %lt3A_27 : i32
    %convert_element_type3A_29 = arith.extui %lt3A_28 : i1 to i32
    %cond3A_30 = arith.constant 0 : i32
    %cond3A_31 = arith.cmpi ne, %convert_element_type3A_29, %cond3A_30 : i32
    scf.if %cond3A_31 {
      %add3A_85 = arith.constant 2496 : i32
      %add3A_86 = arith.addi %add3A_85, %arg1 : i32
      %mul3A_87 = arith.constant 128 : i32
      %mul3A_88 = arith.muli %add3A_86, %mul3A_87 : i32
      %add3A_89 = arith.addi %mul3A_2, %mul3A_88 : i32
      "tpu.region"() ({
        %run_scoped3A = tpu.sem_alloc : memref<!tpu.dma_semaphore, #tpu.memory_space<semaphore_mem>>
        %dma_start3A_96 = tpu.memref_slice %arg3[%add3A_89] : memref<640000xi32, #tpu.memory_space<hbm>> -> memref<128xi32, #tpu.memory_space<hbm>>
        %dma_start3A_97 = tpu.memref_slice %arg3[%add3A_89] : memref<640000xi32, #tpu.memory_space<hbm>> -> memref<128xi32, #tpu.memory_space<hbm>>
        tpu.enqueue_dma source(%dma_start3A_97 : memref<128xi32, #tpu.memory_space<hbm>>) target(%arg10 : memref<128xi32, #tpu.memory_space<vmem>>) target_semaphore(%run_scoped3A : memref<!tpu.dma_semaphore, #tpu.memory_space<semaphore_mem>>)
        %dma_wait3A_98 = tpu.memref_slice %arg3[%add3A_89] : memref<640000xi32, #tpu.memory_space<hbm>> -> memref<128xi32, #tpu.memory_space<hbm>>
        %dma_wait3A_99 = tpu.memref_slice %arg3[%add3A_89] : memref<640000xi32, #tpu.memory_space<hbm>> -> memref<128xi32, #tpu.memory_space<hbm>>
        tpu.wait_dma2 semaphore(%run_scoped3A : memref<!tpu.dma_semaphore, #tpu.memory_space<semaphore_mem>>) src(%dma_wait3A_99 : memref<128xi32, #tpu.memory_space<hbm>>) dst(%arg10 : memref<128xi32, #tpu.memory_space<vmem>>)
        tpu.yield
      }) : () -> ()
      "tpu.region"() ({
        %run_scoped3A = tpu.sem_alloc : memref<!tpu.dma_semaphore, #tpu.memory_space<semaphore_mem>>
        %dma_start3A_96 = tpu.memref_slice %arg4[%add3A_89] : memref<640000xi32, #tpu.memory_space<hbm>> -> memref<128xi32, #tpu.memory_space<hbm>>
        %dma_start3A_97 = tpu.memref_slice %arg4[%add3A_89] : memref<640000xi32, #tpu.memory_space<hbm>> -> memref<128xi32, #tpu.memory_space<hbm>>
        tpu.enqueue_dma source(%dma_start3A_97 : memref<128xi32, #tpu.memory_space<hbm>>) target(%arg11 : memref<128xi32, #tpu.memory_space<vmem>>) target_semaphore(%run_scoped3A : memref<!tpu.dma_semaphore, #tpu.memory_space<semaphore_mem>>)
        %dma_wait3A_98 = tpu.memref_slice %arg4[%add3A_89] : memref<640000xi32, #tpu.memory_space<hbm>> -> memref<128xi32, #tpu.memory_space<hbm>>
        %dma_wait3A_99 = tpu.memref_slice %arg4[%add3A_89] : memref<640000xi32, #tpu.memory_space<hbm>> -> memref<128xi32, #tpu.memory_space<hbm>>
        tpu.wait_dma2 semaphore(%run_scoped3A : memref<!tpu.dma_semaphore, #tpu.memory_space<semaphore_mem>>) src(%dma_wait3A_99 : memref<128xi32, #tpu.memory_space<hbm>>) dst(%arg11 : memref<128xi32, #tpu.memory_space<vmem>>)
        tpu.yield
      }) : () -> ()
      %dma_start3A_90 = arith.constant 0 : i32
      %dma_start3A_91 = arith.constant 0 : i32
      %dma_start3A_92 = tpu.memref_slice %arg2[%dma_start3A_90, %dma_start3A_91] : memref<20000x128xf32, #tpu.memory_space<hbm>> -> memref<20000x128xf32, #tpu.memory_space<hbm>>
      tpu.enqueue_indirect_dma source(%dma_start3A_92 : memref<20000x128xf32, #tpu.memory_space<hbm>>) target(%arg14 : memref<128x128xf32, #tpu.memory_space<vmem>>) offsets(%arg10 : memref<128xi32, #tpu.memory_space<vmem>>) semaphore(%arg23 : memref<!tpu.dma_semaphore, #tpu.memory_space<semaphore_mem>>)
      %dma_wait3A_93 = arith.constant 0 : i32
      %dma_wait3A_94 = arith.constant 0 : i32
      %dma_wait3A_95 = tpu.memref_slice %arg2[%dma_wait3A_93, %dma_wait3A_94] : memref<20000x128xf32, #tpu.memory_space<hbm>> -> memref<20000x128xf32, #tpu.memory_space<hbm>>
      tpu.wait_indirect_dma semaphore(%arg23 : memref<!tpu.dma_semaphore, #tpu.memory_space<semaphore_mem>>) src(%dma_wait3A_95 : memref<20000x128xf32, #tpu.memory_space<hbm>>) dst(%arg14 : memref<128x128xf32, #tpu.memory_space<vmem>>)
      "tpu.region"() ({
        %run_scoped3A = tpu.sem_alloc : memref<!tpu.dma_semaphore, #tpu.memory_space<semaphore_mem>>
        %dma_start3A_96 = arith.constant 0 : i32
        %dma_start3A_97 = arith.constant 0 : i32
        %dma_start3A_98 = tpu.memref_slice %arg9[%dma_start3A_96, %dma_start3A_97] : memref<10000x128xf32, #tpu.memory_space<vmem_shared>> -> memref<10000x128xf32, #tpu.memory_space<vmem_shared>>
        tpu.enqueue_indirect_dma source(%arg14 : memref<128x128xf32, #tpu.memory_space<vmem>>) target(%dma_start3A_98 : memref<10000x128xf32, #tpu.memory_space<vmem_shared>>) offsets(%arg11 : memref<128xi32, #tpu.memory_space<vmem>>) semaphore(%run_scoped3A : memref<!tpu.dma_semaphore, #tpu.memory_space<semaphore_mem>>) {add = true}
        %dma_wait3A_99 = arith.constant 0 : i32
        %dma_wait3A_100 = arith.constant 0 : i32
        %dma_wait3A_101 = tpu.memref_slice %arg9[%dma_wait3A_99, %dma_wait3A_100] : memref<10000x128xf32, #tpu.memory_space<vmem_shared>> -> memref<10000x128xf32, #tpu.memory_space<vmem_shared>>
        tpu.wait_indirect_dma semaphore(%run_scoped3A : memref<!tpu.dma_semaphore, #tpu.memory_space<semaphore_mem>>) src(%arg14 : memref<128x128xf32, #tpu.memory_space<vmem>>) dst(%dma_wait3A_101 : memref<10000x128xf32, #tpu.memory_space<vmem_shared>>)
        tpu.yield
      }) : () -> ()
    } else {
    }
    %barrier3A_32 = arith.constant 0 : index
    tpu.barrier barrier_id(%barrier3A_32)
    %lt3A_33 = arith.constant 15 : i32
    %lt3A_34 = arith.cmpi slt, %arg1, %lt3A_33 : i32
    %convert_element_type3A_35 = arith.extui %lt3A_34 : i1 to i32
    %cond3A_36 = arith.constant 0 : i32
    %cond3A_37 = arith.cmpi ne, %convert_element_type3A_35, %cond3A_36 : i32
    scf.if %cond3A_37 {
      %mul3A_85 = arith.constant 10000 : i32
      %mul3A_86 = arith.muli %arg0, %mul3A_85 : i32
      %add3A_87 = arith.addi %mul3A_86, %mul3A_0 : i32
      "tpu.region"() ({
        %run_scoped3A = tpu.sem_alloc : memref<!tpu.dma_semaphore, #tpu.memory_space<semaphore_mem>>
        %dma_start3A_88 = arith.constant 0 : i32
        %dma_start3A_89 = tpu.memref_slice %arg7[%add3A_87, %dma_start3A_88] : memref<20000x128xf32, #tpu.memory_space<hbm>> -> memref<640x128xf32, #tpu.memory_space<hbm>>
        %dma_start3A_90 = arith.constant 0 : i32
        %dma_start3A_91 = tpu.memref_slice %arg9[%mul3A_0, %dma_start3A_90] : memref<10000x128xf32, #tpu.memory_space<vmem_shared>> -> memref<640x128xf32, #tpu.memory_space<vmem_shared>>
        tpu.enqueue_dma source(%dma_start3A_91 : memref<640x128xf32, #tpu.memory_space<vmem_shared>>) target(%dma_start3A_89 : memref<640x128xf32, #tpu.memory_space<hbm>>) target_semaphore(%run_scoped3A : memref<!tpu.dma_semaphore, #tpu.memory_space<semaphore_mem>>)
        %dma_wait3A_92 = arith.constant 0 : i32
        %dma_wait3A_93 = tpu.memref_slice %arg7[%add3A_87, %dma_wait3A_92] : memref<20000x128xf32, #tpu.memory_space<hbm>> -> memref<640x128xf32, #tpu.memory_space<hbm>>
        %dma_wait3A_94 = arith.constant 0 : i32
        %dma_wait3A_95 = tpu.memref_slice %arg9[%mul3A_0, %dma_wait3A_94] : memref<10000x128xf32, #tpu.memory_space<vmem_shared>> -> memref<640x128xf32, #tpu.memory_space<vmem_shared>>
        tpu.wait_dma2 semaphore(%run_scoped3A : memref<!tpu.dma_semaphore, #tpu.memory_space<semaphore_mem>>) src(%dma_wait3A_95 : memref<640x128xf32, #tpu.memory_space<vmem_shared>>) dst(%dma_wait3A_93 : memref<640x128xf32, #tpu.memory_space<hbm>>)
        tpu.yield
      }) : () -> ()
    } else {
    }
    %eq3A_38 = arith.constant 15 : i32
    %eq3A_39 = arith.cmpi eq, %arg1, %eq3A_38 : i32
    %convert_element_type3A_40 = arith.extui %eq3A_39 : i1 to i32
    %cond3A_41 = arith.constant 0 : i32
    %cond3A_42 = arith.cmpi ne, %convert_element_type3A_40, %cond3A_41 : i32
    scf.if %cond3A_42 {
      %mul3A_85 = arith.constant 10000 : i32
      %mul3A_86 = arith.muli %arg0, %mul3A_85 : i32
      %add3A_87 = arith.addi %mul3A_86, %mul3A_0 : i32
      "tpu.region"() ({
        %run_scoped3A = tpu.sem_alloc : memref<!tpu.dma_semaphore, #tpu.memory_space<semaphore_mem>>
        %dma_start3A_88 = arith.constant 0 : i32
        %dma_start3A_89 = tpu.memref_slice %arg7[%add3A_87, %dma_start3A_88] : memref<20000x128xf32, #tpu.memory_space<hbm>> -> memref<400x128xf32, #tpu.memory_space<hbm>>
        %dma_start3A_90 = arith.constant 0 : i32
        %dma_start3A_91 = tpu.memref_slice %arg9[%mul3A_0, %dma_start3A_90] : memref<10000x128xf32, #tpu.memory_space<vmem_shared>> -> memref<400x128xf32, #tpu.memory_space<vmem_shared>>
        tpu.enqueue_dma source(%dma_start3A_91 : memref<400x128xf32, #tpu.memory_space<vmem_shared>>) target(%dma_start3A_89 : memref<400x128xf32, #tpu.memory_space<hbm>>) target_semaphore(%run_scoped3A : memref<!tpu.dma_semaphore, #tpu.memory_space<semaphore_mem>>)
        %dma_wait3A_92 = arith.constant 0 : i32
        %dma_wait3A_93 = tpu.memref_slice %arg7[%add3A_87, %dma_wait3A_92] : memref<20000x128xf32, #tpu.memory_space<hbm>> -> memref<400x128xf32, #tpu.memory_space<hbm>>
        %dma_wait3A_94 = arith.constant 0 : i32
        %dma_wait3A_95 = tpu.memref_slice %arg9[%mul3A_0, %dma_wait3A_94] : memref<10000x128xf32, #tpu.memory_space<vmem_shared>> -> memref<400x128xf32, #tpu.memory_space<vmem_shared>>
        tpu.wait_dma2 semaphore(%run_scoped3A : memref<!tpu.dma_semaphore, #tpu.memory_space<semaphore_mem>>) src(%dma_wait3A_95 : memref<400x128xf32, #tpu.memory_space<vmem_shared>>) dst(%dma_wait3A_93 : memref<400x128xf32, #tpu.memory_space<hbm>>)
        tpu.yield
      }) : () -> ()
    } else {
    }
    %barrier3A_43 = arith.constant 0 : index
    tpu.barrier barrier_id(%barrier3A_43)
    %lt3A_44 = arith.constant 15 : i32
    %lt3A_45 = arith.cmpi slt, %arg1, %lt3A_44 : i32
    %convert_element_type3A_46 = arith.extui %lt3A_45 : i1 to i32
    %cond3A_47 = arith.constant 0 : i32
    %cond3A_48 = arith.cmpi ne, %convert_element_type3A_46, %cond3A_47 : i32
    scf.if %cond3A_48 {
      "tpu.region"() ({
        %run_scoped3A = tpu.sem_alloc : memref<!tpu.dma_semaphore, #tpu.memory_space<semaphore_mem>>
        %dma_start3A_85 = arith.constant 0 : i32
        %dma_start3A_86 = tpu.memref_slice %arg9[%mul3A_0, %dma_start3A_85] : memref<10000x128xf32, #tpu.memory_space<vmem_shared>> -> memref<640x128xf32, #tpu.memory_space<vmem_shared>>
        %dma_start3A_87 = arith.constant 0 : i32
        %dma_start3A_88 = tpu.memref_slice %arg6[%mul3A_0, %dma_start3A_87] : memref<10000x128xf32, #tpu.memory_space<hbm>> -> memref<640x128xf32, #tpu.memory_space<hbm>>
        tpu.enqueue_dma source(%dma_start3A_88 : memref<640x128xf32, #tpu.memory_space<hbm>>) target(%dma_start3A_86 : memref<640x128xf32, #tpu.memory_space<vmem_shared>>) target_semaphore(%run_scoped3A : memref<!tpu.dma_semaphore, #tpu.memory_space<semaphore_mem>>)
        %dma_wait3A_89 = arith.constant 0 : i32
        %dma_wait3A_90 = tpu.memref_slice %arg9[%mul3A_0, %dma_wait3A_89] : memref<10000x128xf32, #tpu.memory_space<vmem_shared>> -> memref<640x128xf32, #tpu.memory_space<vmem_shared>>
        %dma_wait3A_91 = arith.constant 0 : i32
        %dma_wait3A_92 = tpu.memref_slice %arg6[%mul3A_0, %dma_wait3A_91] : memref<10000x128xf32, #tpu.memory_space<hbm>> -> memref<640x128xf32, #tpu.memory_space<hbm>>
        tpu.wait_dma2 semaphore(%run_scoped3A : memref<!tpu.dma_semaphore, #tpu.memory_space<semaphore_mem>>) src(%dma_wait3A_92 : memref<640x128xf32, #tpu.memory_space<hbm>>) dst(%dma_wait3A_90 : memref<640x128xf32, #tpu.memory_space<vmem_shared>>)
        tpu.yield
      }) : () -> ()
    } else {
    }
    %eq3A_49 = arith.constant 15 : i32
    %eq3A_50 = arith.cmpi eq, %arg1, %eq3A_49 : i32
    %convert_element_type3A_51 = arith.extui %eq3A_50 : i1 to i32
    %cond3A_52 = arith.constant 0 : i32
    %cond3A_53 = arith.cmpi ne, %convert_element_type3A_51, %cond3A_52 : i32
    scf.if %cond3A_53 {
      "tpu.region"() ({
        %run_scoped3A = tpu.sem_alloc : memref<!tpu.dma_semaphore, #tpu.memory_space<semaphore_mem>>
        %dma_start3A_85 = arith.constant 0 : i32
        %dma_start3A_86 = tpu.memref_slice %arg9[%mul3A_0, %dma_start3A_85] : memref<10000x128xf32, #tpu.memory_space<vmem_shared>> -> memref<400x128xf32, #tpu.memory_space<vmem_shared>>
        %dma_start3A_87 = arith.constant 0 : i32
        %dma_start3A_88 = tpu.memref_slice %arg6[%mul3A_0, %dma_start3A_87] : memref<10000x128xf32, #tpu.memory_space<hbm>> -> memref<400x128xf32, #tpu.memory_space<hbm>>
        tpu.enqueue_dma source(%dma_start3A_88 : memref<400x128xf32, #tpu.memory_space<hbm>>) target(%dma_start3A_86 : memref<400x128xf32, #tpu.memory_space<vmem_shared>>) target_semaphore(%run_scoped3A : memref<!tpu.dma_semaphore, #tpu.memory_space<semaphore_mem>>)
        %dma_wait3A_89 = arith.constant 0 : i32
        %dma_wait3A_90 = tpu.memref_slice %arg9[%mul3A_0, %dma_wait3A_89] : memref<10000x128xf32, #tpu.memory_space<vmem_shared>> -> memref<400x128xf32, #tpu.memory_space<vmem_shared>>
        %dma_wait3A_91 = arith.constant 0 : i32
        %dma_wait3A_92 = tpu.memref_slice %arg6[%mul3A_0, %dma_wait3A_91] : memref<10000x128xf32, #tpu.memory_space<hbm>> -> memref<400x128xf32, #tpu.memory_space<hbm>>
        tpu.wait_dma2 semaphore(%run_scoped3A : memref<!tpu.dma_semaphore, #tpu.memory_space<semaphore_mem>>) src(%dma_wait3A_92 : memref<400x128xf32, #tpu.memory_space<hbm>>) dst(%dma_wait3A_90 : memref<400x128xf32, #tpu.memory_space<vmem_shared>>)
        tpu.yield
      }) : () -> ()
    } else {
    }
    %barrier3A_54 = arith.constant 0 : index
    tpu.barrier barrier_id(%barrier3A_54)
    %add3A_55 = arith.constant 0 : i32
    %add3A_56 = arith.addi %arg1, %add3A_55 : i32
    %mul3A_57 = arith.constant 128 : i32
    %mul3A_58 = arith.muli %add3A_56, %mul3A_57 : i32
    %add3A_59 = arith.addi %mul3A_2, %mul3A_58 : i32
    "tpu.region"() ({
      %run_scoped3A = tpu.sem_alloc : memref<!tpu.dma_semaphore, #tpu.memory_space<semaphore_mem>>
      %dma_start3A_85 = tpu.memref_slice %arg4[%add3A_59] : memref<640000xi32, #tpu.memory_space<hbm>> -> memref<128xi32, #tpu.memory_space<hbm>>
      %dma_start3A_86 = tpu.memref_slice %arg4[%add3A_59] : memref<640000xi32, #tpu.memory_space<hbm>> -> memref<128xi32, #tpu.memory_space<hbm>>
      tpu.enqueue_dma source(%dma_start3A_86 : memref<128xi32, #tpu.memory_space<hbm>>) target(%arg11 : memref<128xi32, #tpu.memory_space<vmem>>) target_semaphore(%run_scoped3A : memref<!tpu.dma_semaphore, #tpu.memory_space<semaphore_mem>>)
      %dma_wait3A_87 = tpu.memref_slice %arg4[%add3A_59] : memref<640000xi32, #tpu.memory_space<hbm>> -> memref<128xi32, #tpu.memory_space<hbm>>
      %dma_wait3A_88 = tpu.memref_slice %arg4[%add3A_59] : memref<640000xi32, #tpu.memory_space<hbm>> -> memref<128xi32, #tpu.memory_space<hbm>>
      tpu.wait_dma2 semaphore(%run_scoped3A : memref<!tpu.dma_semaphore, #tpu.memory_space<semaphore_mem>>) src(%dma_wait3A_88 : memref<128xi32, #tpu.memory_space<hbm>>) dst(%arg11 : memref<128xi32, #tpu.memory_space<vmem>>)
      tpu.yield
    }) : () -> ()
    %scan3A_60 = arith.constant 0 : i32
    %scan3A_61 = arith.constant 0 : i32
    %scan3A_62 = arith.constant 78 : i32
    %scan3A_63 = arith.addi %scan3A_61, %scan3A_62 : i32
    %scan3A_64 = arith.constant 1 : i32
    scf.for %scan3A_85 = %scan3A_61 to %scan3A_63 step %scan3A_64  : i32 {
      %dma_start3A_86 = arith.constant 0 : i32
      %dma_start3A_87 = arith.constant 0 : i32
      %dma_start3A_88 = tpu.memref_slice %arg9[%dma_start3A_86, %dma_start3A_87] : memref<10000x128xf32, #tpu.memory_space<vmem_shared>> -> memref<10000x128xf32, #tpu.memory_space<vmem_shared>>
      tpu.enqueue_indirect_dma source(%arg16 : memref<128x128xf32, #tpu.memory_space<vmem>>) target(%dma_start3A_88 : memref<10000x128xf32, #tpu.memory_space<vmem_shared>>) offsets(%arg11 : memref<128xi32, #tpu.memory_space<vmem>>) semaphore(%arg19 : memref<!tpu.dma_semaphore, #tpu.memory_space<semaphore_mem>>) {add = true}
      %gt3A = arith.constant 0 : i32
      %gt3A_89 = arith.cmpi sgt, %scan3A_85, %gt3A : i32
      %convert_element_type3A_90 = arith.extui %gt3A_89 : i1 to i32
      %cond3A_91 = arith.constant 0 : i32
      %cond3A_92 = arith.cmpi ne, %convert_element_type3A_90, %cond3A_91 : i32
      scf.if %cond3A_92 {
        %dma_wait3A_123 = arith.constant 0 : i32
        %dma_wait3A_124 = arith.constant 0 : i32
        %dma_wait3A_125 = tpu.memref_slice %arg9[%dma_wait3A_123, %dma_wait3A_124] : memref<10000x128xf32, #tpu.memory_space<vmem_shared>> -> memref<10000x128xf32, #tpu.memory_space<vmem_shared>>
        tpu.wait_indirect_dma semaphore(%arg20 : memref<!tpu.dma_semaphore, #tpu.memory_space<semaphore_mem>>) src(%arg16 : memref<128x128xf32, #tpu.memory_space<vmem>>) dst(%dma_wait3A_125 : memref<10000x128xf32, #tpu.memory_space<vmem_shared>>)
      } else {
      }
      %mul3A_93 = arith.constant 2 : i32
      %mul3A_94 = arith.muli %mul3A_93, %scan3A_85 : i32
      %add3A_95 = arith.constant 1 : i32
      %add3A_96 = arith.addi %mul3A_94, %add3A_95 : i32
      %mul3A_97 = arith.constant 16 : i32
      %mul3A_98 = arith.muli %add3A_96, %mul3A_97 : i32
      %add3A_99 = arith.addi %arg1, %mul3A_98 : i32
      %mul3A_100 = arith.constant 128 : i32
      %mul3A_101 = arith.muli %add3A_99, %mul3A_100 : i32
      %add3A_102 = arith.addi %mul3A_2, %mul3A_101 : i32
      %dma_start3A_103 = tpu.memref_slice %arg4[%add3A_102] : memref<640000xi32, #tpu.memory_space<hbm>> -> memref<128xi32, #tpu.memory_space<hbm>>
      %dma_start3A_104 = tpu.memref_slice %arg4[%add3A_102] : memref<640000xi32, #tpu.memory_space<hbm>> -> memref<128xi32, #tpu.memory_space<hbm>>
      tpu.enqueue_dma source(%dma_start3A_104 : memref<128xi32, #tpu.memory_space<hbm>>) target(%arg13 : memref<128xi32, #tpu.memory_space<vmem>>) target_semaphore(%arg22 : memref<!tpu.dma_semaphore, #tpu.memory_space<semaphore_mem>>)
      %add3A_105 = arith.constant 0 : i32
      %add3A_106 = arith.addi %arg1, %add3A_105 : i32
      %mul3A_107 = arith.constant 128 : i32
      %mul3A_108 = arith.muli %add3A_106, %mul3A_107 : i32
      %add3A_109 = arith.addi %mul3A_2, %mul3A_108 : i32
      %dma_wait3A_110 = tpu.memref_slice %arg4[%add3A_109] : memref<640000xi32, #tpu.memory_space<hbm>> -> memref<128xi32, #tpu.memory_space<hbm>>
      %dma_wait3A_111 = tpu.memref_slice %arg4[%add3A_109] : memref<640000xi32, #tpu.memory_space<hbm>> -> memref<128xi32, #tpu.memory_space<hbm>>
      tpu.wait_dma2 semaphore(%arg22 : memref<!tpu.dma_semaphore, #tpu.memory_space<semaphore_mem>>) src(%dma_wait3A_111 : memref<128xi32, #tpu.memory_space<hbm>>) dst(%arg13 : memref<128xi32, #tpu.memory_space<vmem>>)
      %dma_start3A_112 = arith.constant 0 : i32
      %dma_start3A_113 = arith.constant 0 : i32
      %dma_start3A_114 = tpu.memref_slice %arg9[%dma_start3A_112, %dma_start3A_113] : memref<10000x128xf32, #tpu.memory_space<vmem_shared>> -> memref<10000x128xf32, #tpu.memory_space<vmem_shared>>
      tpu.enqueue_indirect_dma source(%arg16 : memref<128x128xf32, #tpu.memory_space<vmem>>) target(%dma_start3A_114 : memref<10000x128xf32, #tpu.memory_space<vmem_shared>>) offsets(%arg13 : memref<128xi32, #tpu.memory_space<vmem>>) semaphore(%arg20 : memref<!tpu.dma_semaphore, #tpu.memory_space<semaphore_mem>>) {add = true}
      %dma_wait3A_115 = arith.constant 0 : i32
      %dma_wait3A_116 = arith.constant 0 : i32
      %dma_wait3A_117 = tpu.memref_slice %arg9[%dma_wait3A_115, %dma_wait3A_116] : memref<10000x128xf32, #tpu.memory_space<vmem_shared>> -> memref<10000x128xf32, #tpu.memory_space<vmem_shared>>
      tpu.wait_indirect_dma semaphore(%arg19 : memref<!tpu.dma_semaphore, #tpu.memory_space<semaphore_mem>>) src(%arg16 : memref<128x128xf32, #tpu.memory_space<vmem>>) dst(%dma_wait3A_117 : memref<10000x128xf32, #tpu.memory_space<vmem_shared>>)
      %lt3A_118 = arith.constant 77 : i32
      %lt3A_119 = arith.cmpi slt, %scan3A_85, %lt3A_118 : i32
      %convert_element_type3A_120 = arith.extui %lt3A_119 : i1 to i32
      %cond3A_121 = arith.constant 0 : i32
      %cond3A_122 = arith.cmpi ne, %convert_element_type3A_120, %cond3A_121 : i32
      scf.if %cond3A_122 {
        %mul3A_123 = arith.constant 2 : i32
        %mul3A_124 = arith.muli %mul3A_123, %scan3A_85 : i32
        %add3A_125 = arith.constant 2 : i32
        %add3A_126 = arith.addi %mul3A_124, %add3A_125 : i32
        %mul3A_127 = arith.constant 16 : i32
        %mul3A_128 = arith.muli %add3A_126, %mul3A_127 : i32
        %add3A_129 = arith.addi %arg1, %mul3A_128 : i32
        %mul3A_130 = arith.constant 128 : i32
        %mul3A_131 = arith.muli %add3A_129, %mul3A_130 : i32
        %add3A_132 = arith.addi %mul3A_2, %mul3A_131 : i32
        %dma_start3A_133 = tpu.memref_slice %arg4[%add3A_132] : memref<640000xi32, #tpu.memory_space<hbm>> -> memref<128xi32, #tpu.memory_space<hbm>>
        %dma_start3A_134 = tpu.memref_slice %arg4[%add3A_132] : memref<640000xi32, #tpu.memory_space<hbm>> -> memref<128xi32, #tpu.memory_space<hbm>>
        tpu.enqueue_dma source(%dma_start3A_134 : memref<128xi32, #tpu.memory_space<hbm>>) target(%arg11 : memref<128xi32, #tpu.memory_space<vmem>>) target_semaphore(%arg21 : memref<!tpu.dma_semaphore, #tpu.memory_space<semaphore_mem>>)
        %add3A_135 = arith.constant 0 : i32
        %add3A_136 = arith.addi %arg1, %add3A_135 : i32
        %mul3A_137 = arith.constant 128 : i32
        %mul3A_138 = arith.muli %add3A_136, %mul3A_137 : i32
        %add3A_139 = arith.addi %mul3A_2, %mul3A_138 : i32
        %dma_wait3A_140 = tpu.memref_slice %arg4[%add3A_139] : memref<640000xi32, #tpu.memory_space<hbm>> -> memref<128xi32, #tpu.memory_space<hbm>>
        %dma_wait3A_141 = tpu.memref_slice %arg4[%add3A_139] : memref<640000xi32, #tpu.memory_space<hbm>> -> memref<128xi32, #tpu.memory_space<hbm>>
        tpu.wait_dma2 semaphore(%arg21 : memref<!tpu.dma_semaphore, #tpu.memory_space<semaphore_mem>>) src(%dma_wait3A_141 : memref<128xi32, #tpu.memory_space<hbm>>) dst(%arg11 : memref<128xi32, #tpu.memory_space<vmem>>)
      } else {
      }
    }
    %scan3A_65 = arith.constant 78 : i32
    %dma_wait3A_66 = arith.constant 0 : i32
    %dma_wait3A_67 = arith.constant 0 : i32
    %dma_wait3A_68 = tpu.memref_slice %arg9[%dma_wait3A_66, %dma_wait3A_67] : memref<10000x128xf32, #tpu.memory_space<vmem_shared>> -> memref<10000x128xf32, #tpu.memory_space<vmem_shared>>
    tpu.wait_indirect_dma semaphore(%arg20 : memref<!tpu.dma_semaphore, #tpu.memory_space<semaphore_mem>>) src(%arg16 : memref<128x128xf32, #tpu.memory_space<vmem>>) dst(%dma_wait3A_68 : memref<10000x128xf32, #tpu.memory_space<vmem_shared>>)
    %lt3A_69 = arith.constant 4 : i32
    %lt3A_70 = arith.cmpi slt, %arg1, %lt3A_69 : i32
    %convert_element_type3A_71 = arith.extui %lt3A_70 : i1 to i32
    %cond3A_72 = arith.constant 0 : i32
    %cond3A_73 = arith.cmpi ne, %convert_element_type3A_71, %cond3A_72 : i32
    scf.if %cond3A_73 {
      %add3A_85 = arith.constant 2496 : i32
      %add3A_86 = arith.addi %add3A_85, %arg1 : i32
      %mul3A_87 = arith.constant 128 : i32
      %mul3A_88 = arith.muli %add3A_86, %mul3A_87 : i32
      %add3A_89 = arith.addi %mul3A_2, %mul3A_88 : i32
      "tpu.region"() ({
        %run_scoped3A = tpu.sem_alloc : memref<!tpu.dma_semaphore, #tpu.memory_space<semaphore_mem>>
        %dma_start3A_90 = tpu.memref_slice %arg4[%add3A_89] : memref<640000xi32, #tpu.memory_space<hbm>> -> memref<128xi32, #tpu.memory_space<hbm>>
        %dma_start3A_91 = tpu.memref_slice %arg4[%add3A_89] : memref<640000xi32, #tpu.memory_space<hbm>> -> memref<128xi32, #tpu.memory_space<hbm>>
        tpu.enqueue_dma source(%dma_start3A_91 : memref<128xi32, #tpu.memory_space<hbm>>) target(%arg11 : memref<128xi32, #tpu.memory_space<vmem>>) target_semaphore(%run_scoped3A : memref<!tpu.dma_semaphore, #tpu.memory_space<semaphore_mem>>)
        %dma_wait3A_92 = tpu.memref_slice %arg4[%add3A_89] : memref<640000xi32, #tpu.memory_space<hbm>> -> memref<128xi32, #tpu.memory_space<hbm>>
        %dma_wait3A_93 = tpu.memref_slice %arg4[%add3A_89] : memref<640000xi32, #tpu.memory_space<hbm>> -> memref<128xi32, #tpu.memory_space<hbm>>
        tpu.wait_dma2 semaphore(%run_scoped3A : memref<!tpu.dma_semaphore, #tpu.memory_space<semaphore_mem>>) src(%dma_wait3A_93 : memref<128xi32, #tpu.memory_space<hbm>>) dst(%arg11 : memref<128xi32, #tpu.memory_space<vmem>>)
        tpu.yield
      }) : () -> ()
      "tpu.region"() ({
        %run_scoped3A = tpu.sem_alloc : memref<!tpu.dma_semaphore, #tpu.memory_space<semaphore_mem>>
        %dma_start3A_90 = arith.constant 0 : i32
        %dma_start3A_91 = arith.constant 0 : i32
        %dma_start3A_92 = tpu.memref_slice %arg9[%dma_start3A_90, %dma_start3A_91] : memref<10000x128xf32, #tpu.memory_space<vmem_shared>> -> memref<10000x128xf32, #tpu.memory_space<vmem_shared>>
        tpu.enqueue_indirect_dma source(%arg16 : memref<128x128xf32, #tpu.memory_space<vmem>>) target(%dma_start3A_92 : memref<10000x128xf32, #tpu.memory_space<vmem_shared>>) offsets(%arg11 : memref<128xi32, #tpu.memory_space<vmem>>) semaphore(%run_scoped3A : memref<!tpu.dma_semaphore, #tpu.memory_space<semaphore_mem>>) {add = true}
        %dma_wait3A_93 = arith.constant 0 : i32
        %dma_wait3A_94 = arith.constant 0 : i32
        %dma_wait3A_95 = tpu.memref_slice %arg9[%dma_wait3A_93, %dma_wait3A_94] : memref<10000x128xf32, #tpu.memory_space<vmem_shared>> -> memref<10000x128xf32, #tpu.memory_space<vmem_shared>>
        tpu.wait_indirect_dma semaphore(%run_scoped3A : memref<!tpu.dma_semaphore, #tpu.memory_space<semaphore_mem>>) src(%arg16 : memref<128x128xf32, #tpu.memory_space<vmem>>) dst(%dma_wait3A_95 : memref<10000x128xf32, #tpu.memory_space<vmem_shared>>)
        tpu.yield
      }) : () -> ()
    } else {
    }
    %barrier3A_74 = arith.constant 0 : index
    tpu.barrier barrier_id(%barrier3A_74)
    %lt3A_75 = arith.constant 15 : i32
    %lt3A_76 = arith.cmpi slt, %arg1, %lt3A_75 : i32
    %convert_element_type3A_77 = arith.extui %lt3A_76 : i1 to i32
    %cond3A_78 = arith.constant 0 : i32
    %cond3A_79 = arith.cmpi ne, %convert_element_type3A_77, %cond3A_78 : i32
    scf.if %cond3A_79 {
      %mul3A_85 = arith.constant 10000 : i32
      %mul3A_86 = arith.muli %arg0, %mul3A_85 : i32
      %add3A_87 = arith.addi %mul3A_86, %mul3A_0 : i32
      "tpu.region"() ({
        %run_scoped3A = tpu.sem_alloc : memref<!tpu.dma_semaphore, #tpu.memory_space<semaphore_mem>>
        %dma_start3A_88 = arith.constant 0 : i32
        %dma_start3A_89 = tpu.memref_slice %arg8[%add3A_87, %dma_start3A_88] : memref<20000x128xf32, #tpu.memory_space<hbm>> -> memref<640x128xf32, #tpu.memory_space<hbm>>
        %dma_start3A_90 = arith.constant 0 : i32
        %dma_start3A_91 = tpu.memref_slice %arg9[%mul3A_0, %dma_start3A_90] : memref<10000x128xf32, #tpu.memory_space<vmem_shared>> -> memref<640x128xf32, #tpu.memory_space<vmem_shared>>
        tpu.enqueue_dma source(%dma_start3A_91 : memref<640x128xf32, #tpu.memory_space<vmem_shared>>) target(%dma_start3A_89 : memref<640x128xf32, #tpu.memory_space<hbm>>) target_semaphore(%run_scoped3A : memref<!tpu.dma_semaphore, #tpu.memory_space<semaphore_mem>>)
        %dma_wait3A_92 = arith.constant 0 : i32
        %dma_wait3A_93 = tpu.memref_slice %arg8[%add3A_87, %dma_wait3A_92] : memref<20000x128xf32, #tpu.memory_space<hbm>> -> memref<640x128xf32, #tpu.memory_space<hbm>>
        %dma_wait3A_94 = arith.constant 0 : i32
        %dma_wait3A_95 = tpu.memref_slice %arg9[%mul3A_0, %dma_wait3A_94] : memref<10000x128xf32, #tpu.memory_space<vmem_shared>> -> memref<640x128xf32, #tpu.memory_space<vmem_shared>>
        tpu.wait_dma2 semaphore(%run_scoped3A : memref<!tpu.dma_semaphore, #tpu.memory_space<semaphore_mem>>) src(%dma_wait3A_95 : memref<640x128xf32, #tpu.memory_space<vmem_shared>>) dst(%dma_wait3A_93 : memref<640x128xf32, #tpu.memory_space<hbm>>)
        tpu.yield
      }) : () -> ()
    } else {
    }
    %eq3A_80 = arith.constant 15 : i32
    %eq3A_81 = arith.cmpi eq, %arg1, %eq3A_80 : i32
    %convert_element_type3A_82 = arith.extui %eq3A_81 : i1 to i32
    %cond3A_83 = arith.constant 0 : i32
    %cond3A_84 = arith.cmpi ne, %convert_element_type3A_82, %cond3A_83 : i32
    scf.if %cond3A_84 {
      %mul3A_85 = arith.constant 10000 : i32
      %mul3A_86 = arith.muli %arg0, %mul3A_85 : i32
      %add3A_87 = arith.addi %mul3A_86, %mul3A_0 : i32
      "tpu.region"() ({
        %run_scoped3A = tpu.sem_alloc : memref<!tpu.dma_semaphore, #tpu.memory_space<semaphore_mem>>
        %dma_start3A_88 = arith.constant 0 : i32
        %dma_start3A_89 = tpu.memref_slice %arg8[%add3A_87, %dma_start3A_88] : memref<20000x128xf32, #tpu.memory_space<hbm>> -> memref<400x128xf32, #tpu.memory_space<hbm>>
        %dma_start3A_90 = arith.constant 0 : i32
        %dma_start3A_91 = tpu.memref_slice %arg9[%mul3A_0, %dma_start3A_90] : memref<10000x128xf32, #tpu.memory_space<vmem_shared>> -> memref<400x128xf32, #tpu.memory_space<vmem_shared>>
        tpu.enqueue_dma source(%dma_start3A_91 : memref<400x128xf32, #tpu.memory_space<vmem_shared>>) target(%dma_start3A_89 : memref<400x128xf32, #tpu.memory_space<hbm>>) target_semaphore(%run_scoped3A : memref<!tpu.dma_semaphore, #tpu.memory_space<semaphore_mem>>)
        %dma_wait3A_92 = arith.constant 0 : i32
        %dma_wait3A_93 = tpu.memref_slice %arg8[%add3A_87, %dma_wait3A_92] : memref<20000x128xf32, #tpu.memory_space<hbm>> -> memref<400x128xf32, #tpu.memory_space<hbm>>
        %dma_wait3A_94 = arith.constant 0 : i32
        %dma_wait3A_95 = tpu.memref_slice %arg9[%mul3A_0, %dma_wait3A_94] : memref<10000x128xf32, #tpu.memory_space<vmem_shared>> -> memref<400x128xf32, #tpu.memory_space<vmem_shared>>
        tpu.wait_dma2 semaphore(%run_scoped3A : memref<!tpu.dma_semaphore, #tpu.memory_space<semaphore_mem>>) src(%dma_wait3A_95 : memref<400x128xf32, #tpu.memory_space<vmem_shared>>) dst(%dma_wait3A_93 : memref<400x128xf32, #tpu.memory_space<hbm>>)
        tpu.yield
      }) : () -> ()
    } else {
    }
    return
  }
}

#map = affine_map<(d0, d1) -> (0, 0)>
#map1 = affine_map<(d0, d1) -> (0)>
module attributes {stable_mosaic.version = 14 : i64} {
  func.func @_sc_layer2(%arg0: i32, %arg1: i32, %arg2: memref<40000x128xf32, #tpu.memory_space<hbm>>, %arg3: memref<1280000xi32, #tpu.memory_space<hbm>>, %arg4: memref<640000xi32, #tpu.memory_space<hbm>>, %arg5: memref<10000x128xf32, #tpu.memory_space<hbm>>, %arg6: memref<20000x256xf32, #tpu.memory_space<hbm>>, %arg7: memref<10000x128xf32, #tpu.memory_space<vmem_shared>>, %arg8: memref<128xi32, #tpu.memory_space<vmem>>, %arg9: memref<128xi32, #tpu.memory_space<vmem>>, %arg10: memref<128xi32, #tpu.memory_space<vmem>>, %arg11: memref<128xi32, #tpu.memory_space<vmem>>, %arg12: memref<128x128xf32, #tpu.memory_space<vmem>>, %arg13: memref<128x128xf32, #tpu.memory_space<vmem>>, %arg14: memref<!tpu.dma_semaphore, #tpu.memory_space<semaphore_mem>>, %arg15: memref<!tpu.dma_semaphore, #tpu.memory_space<semaphore_mem>>, %arg16: memref<!tpu.dma_semaphore, #tpu.memory_space<semaphore_mem>>, %arg17: memref<!tpu.dma_semaphore, #tpu.memory_space<semaphore_mem>>, %arg18: memref<!tpu.dma_semaphore, #tpu.memory_space<semaphore_mem>>, %arg19: memref<!tpu.dma_semaphore, #tpu.memory_space<semaphore_mem>>, %arg20: memref<!tpu.dma_semaphore, #tpu.memory_space<semaphore_mem>>) attributes {dimension_semantics = [#tpu.dimension_semantics<core_parallel>, #tpu.dimension_semantics<subcore_parallel>], iteration_bounds = array<i64: 2, 16>, scalar_prefetch = 0 : i64, scratch_operands = 14 : i64, tpu.core_type = #tpu.core_type<sc_vector_subcore>, window_params = [{transform_indices = #map}, {transform_indices = #map1}, {transform_indices = #map1}, {transform_indices = #map}, {transform_indices = #map}]} {
    %mul3A = arith.constant 640 : i32
    %mul3A_0 = arith.muli %arg1, %mul3A : i32
    %mul3A_1 = arith.constant 2 : i32
    %mul3A_2 = arith.muli %mul3A_1, %arg0 : i32
    %add3A = arith.constant 0 : i32
    %add3A_3 = arith.addi %mul3A_2, %add3A : i32
    %mul3A_4 = arith.constant 320000 : i32
    %mul3A_5 = arith.muli %add3A_3, %mul3A_4 : i32
    %mul3A_6 = arith.constant 320000 : i32
    %mul3A_7 = arith.muli %arg0, %mul3A_6 : i32
    %lt3A = arith.constant 15 : i32
    %lt3A_8 = arith.cmpi slt, %arg1, %lt3A : i32
    %convert_element_type3A = arith.extui %lt3A_8 : i1 to i32
    %cond3A = arith.constant 0 : i32
    %cond3A_9 = arith.cmpi ne, %convert_element_type3A, %cond3A : i32
    scf.if %cond3A_9 {
      "tpu.region"() ({
        %run_scoped3A = tpu.sem_alloc : memref<!tpu.dma_semaphore, #tpu.memory_space<semaphore_mem>>
        %dma_start3A_108 = arith.constant 0 : i32
        %dma_start3A_109 = tpu.memref_slice %arg7[%mul3A_0, %dma_start3A_108] : memref<10000x128xf32, #tpu.memory_space<vmem_shared>> -> memref<640x128xf32, #tpu.memory_space<vmem_shared>>
        %dma_start3A_110 = arith.constant 0 : i32
        %dma_start3A_111 = tpu.memref_slice %arg5[%mul3A_0, %dma_start3A_110] : memref<10000x128xf32, #tpu.memory_space<hbm>> -> memref<640x128xf32, #tpu.memory_space<hbm>>
        tpu.enqueue_dma source(%dma_start3A_111 : memref<640x128xf32, #tpu.memory_space<hbm>>) target(%dma_start3A_109 : memref<640x128xf32, #tpu.memory_space<vmem_shared>>) target_semaphore(%run_scoped3A : memref<!tpu.dma_semaphore, #tpu.memory_space<semaphore_mem>>)
        %dma_wait3A_112 = arith.constant 0 : i32
        %dma_wait3A_113 = tpu.memref_slice %arg7[%mul3A_0, %dma_wait3A_112] : memref<10000x128xf32, #tpu.memory_space<vmem_shared>> -> memref<640x128xf32, #tpu.memory_space<vmem_shared>>
        %dma_wait3A_114 = arith.constant 0 : i32
        %dma_wait3A_115 = tpu.memref_slice %arg5[%mul3A_0, %dma_wait3A_114] : memref<10000x128xf32, #tpu.memory_space<hbm>> -> memref<640x128xf32, #tpu.memory_space<hbm>>
        tpu.wait_dma2 semaphore(%run_scoped3A : memref<!tpu.dma_semaphore, #tpu.memory_space<semaphore_mem>>) src(%dma_wait3A_115 : memref<640x128xf32, #tpu.memory_space<hbm>>) dst(%dma_wait3A_113 : memref<640x128xf32, #tpu.memory_space<vmem_shared>>)
        tpu.yield
      }) : () -> ()
    } else {
    }
    %eq3A = arith.constant 15 : i32
    %eq3A_10 = arith.cmpi eq, %arg1, %eq3A : i32
    %convert_element_type3A_11 = arith.extui %eq3A_10 : i1 to i32
    %cond3A_12 = arith.constant 0 : i32
    %cond3A_13 = arith.cmpi ne, %convert_element_type3A_11, %cond3A_12 : i32
    scf.if %cond3A_13 {
      "tpu.region"() ({
        %run_scoped3A = tpu.sem_alloc : memref<!tpu.dma_semaphore, #tpu.memory_space<semaphore_mem>>
        %dma_start3A_108 = arith.constant 0 : i32
        %dma_start3A_109 = tpu.memref_slice %arg7[%mul3A_0, %dma_start3A_108] : memref<10000x128xf32, #tpu.memory_space<vmem_shared>> -> memref<400x128xf32, #tpu.memory_space<vmem_shared>>
        %dma_start3A_110 = arith.constant 0 : i32
        %dma_start3A_111 = tpu.memref_slice %arg5[%mul3A_0, %dma_start3A_110] : memref<10000x128xf32, #tpu.memory_space<hbm>> -> memref<400x128xf32, #tpu.memory_space<hbm>>
        tpu.enqueue_dma source(%dma_start3A_111 : memref<400x128xf32, #tpu.memory_space<hbm>>) target(%dma_start3A_109 : memref<400x128xf32, #tpu.memory_space<vmem_shared>>) target_semaphore(%run_scoped3A : memref<!tpu.dma_semaphore, #tpu.memory_space<semaphore_mem>>)
        %dma_wait3A_112 = arith.constant 0 : i32
        %dma_wait3A_113 = tpu.memref_slice %arg7[%mul3A_0, %dma_wait3A_112] : memref<10000x128xf32, #tpu.memory_space<vmem_shared>> -> memref<400x128xf32, #tpu.memory_space<vmem_shared>>
        %dma_wait3A_114 = arith.constant 0 : i32
        %dma_wait3A_115 = tpu.memref_slice %arg5[%mul3A_0, %dma_wait3A_114] : memref<10000x128xf32, #tpu.memory_space<hbm>> -> memref<400x128xf32, #tpu.memory_space<hbm>>
        tpu.wait_dma2 semaphore(%run_scoped3A : memref<!tpu.dma_semaphore, #tpu.memory_space<semaphore_mem>>) src(%dma_wait3A_115 : memref<400x128xf32, #tpu.memory_space<hbm>>) dst(%dma_wait3A_113 : memref<400x128xf32, #tpu.memory_space<vmem_shared>>)
        tpu.yield
      }) : () -> ()
    } else {
    }
    %barrier3A = arith.constant 0 : index
    tpu.barrier barrier_id(%barrier3A)
    %add3A_14 = arith.constant 0 : i32
    %add3A_15 = arith.addi %arg1, %add3A_14 : i32
    %mul3A_16 = arith.constant 128 : i32
    %mul3A_17 = arith.muli %add3A_15, %mul3A_16 : i32
    %add3A_18 = arith.addi %mul3A_5, %mul3A_17 : i32
    "tpu.region"() ({
      %run_scoped3A = tpu.sem_alloc : memref<!tpu.dma_semaphore, #tpu.memory_space<semaphore_mem>>
      %dma_start3A_108 = tpu.memref_slice %arg3[%add3A_18] : memref<1280000xi32, #tpu.memory_space<hbm>> -> memref<128xi32, #tpu.memory_space<hbm>>
      %dma_start3A_109 = tpu.memref_slice %arg3[%add3A_18] : memref<1280000xi32, #tpu.memory_space<hbm>> -> memref<128xi32, #tpu.memory_space<hbm>>
      tpu.enqueue_dma source(%dma_start3A_109 : memref<128xi32, #tpu.memory_space<hbm>>) target(%arg8 : memref<128xi32, #tpu.memory_space<vmem>>) target_semaphore(%run_scoped3A : memref<!tpu.dma_semaphore, #tpu.memory_space<semaphore_mem>>)
      %dma_wait3A_110 = tpu.memref_slice %arg3[%add3A_18] : memref<1280000xi32, #tpu.memory_space<hbm>> -> memref<128xi32, #tpu.memory_space<hbm>>
      %dma_wait3A_111 = tpu.memref_slice %arg3[%add3A_18] : memref<1280000xi32, #tpu.memory_space<hbm>> -> memref<128xi32, #tpu.memory_space<hbm>>
      tpu.wait_dma2 semaphore(%run_scoped3A : memref<!tpu.dma_semaphore, #tpu.memory_space<semaphore_mem>>) src(%dma_wait3A_111 : memref<128xi32, #tpu.memory_space<hbm>>) dst(%arg8 : memref<128xi32, #tpu.memory_space<vmem>>)
      tpu.yield
    }) : () -> ()
    %add3A_19 = arith.constant 0 : i32
    %add3A_20 = arith.addi %arg1, %add3A_19 : i32
    %mul3A_21 = arith.constant 128 : i32
    %mul3A_22 = arith.muli %add3A_20, %mul3A_21 : i32
    %add3A_23 = arith.addi %mul3A_7, %mul3A_22 : i32
    "tpu.region"() ({
      %run_scoped3A = tpu.sem_alloc : memref<!tpu.dma_semaphore, #tpu.memory_space<semaphore_mem>>
      %dma_start3A_108 = tpu.memref_slice %arg4[%add3A_23] : memref<640000xi32, #tpu.memory_space<hbm>> -> memref<128xi32, #tpu.memory_space<hbm>>
      %dma_start3A_109 = tpu.memref_slice %arg4[%add3A_23] : memref<640000xi32, #tpu.memory_space<hbm>> -> memref<128xi32, #tpu.memory_space<hbm>>
      tpu.enqueue_dma source(%dma_start3A_109 : memref<128xi32, #tpu.memory_space<hbm>>) target(%arg9 : memref<128xi32, #tpu.memory_space<vmem>>) target_semaphore(%run_scoped3A : memref<!tpu.dma_semaphore, #tpu.memory_space<semaphore_mem>>)
      %dma_wait3A_110 = tpu.memref_slice %arg4[%add3A_23] : memref<640000xi32, #tpu.memory_space<hbm>> -> memref<128xi32, #tpu.memory_space<hbm>>
      %dma_wait3A_111 = tpu.memref_slice %arg4[%add3A_23] : memref<640000xi32, #tpu.memory_space<hbm>> -> memref<128xi32, #tpu.memory_space<hbm>>
      tpu.wait_dma2 semaphore(%run_scoped3A : memref<!tpu.dma_semaphore, #tpu.memory_space<semaphore_mem>>) src(%dma_wait3A_111 : memref<128xi32, #tpu.memory_space<hbm>>) dst(%arg9 : memref<128xi32, #tpu.memory_space<vmem>>)
      tpu.yield
    }) : () -> ()
    %dma_start3A = arith.constant 0 : i32
    %dma_start3A_24 = arith.constant 0 : i32
    %dma_start3A_25 = tpu.memref_slice %arg2[%dma_start3A, %dma_start3A_24] : memref<40000x128xf32, #tpu.memory_space<hbm>> -> memref<40000x128xf32, #tpu.memory_space<hbm>>
    tpu.enqueue_indirect_dma source(%dma_start3A_25 : memref<40000x128xf32, #tpu.memory_space<hbm>>) target(%arg12 : memref<128x128xf32, #tpu.memory_space<vmem>>) offsets(%arg8 : memref<128xi32, #tpu.memory_space<vmem>>) semaphore(%arg14 : memref<!tpu.dma_semaphore, #tpu.memory_space<semaphore_mem>>)
    %scan3A = arith.constant 0 : i32
    %scan3A_26 = arith.constant 0 : i32
    %scan3A_27 = arith.constant 78 : i32
    %scan3A_28 = arith.addi %scan3A_26, %scan3A_27 : i32
    %scan3A_29 = arith.constant 1 : i32
    scf.for %scan3A_108 = %scan3A_26 to %scan3A_28 step %scan3A_29  : i32 {
      %gt3A = arith.constant 0 : i32
      %gt3A_109 = arith.cmpi sgt, %scan3A_108, %gt3A : i32
      %convert_element_type3A_110 = arith.extui %gt3A_109 : i1 to i32
      %cond3A_111 = arith.constant 0 : i32
      %cond3A_112 = arith.cmpi ne, %convert_element_type3A_110, %cond3A_111 : i32
      scf.if %cond3A_112 {
        %dma_wait3A_179 = arith.constant 0 : i32
        %dma_wait3A_180 = arith.constant 0 : i32
        %dma_wait3A_181 = tpu.memref_slice %arg7[%dma_wait3A_179, %dma_wait3A_180] : memref<10000x128xf32, #tpu.memory_space<vmem_shared>> -> memref<10000x128xf32, #tpu.memory_space<vmem_shared>>
        tpu.wait_indirect_dma semaphore(%arg17 : memref<!tpu.dma_semaphore, #tpu.memory_space<semaphore_mem>>) src(%arg13 : memref<128x128xf32, #tpu.memory_space<vmem>>) dst(%dma_wait3A_181 : memref<10000x128xf32, #tpu.memory_space<vmem_shared>>)
      } else {
      }
      %mul3A_113 = arith.constant 2 : i32
      %mul3A_114 = arith.muli %mul3A_113, %scan3A_108 : i32
      %add3A_115 = arith.constant 1 : i32
      %add3A_116 = arith.addi %mul3A_114, %add3A_115 : i32
      %mul3A_117 = arith.constant 16 : i32
      %mul3A_118 = arith.muli %add3A_116, %mul3A_117 : i32
      %add3A_119 = arith.addi %arg1, %mul3A_118 : i32
      %mul3A_120 = arith.constant 128 : i32
      %mul3A_121 = arith.muli %add3A_119, %mul3A_120 : i32
      %add3A_122 = arith.addi %mul3A_5, %mul3A_121 : i32
      %dma_start3A_123 = tpu.memref_slice %arg3[%add3A_122] : memref<1280000xi32, #tpu.memory_space<hbm>> -> memref<128xi32, #tpu.memory_space<hbm>>
      %dma_start3A_124 = tpu.memref_slice %arg3[%add3A_122] : memref<1280000xi32, #tpu.memory_space<hbm>> -> memref<128xi32, #tpu.memory_space<hbm>>
      tpu.enqueue_dma source(%dma_start3A_124 : memref<128xi32, #tpu.memory_space<hbm>>) target(%arg10 : memref<128xi32, #tpu.memory_space<vmem>>) target_semaphore(%arg19 : memref<!tpu.dma_semaphore, #tpu.memory_space<semaphore_mem>>)
      %mul3A_125 = arith.constant 2 : i32
      %mul3A_126 = arith.muli %mul3A_125, %scan3A_108 : i32
      %add3A_127 = arith.constant 1 : i32
      %add3A_128 = arith.addi %mul3A_126, %add3A_127 : i32
      %mul3A_129 = arith.constant 16 : i32
      %mul3A_130 = arith.muli %add3A_128, %mul3A_129 : i32
      %add3A_131 = arith.addi %arg1, %mul3A_130 : i32
      %mul3A_132 = arith.constant 128 : i32
      %mul3A_133 = arith.muli %add3A_131, %mul3A_132 : i32
      %add3A_134 = arith.addi %mul3A_7, %mul3A_133 : i32
      %dma_start3A_135 = tpu.memref_slice %arg4[%add3A_134] : memref<640000xi32, #tpu.memory_space<hbm>> -> memref<128xi32, #tpu.memory_space<hbm>>
      %dma_start3A_136 = tpu.memref_slice %arg4[%add3A_134] : memref<640000xi32, #tpu.memory_space<hbm>> -> memref<128xi32, #tpu.memory_space<hbm>>
      tpu.enqueue_dma source(%dma_start3A_136 : memref<128xi32, #tpu.memory_space<hbm>>) target(%arg11 : memref<128xi32, #tpu.memory_space<vmem>>) target_semaphore(%arg19 : memref<!tpu.dma_semaphore, #tpu.memory_space<semaphore_mem>>)
      %dma_wait3A_137 = arith.constant 0 : i32
      %dma_wait3A_138 = arith.constant 0 : i32
      %dma_wait3A_139 = tpu.memref_slice %arg2[%dma_wait3A_137, %dma_wait3A_138] : memref<40000x128xf32, #tpu.memory_space<hbm>> -> memref<40000x128xf32, #tpu.memory_space<hbm>>
      tpu.wait_indirect_dma semaphore(%arg14 : memref<!tpu.dma_semaphore, #tpu.memory_space<semaphore_mem>>) src(%dma_wait3A_139 : memref<40000x128xf32, #tpu.memory_space<hbm>>) dst(%arg12 : memref<128x128xf32, #tpu.memory_space<vmem>>)
      %add3A_140 = arith.constant 0 : i32
      %add3A_141 = arith.addi %arg1, %add3A_140 : i32
      %mul3A_142 = arith.constant 128 : i32
      %mul3A_143 = arith.muli %add3A_141, %mul3A_142 : i32
      %add3A_144 = arith.addi %mul3A_5, %mul3A_143 : i32
      %dma_wait3A_145 = tpu.memref_slice %arg3[%add3A_144] : memref<1280000xi32, #tpu.memory_space<hbm>> -> memref<128xi32, #tpu.memory_space<hbm>>
      %dma_wait3A_146 = tpu.memref_slice %arg3[%add3A_144] : memref<1280000xi32, #tpu.memory_space<hbm>> -> memref<128xi32, #tpu.memory_space<hbm>>
      tpu.wait_dma2 semaphore(%arg19 : memref<!tpu.dma_semaphore, #tpu.memory_space<semaphore_mem>>) src(%dma_wait3A_146 : memref<128xi32, #tpu.memory_space<hbm>>) dst(%arg10 : memref<128xi32, #tpu.memory_space<vmem>>)
      %add3A_147 = arith.constant 0 : i32
      %add3A_148 = arith.addi %arg1, %add3A_147 : i32
      %mul3A_149 = arith.constant 128 : i32
      %mul3A_150 = arith.muli %add3A_148, %mul3A_149 : i32
      %add3A_151 = arith.addi %mul3A_7, %mul3A_150 : i32
      %dma_wait3A_152 = tpu.memref_slice %arg4[%add3A_151] : memref<640000xi32, #tpu.memory_space<hbm>> -> memref<128xi32, #tpu.memory_space<hbm>>
      %dma_wait3A_153 = tpu.memref_slice %arg4[%add3A_151] : memref<640000xi32, #tpu.memory_space<hbm>> -> memref<128xi32, #tpu.memory_space<hbm>>
      tpu.wait_dma2 semaphore(%arg19 : memref<!tpu.dma_semaphore, #tpu.memory_space<semaphore_mem>>) src(%dma_wait3A_153 : memref<128xi32, #tpu.memory_space<hbm>>) dst(%arg11 : memref<128xi32, #tpu.memory_space<vmem>>)
      %dma_start3A_154 = arith.constant 0 : i32
      %dma_start3A_155 = arith.constant 0 : i32
      %dma_start3A_156 = tpu.memref_slice %arg2[%dma_start3A_154, %dma_start3A_155] : memref<40000x128xf32, #tpu.memory_space<hbm>> -> memref<40000x128xf32, #tpu.memory_space<hbm>>
      tpu.enqueue_indirect_dma source(%dma_start3A_156 : memref<40000x128xf32, #tpu.memory_space<hbm>>) target(%arg13 : memref<128x128xf32, #tpu.memory_space<vmem>>) offsets(%arg10 : memref<128xi32, #tpu.memory_space<vmem>>) semaphore(%arg15 : memref<!tpu.dma_semaphore, #tpu.memory_space<semaphore_mem>>)
      %dma_start3A_157 = arith.constant 0 : i32
      %dma_start3A_158 = arith.constant 0 : i32
      %dma_start3A_159 = tpu.memref_slice %arg7[%dma_start3A_157, %dma_start3A_158] : memref<10000x128xf32, #tpu.memory_space<vmem_shared>> -> memref<10000x128xf32, #tpu.memory_space<vmem_shared>>
      tpu.enqueue_indirect_dma source(%arg12 : memref<128x128xf32, #tpu.memory_space<vmem>>) target(%dma_start3A_159 : memref<10000x128xf32, #tpu.memory_space<vmem_shared>>) offsets(%arg9 : memref<128xi32, #tpu.memory_space<vmem>>) semaphore(%arg16 : memref<!tpu.dma_semaphore, #tpu.memory_space<semaphore_mem>>) {add = true}
      %dma_wait3A_160 = arith.constant 0 : i32
      %dma_wait3A_161 = arith.constant 0 : i32
      %dma_wait3A_162 = tpu.memref_slice %arg7[%dma_wait3A_160, %dma_wait3A_161] : memref<10000x128xf32, #tpu.memory_space<vmem_shared>> -> memref<10000x128xf32, #tpu.memory_space<vmem_shared>>
      tpu.wait_indirect_dma semaphore(%arg16 : memref<!tpu.dma_semaphore, #tpu.memory_space<semaphore_mem>>) src(%arg12 : memref<128x128xf32, #tpu.memory_space<vmem>>) dst(%dma_wait3A_162 : memref<10000x128xf32, #tpu.memory_space<vmem_shared>>)
      %lt3A_163 = arith.constant 77 : i32
      %lt3A_164 = arith.cmpi slt, %scan3A_108, %lt3A_163 : i32
      %convert_element_type3A_165 = arith.extui %lt3A_164 : i1 to i32
      %cond3A_166 = arith.constant 0 : i32
      %cond3A_167 = arith.cmpi ne, %convert_element_type3A_165, %cond3A_166 : i32
      scf.if %cond3A_167 {
        %mul3A_179 = arith.constant 2 : i32
        %mul3A_180 = arith.muli %mul3A_179, %scan3A_108 : i32
        %add3A_181 = arith.constant 2 : i32
        %add3A_182 = arith.addi %mul3A_180, %add3A_181 : i32
        %mul3A_183 = arith.constant 16 : i32
        %mul3A_184 = arith.muli %add3A_182, %mul3A_183 : i32
        %add3A_185 = arith.addi %arg1, %mul3A_184 : i32
        %mul3A_186 = arith.constant 128 : i32
        %mul3A_187 = arith.muli %add3A_185, %mul3A_186 : i32
        %add3A_188 = arith.addi %mul3A_5, %mul3A_187 : i32
        %dma_start3A_189 = tpu.memref_slice %arg3[%add3A_188] : memref<1280000xi32, #tpu.memory_space<hbm>> -> memref<128xi32, #tpu.memory_space<hbm>>
        %dma_start3A_190 = tpu.memref_slice %arg3[%add3A_188] : memref<1280000xi32, #tpu.memory_space<hbm>> -> memref<128xi32, #tpu.memory_space<hbm>>
        tpu.enqueue_dma source(%dma_start3A_190 : memref<128xi32, #tpu.memory_space<hbm>>) target(%arg8 : memref<128xi32, #tpu.memory_space<vmem>>) target_semaphore(%arg18 : memref<!tpu.dma_semaphore, #tpu.memory_space<semaphore_mem>>)
        %mul3A_191 = arith.constant 2 : i32
        %mul3A_192 = arith.muli %mul3A_191, %scan3A_108 : i32
        %add3A_193 = arith.constant 2 : i32
        %add3A_194 = arith.addi %mul3A_192, %add3A_193 : i32
        %mul3A_195 = arith.constant 16 : i32
        %mul3A_196 = arith.muli %add3A_194, %mul3A_195 : i32
        %add3A_197 = arith.addi %arg1, %mul3A_196 : i32
        %mul3A_198 = arith.constant 128 : i32
        %mul3A_199 = arith.muli %add3A_197, %mul3A_198 : i32
        %add3A_200 = arith.addi %mul3A_7, %mul3A_199 : i32
        %dma_start3A_201 = tpu.memref_slice %arg4[%add3A_200] : memref<640000xi32, #tpu.memory_space<hbm>> -> memref<128xi32, #tpu.memory_space<hbm>>
        %dma_start3A_202 = tpu.memref_slice %arg4[%add3A_200] : memref<640000xi32, #tpu.memory_space<hbm>> -> memref<128xi32, #tpu.memory_space<hbm>>
        tpu.enqueue_dma source(%dma_start3A_202 : memref<128xi32, #tpu.memory_space<hbm>>) target(%arg9 : memref<128xi32, #tpu.memory_space<vmem>>) target_semaphore(%arg18 : memref<!tpu.dma_semaphore, #tpu.memory_space<semaphore_mem>>)
      } else {
      }
      %dma_wait3A_168 = arith.constant 0 : i32
      %dma_wait3A_169 = arith.constant 0 : i32
      %dma_wait3A_170 = tpu.memref_slice %arg2[%dma_wait3A_168, %dma_wait3A_169] : memref<40000x128xf32, #tpu.memory_space<hbm>> -> memref<40000x128xf32, #tpu.memory_space<hbm>>
      tpu.wait_indirect_dma semaphore(%arg15 : memref<!tpu.dma_semaphore, #tpu.memory_space<semaphore_mem>>) src(%dma_wait3A_170 : memref<40000x128xf32, #tpu.memory_space<hbm>>) dst(%arg13 : memref<128x128xf32, #tpu.memory_space<vmem>>)
      %dma_start3A_171 = arith.constant 0 : i32
      %dma_start3A_172 = arith.constant 0 : i32
      %dma_start3A_173 = tpu.memref_slice %arg7[%dma_start3A_171, %dma_start3A_172] : memref<10000x128xf32, #tpu.memory_space<vmem_shared>> -> memref<10000x128xf32, #tpu.memory_space<vmem_shared>>
      tpu.enqueue_indirect_dma source(%arg13 : memref<128x128xf32, #tpu.memory_space<vmem>>) target(%dma_start3A_173 : memref<10000x128xf32, #tpu.memory_space<vmem_shared>>) offsets(%arg11 : memref<128xi32, #tpu.memory_space<vmem>>) semaphore(%arg17 : memref<!tpu.dma_semaphore, #tpu.memory_space<semaphore_mem>>) {add = true}
      %lt3A_174 = arith.constant 77 : i32
      %lt3A_175 = arith.cmpi slt, %scan3A_108, %lt3A_174 : i32
      %convert_element_type3A_176 = arith.extui %lt3A_175 : i1 to i32
      %cond3A_177 = arith.constant 0 : i32
      %cond3A_178 = arith.cmpi ne, %convert_element_type3A_176, %cond3A_177 : i32
      scf.if %cond3A_178 {
        %add3A_179 = arith.constant 0 : i32
        %add3A_180 = arith.addi %arg1, %add3A_179 : i32
        %mul3A_181 = arith.constant 128 : i32
        %mul3A_182 = arith.muli %add3A_180, %mul3A_181 : i32
        %add3A_183 = arith.addi %mul3A_5, %mul3A_182 : i32
        %dma_wait3A_184 = tpu.memref_slice %arg3[%add3A_183] : memref<1280000xi32, #tpu.memory_space<hbm>> -> memref<128xi32, #tpu.memory_space<hbm>>
        %dma_wait3A_185 = tpu.memref_slice %arg3[%add3A_183] : memref<1280000xi32, #tpu.memory_space<hbm>> -> memref<128xi32, #tpu.memory_space<hbm>>
        tpu.wait_dma2 semaphore(%arg18 : memref<!tpu.dma_semaphore, #tpu.memory_space<semaphore_mem>>) src(%dma_wait3A_185 : memref<128xi32, #tpu.memory_space<hbm>>) dst(%arg8 : memref<128xi32, #tpu.memory_space<vmem>>)
        %add3A_186 = arith.constant 0 : i32
        %add3A_187 = arith.addi %arg1, %add3A_186 : i32
        %mul3A_188 = arith.constant 128 : i32
        %mul3A_189 = arith.muli %add3A_187, %mul3A_188 : i32
        %add3A_190 = arith.addi %mul3A_7, %mul3A_189 : i32
        %dma_wait3A_191 = tpu.memref_slice %arg4[%add3A_190] : memref<640000xi32, #tpu.memory_space<hbm>> -> memref<128xi32, #tpu.memory_space<hbm>>
        %dma_wait3A_192 = tpu.memref_slice %arg4[%add3A_190] : memref<640000xi32, #tpu.memory_space<hbm>> -> memref<128xi32, #tpu.memory_space<hbm>>
        tpu.wait_dma2 semaphore(%arg18 : memref<!tpu.dma_semaphore, #tpu.memory_space<semaphore_mem>>) src(%dma_wait3A_192 : memref<128xi32, #tpu.memory_space<hbm>>) dst(%arg9 : memref<128xi32, #tpu.memory_space<vmem>>)
        %dma_start3A_193 = arith.constant 0 : i32
        %dma_start3A_194 = arith.constant 0 : i32
        %dma_start3A_195 = tpu.memref_slice %arg2[%dma_start3A_193, %dma_start3A_194] : memref<40000x128xf32, #tpu.memory_space<hbm>> -> memref<40000x128xf32, #tpu.memory_space<hbm>>
        tpu.enqueue_indirect_dma source(%dma_start3A_195 : memref<40000x128xf32, #tpu.memory_space<hbm>>) target(%arg12 : memref<128x128xf32, #tpu.memory_space<vmem>>) offsets(%arg8 : memref<128xi32, #tpu.memory_space<vmem>>) semaphore(%arg14 : memref<!tpu.dma_semaphore, #tpu.memory_space<semaphore_mem>>)
      } else {
      }
    }
    %scan3A_30 = arith.constant 78 : i32
    %dma_wait3A = arith.constant 0 : i32
    %dma_wait3A_31 = arith.constant 0 : i32
    %dma_wait3A_32 = tpu.memref_slice %arg7[%dma_wait3A, %dma_wait3A_31] : memref<10000x128xf32, #tpu.memory_space<vmem_shared>> -> memref<10000x128xf32, #tpu.memory_space<vmem_shared>>
    tpu.wait_indirect_dma semaphore(%arg17 : memref<!tpu.dma_semaphore, #tpu.memory_space<semaphore_mem>>) src(%arg13 : memref<128x128xf32, #tpu.memory_space<vmem>>) dst(%dma_wait3A_32 : memref<10000x128xf32, #tpu.memory_space<vmem_shared>>)
    %lt3A_33 = arith.constant 4 : i32
    %lt3A_34 = arith.cmpi slt, %arg1, %lt3A_33 : i32
    %convert_element_type3A_35 = arith.extui %lt3A_34 : i1 to i32
    %cond3A_36 = arith.constant 0 : i32
    %cond3A_37 = arith.cmpi ne, %convert_element_type3A_35, %cond3A_36 : i32
    scf.if %cond3A_37 {
      %add3A_108 = arith.constant 2496 : i32
      %add3A_109 = arith.addi %add3A_108, %arg1 : i32
      %mul3A_110 = arith.constant 128 : i32
      %mul3A_111 = arith.muli %add3A_109, %mul3A_110 : i32
      %add3A_112 = arith.addi %mul3A_5, %mul3A_111 : i32
      %add3A_113 = arith.constant 2496 : i32
      %add3A_114 = arith.addi %add3A_113, %arg1 : i32
      %mul3A_115 = arith.constant 128 : i32
      %mul3A_116 = arith.muli %add3A_114, %mul3A_115 : i32
      %add3A_117 = arith.addi %mul3A_7, %mul3A_116 : i32
      "tpu.region"() ({
        %run_scoped3A = tpu.sem_alloc : memref<!tpu.dma_semaphore, #tpu.memory_space<semaphore_mem>>
        %dma_start3A_124 = tpu.memref_slice %arg3[%add3A_112] : memref<1280000xi32, #tpu.memory_space<hbm>> -> memref<128xi32, #tpu.memory_space<hbm>>
        %dma_start3A_125 = tpu.memref_slice %arg3[%add3A_112] : memref<1280000xi32, #tpu.memory_space<hbm>> -> memref<128xi32, #tpu.memory_space<hbm>>
        tpu.enqueue_dma source(%dma_start3A_125 : memref<128xi32, #tpu.memory_space<hbm>>) target(%arg8 : memref<128xi32, #tpu.memory_space<vmem>>) target_semaphore(%run_scoped3A : memref<!tpu.dma_semaphore, #tpu.memory_space<semaphore_mem>>)
        %dma_wait3A_126 = tpu.memref_slice %arg3[%add3A_112] : memref<1280000xi32, #tpu.memory_space<hbm>> -> memref<128xi32, #tpu.memory_space<hbm>>
        %dma_wait3A_127 = tpu.memref_slice %arg3[%add3A_112] : memref<1280000xi32, #tpu.memory_space<hbm>> -> memref<128xi32, #tpu.memory_space<hbm>>
        tpu.wait_dma2 semaphore(%run_scoped3A : memref<!tpu.dma_semaphore, #tpu.memory_space<semaphore_mem>>) src(%dma_wait3A_127 : memref<128xi32, #tpu.memory_space<hbm>>) dst(%arg8 : memref<128xi32, #tpu.memory_space<vmem>>)
        tpu.yield
      }) : () -> ()
      "tpu.region"() ({
        %run_scoped3A = tpu.sem_alloc : memref<!tpu.dma_semaphore, #tpu.memory_space<semaphore_mem>>
        %dma_start3A_124 = tpu.memref_slice %arg4[%add3A_117] : memref<640000xi32, #tpu.memory_space<hbm>> -> memref<128xi32, #tpu.memory_space<hbm>>
        %dma_start3A_125 = tpu.memref_slice %arg4[%add3A_117] : memref<640000xi32, #tpu.memory_space<hbm>> -> memref<128xi32, #tpu.memory_space<hbm>>
        tpu.enqueue_dma source(%dma_start3A_125 : memref<128xi32, #tpu.memory_space<hbm>>) target(%arg9 : memref<128xi32, #tpu.memory_space<vmem>>) target_semaphore(%run_scoped3A : memref<!tpu.dma_semaphore, #tpu.memory_space<semaphore_mem>>)
        %dma_wait3A_126 = tpu.memref_slice %arg4[%add3A_117] : memref<640000xi32, #tpu.memory_space<hbm>> -> memref<128xi32, #tpu.memory_space<hbm>>
        %dma_wait3A_127 = tpu.memref_slice %arg4[%add3A_117] : memref<640000xi32, #tpu.memory_space<hbm>> -> memref<128xi32, #tpu.memory_space<hbm>>
        tpu.wait_dma2 semaphore(%run_scoped3A : memref<!tpu.dma_semaphore, #tpu.memory_space<semaphore_mem>>) src(%dma_wait3A_127 : memref<128xi32, #tpu.memory_space<hbm>>) dst(%arg9 : memref<128xi32, #tpu.memory_space<vmem>>)
        tpu.yield
      }) : () -> ()
      %dma_start3A_118 = arith.constant 0 : i32
      %dma_start3A_119 = arith.constant 0 : i32
      %dma_start3A_120 = tpu.memref_slice %arg2[%dma_start3A_118, %dma_start3A_119] : memref<40000x128xf32, #tpu.memory_space<hbm>> -> memref<40000x128xf32, #tpu.memory_space<hbm>>
      tpu.enqueue_indirect_dma source(%dma_start3A_120 : memref<40000x128xf32, #tpu.memory_space<hbm>>) target(%arg12 : memref<128x128xf32, #tpu.memory_space<vmem>>) offsets(%arg8 : memref<128xi32, #tpu.memory_space<vmem>>) semaphore(%arg20 : memref<!tpu.dma_semaphore, #tpu.memory_space<semaphore_mem>>)
      %dma_wait3A_121 = arith.constant 0 : i32
      %dma_wait3A_122 = arith.constant 0 : i32
      %dma_wait3A_123 = tpu.memref_slice %arg2[%dma_wait3A_121, %dma_wait3A_122] : memref<40000x128xf32, #tpu.memory_space<hbm>> -> memref<40000x128xf32, #tpu.memory_space<hbm>>
      tpu.wait_indirect_dma semaphore(%arg20 : memref<!tpu.dma_semaphore, #tpu.memory_space<semaphore_mem>>) src(%dma_wait3A_123 : memref<40000x128xf32, #tpu.memory_space<hbm>>) dst(%arg12 : memref<128x128xf32, #tpu.memory_space<vmem>>)
      "tpu.region"() ({
        %run_scoped3A = tpu.sem_alloc : memref<!tpu.dma_semaphore, #tpu.memory_space<semaphore_mem>>
        %dma_start3A_124 = arith.constant 0 : i32
        %dma_start3A_125 = arith.constant 0 : i32
        %dma_start3A_126 = tpu.memref_slice %arg7[%dma_start3A_124, %dma_start3A_125] : memref<10000x128xf32, #tpu.memory_space<vmem_shared>> -> memref<10000x128xf32, #tpu.memory_space<vmem_shared>>
        tpu.enqueue_indirect_dma source(%arg12 : memref<128x128xf32, #tpu.memory_space<vmem>>) target(%dma_start3A_126 : memref<10000x128xf32, #tpu.memory_space<vmem_shared>>) offsets(%arg9 : memref<128xi32, #tpu.memory_space<vmem>>) semaphore(%run_scoped3A : memref<!tpu.dma_semaphore, #tpu.memory_space<semaphore_mem>>) {add = true}
        %dma_wait3A_127 = arith.constant 0 : i32
        %dma_wait3A_128 = arith.constant 0 : i32
        %dma_wait3A_129 = tpu.memref_slice %arg7[%dma_wait3A_127, %dma_wait3A_128] : memref<10000x128xf32, #tpu.memory_space<vmem_shared>> -> memref<10000x128xf32, #tpu.memory_space<vmem_shared>>
        tpu.wait_indirect_dma semaphore(%run_scoped3A : memref<!tpu.dma_semaphore, #tpu.memory_space<semaphore_mem>>) src(%arg12 : memref<128x128xf32, #tpu.memory_space<vmem>>) dst(%dma_wait3A_129 : memref<10000x128xf32, #tpu.memory_space<vmem_shared>>)
        tpu.yield
      }) : () -> ()
    } else {
    }
    %barrier3A_38 = arith.constant 0 : index
    tpu.barrier barrier_id(%barrier3A_38)
    %lt3A_39 = arith.constant 15 : i32
    %lt3A_40 = arith.cmpi slt, %arg1, %lt3A_39 : i32
    %convert_element_type3A_41 = arith.extui %lt3A_40 : i1 to i32
    %cond3A_42 = arith.constant 0 : i32
    %cond3A_43 = arith.cmpi ne, %convert_element_type3A_41, %cond3A_42 : i32
    scf.if %cond3A_43 {
      %mul3A_108 = arith.constant 10000 : i32
      %mul3A_109 = arith.muli %arg0, %mul3A_108 : i32
      %add3A_110 = arith.addi %mul3A_109, %mul3A_0 : i32
      "tpu.region"() ({
        %run_scoped3A = tpu.sem_alloc : memref<!tpu.dma_semaphore, #tpu.memory_space<semaphore_mem>>
        %dma_start3A_111 = arith.constant 0 : i32
        %dma_start3A_112 = tpu.memref_slice %arg6[%add3A_110, %dma_start3A_111] : memref<20000x256xf32, #tpu.memory_space<hbm>> -> memref<640x128xf32, #tpu.memory_space<hbm>>
        %dma_start3A_113 = arith.constant 0 : i32
        %dma_start3A_114 = tpu.memref_slice %arg7[%mul3A_0, %dma_start3A_113] : memref<10000x128xf32, #tpu.memory_space<vmem_shared>> -> memref<640x128xf32, #tpu.memory_space<vmem_shared>>
        tpu.enqueue_dma source(%dma_start3A_114 : memref<640x128xf32, #tpu.memory_space<vmem_shared>>) target(%dma_start3A_112 : memref<640x128xf32, #tpu.memory_space<hbm>>) target_semaphore(%run_scoped3A : memref<!tpu.dma_semaphore, #tpu.memory_space<semaphore_mem>>)
        %dma_wait3A_115 = arith.constant 0 : i32
        %dma_wait3A_116 = tpu.memref_slice %arg6[%add3A_110, %dma_wait3A_115] : memref<20000x256xf32, #tpu.memory_space<hbm>> -> memref<640x128xf32, #tpu.memory_space<hbm>>
        %dma_wait3A_117 = arith.constant 0 : i32
        %dma_wait3A_118 = tpu.memref_slice %arg7[%mul3A_0, %dma_wait3A_117] : memref<10000x128xf32, #tpu.memory_space<vmem_shared>> -> memref<640x128xf32, #tpu.memory_space<vmem_shared>>
        tpu.wait_dma2 semaphore(%run_scoped3A : memref<!tpu.dma_semaphore, #tpu.memory_space<semaphore_mem>>) src(%dma_wait3A_118 : memref<640x128xf32, #tpu.memory_space<vmem_shared>>) dst(%dma_wait3A_116 : memref<640x128xf32, #tpu.memory_space<hbm>>)
        tpu.yield
      }) : () -> ()
    } else {
    }
    %eq3A_44 = arith.constant 15 : i32
    %eq3A_45 = arith.cmpi eq, %arg1, %eq3A_44 : i32
    %convert_element_type3A_46 = arith.extui %eq3A_45 : i1 to i32
    %cond3A_47 = arith.constant 0 : i32
    %cond3A_48 = arith.cmpi ne, %convert_element_type3A_46, %cond3A_47 : i32
    scf.if %cond3A_48 {
      %mul3A_108 = arith.constant 10000 : i32
      %mul3A_109 = arith.muli %arg0, %mul3A_108 : i32
      %add3A_110 = arith.addi %mul3A_109, %mul3A_0 : i32
      "tpu.region"() ({
        %run_scoped3A = tpu.sem_alloc : memref<!tpu.dma_semaphore, #tpu.memory_space<semaphore_mem>>
        %dma_start3A_111 = arith.constant 0 : i32
        %dma_start3A_112 = tpu.memref_slice %arg6[%add3A_110, %dma_start3A_111] : memref<20000x256xf32, #tpu.memory_space<hbm>> -> memref<400x128xf32, #tpu.memory_space<hbm>>
        %dma_start3A_113 = arith.constant 0 : i32
        %dma_start3A_114 = tpu.memref_slice %arg7[%mul3A_0, %dma_start3A_113] : memref<10000x128xf32, #tpu.memory_space<vmem_shared>> -> memref<400x128xf32, #tpu.memory_space<vmem_shared>>
        tpu.enqueue_dma source(%dma_start3A_114 : memref<400x128xf32, #tpu.memory_space<vmem_shared>>) target(%dma_start3A_112 : memref<400x128xf32, #tpu.memory_space<hbm>>) target_semaphore(%run_scoped3A : memref<!tpu.dma_semaphore, #tpu.memory_space<semaphore_mem>>)
        %dma_wait3A_115 = arith.constant 0 : i32
        %dma_wait3A_116 = tpu.memref_slice %arg6[%add3A_110, %dma_wait3A_115] : memref<20000x256xf32, #tpu.memory_space<hbm>> -> memref<400x128xf32, #tpu.memory_space<hbm>>
        %dma_wait3A_117 = arith.constant 0 : i32
        %dma_wait3A_118 = tpu.memref_slice %arg7[%mul3A_0, %dma_wait3A_117] : memref<10000x128xf32, #tpu.memory_space<vmem_shared>> -> memref<400x128xf32, #tpu.memory_space<vmem_shared>>
        tpu.wait_dma2 semaphore(%run_scoped3A : memref<!tpu.dma_semaphore, #tpu.memory_space<semaphore_mem>>) src(%dma_wait3A_118 : memref<400x128xf32, #tpu.memory_space<vmem_shared>>) dst(%dma_wait3A_116 : memref<400x128xf32, #tpu.memory_space<hbm>>)
        tpu.yield
      }) : () -> ()
    } else {
    }
    %barrier3A_49 = arith.constant 0 : index
    tpu.barrier barrier_id(%barrier3A_49)
    %mul3A_50 = arith.constant 2 : i32
    %mul3A_51 = arith.muli %mul3A_50, %arg0 : i32
    %add3A_52 = arith.constant 1 : i32
    %add3A_53 = arith.addi %mul3A_51, %add3A_52 : i32
    %mul3A_54 = arith.constant 320000 : i32
    %mul3A_55 = arith.muli %add3A_53, %mul3A_54 : i32
    %mul3A_56 = arith.constant 320000 : i32
    %mul3A_57 = arith.muli %arg0, %mul3A_56 : i32
    %lt3A_58 = arith.constant 15 : i32
    %lt3A_59 = arith.cmpi slt, %arg1, %lt3A_58 : i32
    %convert_element_type3A_60 = arith.extui %lt3A_59 : i1 to i32
    %cond3A_61 = arith.constant 0 : i32
    %cond3A_62 = arith.cmpi ne, %convert_element_type3A_60, %cond3A_61 : i32
    scf.if %cond3A_62 {
      "tpu.region"() ({
        %run_scoped3A = tpu.sem_alloc : memref<!tpu.dma_semaphore, #tpu.memory_space<semaphore_mem>>
        %dma_start3A_108 = arith.constant 0 : i32
        %dma_start3A_109 = tpu.memref_slice %arg7[%mul3A_0, %dma_start3A_108] : memref<10000x128xf32, #tpu.memory_space<vmem_shared>> -> memref<640x128xf32, #tpu.memory_space<vmem_shared>>
        %dma_start3A_110 = arith.constant 0 : i32
        %dma_start3A_111 = tpu.memref_slice %arg5[%mul3A_0, %dma_start3A_110] : memref<10000x128xf32, #tpu.memory_space<hbm>> -> memref<640x128xf32, #tpu.memory_space<hbm>>
        tpu.enqueue_dma source(%dma_start3A_111 : memref<640x128xf32, #tpu.memory_space<hbm>>) target(%dma_start3A_109 : memref<640x128xf32, #tpu.memory_space<vmem_shared>>) target_semaphore(%run_scoped3A : memref<!tpu.dma_semaphore, #tpu.memory_space<semaphore_mem>>)
        %dma_wait3A_112 = arith.constant 0 : i32
        %dma_wait3A_113 = tpu.memref_slice %arg7[%mul3A_0, %dma_wait3A_112] : memref<10000x128xf32, #tpu.memory_space<vmem_shared>> -> memref<640x128xf32, #tpu.memory_space<vmem_shared>>
        %dma_wait3A_114 = arith.constant 0 : i32
        %dma_wait3A_115 = tpu.memref_slice %arg5[%mul3A_0, %dma_wait3A_114] : memref<10000x128xf32, #tpu.memory_space<hbm>> -> memref<640x128xf32, #tpu.memory_space<hbm>>
        tpu.wait_dma2 semaphore(%run_scoped3A : memref<!tpu.dma_semaphore, #tpu.memory_space<semaphore_mem>>) src(%dma_wait3A_115 : memref<640x128xf32, #tpu.memory_space<hbm>>) dst(%dma_wait3A_113 : memref<640x128xf32, #tpu.memory_space<vmem_shared>>)
        tpu.yield
      }) : () -> ()
    } else {
    }
    %eq3A_63 = arith.constant 15 : i32
    %eq3A_64 = arith.cmpi eq, %arg1, %eq3A_63 : i32
    %convert_element_type3A_65 = arith.extui %eq3A_64 : i1 to i32
    %cond3A_66 = arith.constant 0 : i32
    %cond3A_67 = arith.cmpi ne, %convert_element_type3A_65, %cond3A_66 : i32
    scf.if %cond3A_67 {
      "tpu.region"() ({
        %run_scoped3A = tpu.sem_alloc : memref<!tpu.dma_semaphore, #tpu.memory_space<semaphore_mem>>
        %dma_start3A_108 = arith.constant 0 : i32
        %dma_start3A_109 = tpu.memref_slice %arg7[%mul3A_0, %dma_start3A_108] : memref<10000x128xf32, #tpu.memory_space<vmem_shared>> -> memref<400x128xf32, #tpu.memory_space<vmem_shared>>
        %dma_start3A_110 = arith.constant 0 : i32
        %dma_start3A_111 = tpu.memref_slice %arg5[%mul3A_0, %dma_start3A_110] : memref<10000x128xf32, #tpu.memory_space<hbm>> -> memref<400x128xf32, #tpu.memory_space<hbm>>
        tpu.enqueue_dma source(%dma_start3A_111 : memref<400x128xf32, #tpu.memory_space<hbm>>) target(%dma_start3A_109 : memref<400x128xf32, #tpu.memory_space<vmem_shared>>) target_semaphore(%run_scoped3A : memref<!tpu.dma_semaphore, #tpu.memory_space<semaphore_mem>>)
        %dma_wait3A_112 = arith.constant 0 : i32
        %dma_wait3A_113 = tpu.memref_slice %arg7[%mul3A_0, %dma_wait3A_112] : memref<10000x128xf32, #tpu.memory_space<vmem_shared>> -> memref<400x128xf32, #tpu.memory_space<vmem_shared>>
        %dma_wait3A_114 = arith.constant 0 : i32
        %dma_wait3A_115 = tpu.memref_slice %arg5[%mul3A_0, %dma_wait3A_114] : memref<10000x128xf32, #tpu.memory_space<hbm>> -> memref<400x128xf32, #tpu.memory_space<hbm>>
        tpu.wait_dma2 semaphore(%run_scoped3A : memref<!tpu.dma_semaphore, #tpu.memory_space<semaphore_mem>>) src(%dma_wait3A_115 : memref<400x128xf32, #tpu.memory_space<hbm>>) dst(%dma_wait3A_113 : memref<400x128xf32, #tpu.memory_space<vmem_shared>>)
        tpu.yield
      }) : () -> ()
    } else {
    }
    %barrier3A_68 = arith.constant 0 : index
    tpu.barrier barrier_id(%barrier3A_68)
    %add3A_69 = arith.constant 0 : i32
    %add3A_70 = arith.addi %arg1, %add3A_69 : i32
    %mul3A_71 = arith.constant 128 : i32
    %mul3A_72 = arith.muli %add3A_70, %mul3A_71 : i32
    %add3A_73 = arith.addi %mul3A_55, %mul3A_72 : i32
    "tpu.region"() ({
      %run_scoped3A = tpu.sem_alloc : memref<!tpu.dma_semaphore, #tpu.memory_space<semaphore_mem>>
      %dma_start3A_108 = tpu.memref_slice %arg3[%add3A_73] : memref<1280000xi32, #tpu.memory_space<hbm>> -> memref<128xi32, #tpu.memory_space<hbm>>
      %dma_start3A_109 = tpu.memref_slice %arg3[%add3A_73] : memref<1280000xi32, #tpu.memory_space<hbm>> -> memref<128xi32, #tpu.memory_space<hbm>>
      tpu.enqueue_dma source(%dma_start3A_109 : memref<128xi32, #tpu.memory_space<hbm>>) target(%arg8 : memref<128xi32, #tpu.memory_space<vmem>>) target_semaphore(%run_scoped3A : memref<!tpu.dma_semaphore, #tpu.memory_space<semaphore_mem>>)
      %dma_wait3A_110 = tpu.memref_slice %arg3[%add3A_73] : memref<1280000xi32, #tpu.memory_space<hbm>> -> memref<128xi32, #tpu.memory_space<hbm>>
      %dma_wait3A_111 = tpu.memref_slice %arg3[%add3A_73] : memref<1280000xi32, #tpu.memory_space<hbm>> -> memref<128xi32, #tpu.memory_space<hbm>>
      tpu.wait_dma2 semaphore(%run_scoped3A : memref<!tpu.dma_semaphore, #tpu.memory_space<semaphore_mem>>) src(%dma_wait3A_111 : memref<128xi32, #tpu.memory_space<hbm>>) dst(%arg8 : memref<128xi32, #tpu.memory_space<vmem>>)
      tpu.yield
    }) : () -> ()
    %add3A_74 = arith.constant 0 : i32
    %add3A_75 = arith.addi %arg1, %add3A_74 : i32
    %mul3A_76 = arith.constant 128 : i32
    %mul3A_77 = arith.muli %add3A_75, %mul3A_76 : i32
    %add3A_78 = arith.addi %mul3A_57, %mul3A_77 : i32
    "tpu.region"() ({
      %run_scoped3A = tpu.sem_alloc : memref<!tpu.dma_semaphore, #tpu.memory_space<semaphore_mem>>
      %dma_start3A_108 = tpu.memref_slice %arg4[%add3A_78] : memref<640000xi32, #tpu.memory_space<hbm>> -> memref<128xi32, #tpu.memory_space<hbm>>
      %dma_start3A_109 = tpu.memref_slice %arg4[%add3A_78] : memref<640000xi32, #tpu.memory_space<hbm>> -> memref<128xi32, #tpu.memory_space<hbm>>
      tpu.enqueue_dma source(%dma_start3A_109 : memref<128xi32, #tpu.memory_space<hbm>>) target(%arg9 : memref<128xi32, #tpu.memory_space<vmem>>) target_semaphore(%run_scoped3A : memref<!tpu.dma_semaphore, #tpu.memory_space<semaphore_mem>>)
      %dma_wait3A_110 = tpu.memref_slice %arg4[%add3A_78] : memref<640000xi32, #tpu.memory_space<hbm>> -> memref<128xi32, #tpu.memory_space<hbm>>
      %dma_wait3A_111 = tpu.memref_slice %arg4[%add3A_78] : memref<640000xi32, #tpu.memory_space<hbm>> -> memref<128xi32, #tpu.memory_space<hbm>>
      tpu.wait_dma2 semaphore(%run_scoped3A : memref<!tpu.dma_semaphore, #tpu.memory_space<semaphore_mem>>) src(%dma_wait3A_111 : memref<128xi32, #tpu.memory_space<hbm>>) dst(%arg9 : memref<128xi32, #tpu.memory_space<vmem>>)
      tpu.yield
    }) : () -> ()
    %dma_start3A_79 = arith.constant 0 : i32
    %dma_start3A_80 = arith.constant 0 : i32
    %dma_start3A_81 = tpu.memref_slice %arg2[%dma_start3A_79, %dma_start3A_80] : memref<40000x128xf32, #tpu.memory_space<hbm>> -> memref<40000x128xf32, #tpu.memory_space<hbm>>
    tpu.enqueue_indirect_dma source(%dma_start3A_81 : memref<40000x128xf32, #tpu.memory_space<hbm>>) target(%arg12 : memref<128x128xf32, #tpu.memory_space<vmem>>) offsets(%arg8 : memref<128xi32, #tpu.memory_space<vmem>>) semaphore(%arg14 : memref<!tpu.dma_semaphore, #tpu.memory_space<semaphore_mem>>)
    %scan3A_82 = arith.constant 0 : i32
    %scan3A_83 = arith.constant 0 : i32
    %scan3A_84 = arith.constant 78 : i32
    %scan3A_85 = arith.addi %scan3A_83, %scan3A_84 : i32
    %scan3A_86 = arith.constant 1 : i32
    scf.for %scan3A_108 = %scan3A_83 to %scan3A_85 step %scan3A_86  : i32 {
      %gt3A = arith.constant 0 : i32
      %gt3A_109 = arith.cmpi sgt, %scan3A_108, %gt3A : i32
      %convert_element_type3A_110 = arith.extui %gt3A_109 : i1 to i32
      %cond3A_111 = arith.constant 0 : i32
      %cond3A_112 = arith.cmpi ne, %convert_element_type3A_110, %cond3A_111 : i32
      scf.if %cond3A_112 {
        %dma_wait3A_179 = arith.constant 0 : i32
        %dma_wait3A_180 = arith.constant 0 : i32
        %dma_wait3A_181 = tpu.memref_slice %arg7[%dma_wait3A_179, %dma_wait3A_180] : memref<10000x128xf32, #tpu.memory_space<vmem_shared>> -> memref<10000x128xf32, #tpu.memory_space<vmem_shared>>
        tpu.wait_indirect_dma semaphore(%arg17 : memref<!tpu.dma_semaphore, #tpu.memory_space<semaphore_mem>>) src(%arg13 : memref<128x128xf32, #tpu.memory_space<vmem>>) dst(%dma_wait3A_181 : memref<10000x128xf32, #tpu.memory_space<vmem_shared>>)
      } else {
      }
      %mul3A_113 = arith.constant 2 : i32
      %mul3A_114 = arith.muli %mul3A_113, %scan3A_108 : i32
      %add3A_115 = arith.constant 1 : i32
      %add3A_116 = arith.addi %mul3A_114, %add3A_115 : i32
      %mul3A_117 = arith.constant 16 : i32
      %mul3A_118 = arith.muli %add3A_116, %mul3A_117 : i32
      %add3A_119 = arith.addi %arg1, %mul3A_118 : i32
      %mul3A_120 = arith.constant 128 : i32
      %mul3A_121 = arith.muli %add3A_119, %mul3A_120 : i32
      %add3A_122 = arith.addi %mul3A_55, %mul3A_121 : i32
      %dma_start3A_123 = tpu.memref_slice %arg3[%add3A_122] : memref<1280000xi32, #tpu.memory_space<hbm>> -> memref<128xi32, #tpu.memory_space<hbm>>
      %dma_start3A_124 = tpu.memref_slice %arg3[%add3A_122] : memref<1280000xi32, #tpu.memory_space<hbm>> -> memref<128xi32, #tpu.memory_space<hbm>>
      tpu.enqueue_dma source(%dma_start3A_124 : memref<128xi32, #tpu.memory_space<hbm>>) target(%arg10 : memref<128xi32, #tpu.memory_space<vmem>>) target_semaphore(%arg19 : memref<!tpu.dma_semaphore, #tpu.memory_space<semaphore_mem>>)
      %mul3A_125 = arith.constant 2 : i32
      %mul3A_126 = arith.muli %mul3A_125, %scan3A_108 : i32
      %add3A_127 = arith.constant 1 : i32
      %add3A_128 = arith.addi %mul3A_126, %add3A_127 : i32
      %mul3A_129 = arith.constant 16 : i32
      %mul3A_130 = arith.muli %add3A_128, %mul3A_129 : i32
      %add3A_131 = arith.addi %arg1, %mul3A_130 : i32
      %mul3A_132 = arith.constant 128 : i32
      %mul3A_133 = arith.muli %add3A_131, %mul3A_132 : i32
      %add3A_134 = arith.addi %mul3A_57, %mul3A_133 : i32
      %dma_start3A_135 = tpu.memref_slice %arg4[%add3A_134] : memref<640000xi32, #tpu.memory_space<hbm>> -> memref<128xi32, #tpu.memory_space<hbm>>
      %dma_start3A_136 = tpu.memref_slice %arg4[%add3A_134] : memref<640000xi32, #tpu.memory_space<hbm>> -> memref<128xi32, #tpu.memory_space<hbm>>
      tpu.enqueue_dma source(%dma_start3A_136 : memref<128xi32, #tpu.memory_space<hbm>>) target(%arg11 : memref<128xi32, #tpu.memory_space<vmem>>) target_semaphore(%arg19 : memref<!tpu.dma_semaphore, #tpu.memory_space<semaphore_mem>>)
      %dma_wait3A_137 = arith.constant 0 : i32
      %dma_wait3A_138 = arith.constant 0 : i32
      %dma_wait3A_139 = tpu.memref_slice %arg2[%dma_wait3A_137, %dma_wait3A_138] : memref<40000x128xf32, #tpu.memory_space<hbm>> -> memref<40000x128xf32, #tpu.memory_space<hbm>>
      tpu.wait_indirect_dma semaphore(%arg14 : memref<!tpu.dma_semaphore, #tpu.memory_space<semaphore_mem>>) src(%dma_wait3A_139 : memref<40000x128xf32, #tpu.memory_space<hbm>>) dst(%arg12 : memref<128x128xf32, #tpu.memory_space<vmem>>)
      %add3A_140 = arith.constant 0 : i32
      %add3A_141 = arith.addi %arg1, %add3A_140 : i32
      %mul3A_142 = arith.constant 128 : i32
      %mul3A_143 = arith.muli %add3A_141, %mul3A_142 : i32
      %add3A_144 = arith.addi %mul3A_55, %mul3A_143 : i32
      %dma_wait3A_145 = tpu.memref_slice %arg3[%add3A_144] : memref<1280000xi32, #tpu.memory_space<hbm>> -> memref<128xi32, #tpu.memory_space<hbm>>
      %dma_wait3A_146 = tpu.memref_slice %arg3[%add3A_144] : memref<1280000xi32, #tpu.memory_space<hbm>> -> memref<128xi32, #tpu.memory_space<hbm>>
      tpu.wait_dma2 semaphore(%arg19 : memref<!tpu.dma_semaphore, #tpu.memory_space<semaphore_mem>>) src(%dma_wait3A_146 : memref<128xi32, #tpu.memory_space<hbm>>) dst(%arg10 : memref<128xi32, #tpu.memory_space<vmem>>)
      %add3A_147 = arith.constant 0 : i32
      %add3A_148 = arith.addi %arg1, %add3A_147 : i32
      %mul3A_149 = arith.constant 128 : i32
      %mul3A_150 = arith.muli %add3A_148, %mul3A_149 : i32
      %add3A_151 = arith.addi %mul3A_57, %mul3A_150 : i32
      %dma_wait3A_152 = tpu.memref_slice %arg4[%add3A_151] : memref<640000xi32, #tpu.memory_space<hbm>> -> memref<128xi32, #tpu.memory_space<hbm>>
      %dma_wait3A_153 = tpu.memref_slice %arg4[%add3A_151] : memref<640000xi32, #tpu.memory_space<hbm>> -> memref<128xi32, #tpu.memory_space<hbm>>
      tpu.wait_dma2 semaphore(%arg19 : memref<!tpu.dma_semaphore, #tpu.memory_space<semaphore_mem>>) src(%dma_wait3A_153 : memref<128xi32, #tpu.memory_space<hbm>>) dst(%arg11 : memref<128xi32, #tpu.memory_space<vmem>>)
      %dma_start3A_154 = arith.constant 0 : i32
      %dma_start3A_155 = arith.constant 0 : i32
      %dma_start3A_156 = tpu.memref_slice %arg2[%dma_start3A_154, %dma_start3A_155] : memref<40000x128xf32, #tpu.memory_space<hbm>> -> memref<40000x128xf32, #tpu.memory_space<hbm>>
      tpu.enqueue_indirect_dma source(%dma_start3A_156 : memref<40000x128xf32, #tpu.memory_space<hbm>>) target(%arg13 : memref<128x128xf32, #tpu.memory_space<vmem>>) offsets(%arg10 : memref<128xi32, #tpu.memory_space<vmem>>) semaphore(%arg15 : memref<!tpu.dma_semaphore, #tpu.memory_space<semaphore_mem>>)
      %dma_start3A_157 = arith.constant 0 : i32
      %dma_start3A_158 = arith.constant 0 : i32
      %dma_start3A_159 = tpu.memref_slice %arg7[%dma_start3A_157, %dma_start3A_158] : memref<10000x128xf32, #tpu.memory_space<vmem_shared>> -> memref<10000x128xf32, #tpu.memory_space<vmem_shared>>
      tpu.enqueue_indirect_dma source(%arg12 : memref<128x128xf32, #tpu.memory_space<vmem>>) target(%dma_start3A_159 : memref<10000x128xf32, #tpu.memory_space<vmem_shared>>) offsets(%arg9 : memref<128xi32, #tpu.memory_space<vmem>>) semaphore(%arg16 : memref<!tpu.dma_semaphore, #tpu.memory_space<semaphore_mem>>) {add = true}
      %dma_wait3A_160 = arith.constant 0 : i32
      %dma_wait3A_161 = arith.constant 0 : i32
      %dma_wait3A_162 = tpu.memref_slice %arg7[%dma_wait3A_160, %dma_wait3A_161] : memref<10000x128xf32, #tpu.memory_space<vmem_shared>> -> memref<10000x128xf32, #tpu.memory_space<vmem_shared>>
      tpu.wait_indirect_dma semaphore(%arg16 : memref<!tpu.dma_semaphore, #tpu.memory_space<semaphore_mem>>) src(%arg12 : memref<128x128xf32, #tpu.memory_space<vmem>>) dst(%dma_wait3A_162 : memref<10000x128xf32, #tpu.memory_space<vmem_shared>>)
      %lt3A_163 = arith.constant 77 : i32
      %lt3A_164 = arith.cmpi slt, %scan3A_108, %lt3A_163 : i32
      %convert_element_type3A_165 = arith.extui %lt3A_164 : i1 to i32
      %cond3A_166 = arith.constant 0 : i32
      %cond3A_167 = arith.cmpi ne, %convert_element_type3A_165, %cond3A_166 : i32
      scf.if %cond3A_167 {
        %mul3A_179 = arith.constant 2 : i32
        %mul3A_180 = arith.muli %mul3A_179, %scan3A_108 : i32
        %add3A_181 = arith.constant 2 : i32
        %add3A_182 = arith.addi %mul3A_180, %add3A_181 : i32
        %mul3A_183 = arith.constant 16 : i32
        %mul3A_184 = arith.muli %add3A_182, %mul3A_183 : i32
        %add3A_185 = arith.addi %arg1, %mul3A_184 : i32
        %mul3A_186 = arith.constant 128 : i32
        %mul3A_187 = arith.muli %add3A_185, %mul3A_186 : i32
        %add3A_188 = arith.addi %mul3A_55, %mul3A_187 : i32
        %dma_start3A_189 = tpu.memref_slice %arg3[%add3A_188] : memref<1280000xi32, #tpu.memory_space<hbm>> -> memref<128xi32, #tpu.memory_space<hbm>>
        %dma_start3A_190 = tpu.memref_slice %arg3[%add3A_188] : memref<1280000xi32, #tpu.memory_space<hbm>> -> memref<128xi32, #tpu.memory_space<hbm>>
        tpu.enqueue_dma source(%dma_start3A_190 : memref<128xi32, #tpu.memory_space<hbm>>) target(%arg8 : memref<128xi32, #tpu.memory_space<vmem>>) target_semaphore(%arg18 : memref<!tpu.dma_semaphore, #tpu.memory_space<semaphore_mem>>)
        %mul3A_191 = arith.constant 2 : i32
        %mul3A_192 = arith.muli %mul3A_191, %scan3A_108 : i32
        %add3A_193 = arith.constant 2 : i32
        %add3A_194 = arith.addi %mul3A_192, %add3A_193 : i32
        %mul3A_195 = arith.constant 16 : i32
        %mul3A_196 = arith.muli %add3A_194, %mul3A_195 : i32
        %add3A_197 = arith.addi %arg1, %mul3A_196 : i32
        %mul3A_198 = arith.constant 128 : i32
        %mul3A_199 = arith.muli %add3A_197, %mul3A_198 : i32
        %add3A_200 = arith.addi %mul3A_57, %mul3A_199 : i32
        %dma_start3A_201 = tpu.memref_slice %arg4[%add3A_200] : memref<640000xi32, #tpu.memory_space<hbm>> -> memref<128xi32, #tpu.memory_space<hbm>>
        %dma_start3A_202 = tpu.memref_slice %arg4[%add3A_200] : memref<640000xi32, #tpu.memory_space<hbm>> -> memref<128xi32, #tpu.memory_space<hbm>>
        tpu.enqueue_dma source(%dma_start3A_202 : memref<128xi32, #tpu.memory_space<hbm>>) target(%arg9 : memref<128xi32, #tpu.memory_space<vmem>>) target_semaphore(%arg18 : memref<!tpu.dma_semaphore, #tpu.memory_space<semaphore_mem>>)
      } else {
      }
      %dma_wait3A_168 = arith.constant 0 : i32
      %dma_wait3A_169 = arith.constant 0 : i32
      %dma_wait3A_170 = tpu.memref_slice %arg2[%dma_wait3A_168, %dma_wait3A_169] : memref<40000x128xf32, #tpu.memory_space<hbm>> -> memref<40000x128xf32, #tpu.memory_space<hbm>>
      tpu.wait_indirect_dma semaphore(%arg15 : memref<!tpu.dma_semaphore, #tpu.memory_space<semaphore_mem>>) src(%dma_wait3A_170 : memref<40000x128xf32, #tpu.memory_space<hbm>>) dst(%arg13 : memref<128x128xf32, #tpu.memory_space<vmem>>)
      %dma_start3A_171 = arith.constant 0 : i32
      %dma_start3A_172 = arith.constant 0 : i32
      %dma_start3A_173 = tpu.memref_slice %arg7[%dma_start3A_171, %dma_start3A_172] : memref<10000x128xf32, #tpu.memory_space<vmem_shared>> -> memref<10000x128xf32, #tpu.memory_space<vmem_shared>>
      tpu.enqueue_indirect_dma source(%arg13 : memref<128x128xf32, #tpu.memory_space<vmem>>) target(%dma_start3A_173 : memref<10000x128xf32, #tpu.memory_space<vmem_shared>>) offsets(%arg11 : memref<128xi32, #tpu.memory_space<vmem>>) semaphore(%arg17 : memref<!tpu.dma_semaphore, #tpu.memory_space<semaphore_mem>>) {add = true}
      %lt3A_174 = arith.constant 77 : i32
      %lt3A_175 = arith.cmpi slt, %scan3A_108, %lt3A_174 : i32
      %convert_element_type3A_176 = arith.extui %lt3A_175 : i1 to i32
      %cond3A_177 = arith.constant 0 : i32
      %cond3A_178 = arith.cmpi ne, %convert_element_type3A_176, %cond3A_177 : i32
      scf.if %cond3A_178 {
        %add3A_179 = arith.constant 0 : i32
        %add3A_180 = arith.addi %arg1, %add3A_179 : i32
        %mul3A_181 = arith.constant 128 : i32
        %mul3A_182 = arith.muli %add3A_180, %mul3A_181 : i32
        %add3A_183 = arith.addi %mul3A_55, %mul3A_182 : i32
        %dma_wait3A_184 = tpu.memref_slice %arg3[%add3A_183] : memref<1280000xi32, #tpu.memory_space<hbm>> -> memref<128xi32, #tpu.memory_space<hbm>>
        %dma_wait3A_185 = tpu.memref_slice %arg3[%add3A_183] : memref<1280000xi32, #tpu.memory_space<hbm>> -> memref<128xi32, #tpu.memory_space<hbm>>
        tpu.wait_dma2 semaphore(%arg18 : memref<!tpu.dma_semaphore, #tpu.memory_space<semaphore_mem>>) src(%dma_wait3A_185 : memref<128xi32, #tpu.memory_space<hbm>>) dst(%arg8 : memref<128xi32, #tpu.memory_space<vmem>>)
        %add3A_186 = arith.constant 0 : i32
        %add3A_187 = arith.addi %arg1, %add3A_186 : i32
        %mul3A_188 = arith.constant 128 : i32
        %mul3A_189 = arith.muli %add3A_187, %mul3A_188 : i32
        %add3A_190 = arith.addi %mul3A_57, %mul3A_189 : i32
        %dma_wait3A_191 = tpu.memref_slice %arg4[%add3A_190] : memref<640000xi32, #tpu.memory_space<hbm>> -> memref<128xi32, #tpu.memory_space<hbm>>
        %dma_wait3A_192 = tpu.memref_slice %arg4[%add3A_190] : memref<640000xi32, #tpu.memory_space<hbm>> -> memref<128xi32, #tpu.memory_space<hbm>>
        tpu.wait_dma2 semaphore(%arg18 : memref<!tpu.dma_semaphore, #tpu.memory_space<semaphore_mem>>) src(%dma_wait3A_192 : memref<128xi32, #tpu.memory_space<hbm>>) dst(%arg9 : memref<128xi32, #tpu.memory_space<vmem>>)
        %dma_start3A_193 = arith.constant 0 : i32
        %dma_start3A_194 = arith.constant 0 : i32
        %dma_start3A_195 = tpu.memref_slice %arg2[%dma_start3A_193, %dma_start3A_194] : memref<40000x128xf32, #tpu.memory_space<hbm>> -> memref<40000x128xf32, #tpu.memory_space<hbm>>
        tpu.enqueue_indirect_dma source(%dma_start3A_195 : memref<40000x128xf32, #tpu.memory_space<hbm>>) target(%arg12 : memref<128x128xf32, #tpu.memory_space<vmem>>) offsets(%arg8 : memref<128xi32, #tpu.memory_space<vmem>>) semaphore(%arg14 : memref<!tpu.dma_semaphore, #tpu.memory_space<semaphore_mem>>)
      } else {
      }
    }
    %scan3A_87 = arith.constant 78 : i32
    %dma_wait3A_88 = arith.constant 0 : i32
    %dma_wait3A_89 = arith.constant 0 : i32
    %dma_wait3A_90 = tpu.memref_slice %arg7[%dma_wait3A_88, %dma_wait3A_89] : memref<10000x128xf32, #tpu.memory_space<vmem_shared>> -> memref<10000x128xf32, #tpu.memory_space<vmem_shared>>
    tpu.wait_indirect_dma semaphore(%arg17 : memref<!tpu.dma_semaphore, #tpu.memory_space<semaphore_mem>>) src(%arg13 : memref<128x128xf32, #tpu.memory_space<vmem>>) dst(%dma_wait3A_90 : memref<10000x128xf32, #tpu.memory_space<vmem_shared>>)
    %lt3A_91 = arith.constant 4 : i32
    %lt3A_92 = arith.cmpi slt, %arg1, %lt3A_91 : i32
    %convert_element_type3A_93 = arith.extui %lt3A_92 : i1 to i32
    %cond3A_94 = arith.constant 0 : i32
    %cond3A_95 = arith.cmpi ne, %convert_element_type3A_93, %cond3A_94 : i32
    scf.if %cond3A_95 {
      %add3A_108 = arith.constant 2496 : i32
      %add3A_109 = arith.addi %add3A_108, %arg1 : i32
      %mul3A_110 = arith.constant 128 : i32
      %mul3A_111 = arith.muli %add3A_109, %mul3A_110 : i32
      %add3A_112 = arith.addi %mul3A_55, %mul3A_111 : i32
      %add3A_113 = arith.constant 2496 : i32
      %add3A_114 = arith.addi %add3A_113, %arg1 : i32
      %mul3A_115 = arith.constant 128 : i32
      %mul3A_116 = arith.muli %add3A_114, %mul3A_115 : i32
      %add3A_117 = arith.addi %mul3A_57, %mul3A_116 : i32
      "tpu.region"() ({
        %run_scoped3A = tpu.sem_alloc : memref<!tpu.dma_semaphore, #tpu.memory_space<semaphore_mem>>
        %dma_start3A_124 = tpu.memref_slice %arg3[%add3A_112] : memref<1280000xi32, #tpu.memory_space<hbm>> -> memref<128xi32, #tpu.memory_space<hbm>>
        %dma_start3A_125 = tpu.memref_slice %arg3[%add3A_112] : memref<1280000xi32, #tpu.memory_space<hbm>> -> memref<128xi32, #tpu.memory_space<hbm>>
        tpu.enqueue_dma source(%dma_start3A_125 : memref<128xi32, #tpu.memory_space<hbm>>) target(%arg8 : memref<128xi32, #tpu.memory_space<vmem>>) target_semaphore(%run_scoped3A : memref<!tpu.dma_semaphore, #tpu.memory_space<semaphore_mem>>)
        %dma_wait3A_126 = tpu.memref_slice %arg3[%add3A_112] : memref<1280000xi32, #tpu.memory_space<hbm>> -> memref<128xi32, #tpu.memory_space<hbm>>
        %dma_wait3A_127 = tpu.memref_slice %arg3[%add3A_112] : memref<1280000xi32, #tpu.memory_space<hbm>> -> memref<128xi32, #tpu.memory_space<hbm>>
        tpu.wait_dma2 semaphore(%run_scoped3A : memref<!tpu.dma_semaphore, #tpu.memory_space<semaphore_mem>>) src(%dma_wait3A_127 : memref<128xi32, #tpu.memory_space<hbm>>) dst(%arg8 : memref<128xi32, #tpu.memory_space<vmem>>)
        tpu.yield
      }) : () -> ()
      "tpu.region"() ({
        %run_scoped3A = tpu.sem_alloc : memref<!tpu.dma_semaphore, #tpu.memory_space<semaphore_mem>>
        %dma_start3A_124 = tpu.memref_slice %arg4[%add3A_117] : memref<640000xi32, #tpu.memory_space<hbm>> -> memref<128xi32, #tpu.memory_space<hbm>>
        %dma_start3A_125 = tpu.memref_slice %arg4[%add3A_117] : memref<640000xi32, #tpu.memory_space<hbm>> -> memref<128xi32, #tpu.memory_space<hbm>>
        tpu.enqueue_dma source(%dma_start3A_125 : memref<128xi32, #tpu.memory_space<hbm>>) target(%arg9 : memref<128xi32, #tpu.memory_space<vmem>>) target_semaphore(%run_scoped3A : memref<!tpu.dma_semaphore, #tpu.memory_space<semaphore_mem>>)
        %dma_wait3A_126 = tpu.memref_slice %arg4[%add3A_117] : memref<640000xi32, #tpu.memory_space<hbm>> -> memref<128xi32, #tpu.memory_space<hbm>>
        %dma_wait3A_127 = tpu.memref_slice %arg4[%add3A_117] : memref<640000xi32, #tpu.memory_space<hbm>> -> memref<128xi32, #tpu.memory_space<hbm>>
        tpu.wait_dma2 semaphore(%run_scoped3A : memref<!tpu.dma_semaphore, #tpu.memory_space<semaphore_mem>>) src(%dma_wait3A_127 : memref<128xi32, #tpu.memory_space<hbm>>) dst(%arg9 : memref<128xi32, #tpu.memory_space<vmem>>)
        tpu.yield
      }) : () -> ()
      %dma_start3A_118 = arith.constant 0 : i32
      %dma_start3A_119 = arith.constant 0 : i32
      %dma_start3A_120 = tpu.memref_slice %arg2[%dma_start3A_118, %dma_start3A_119] : memref<40000x128xf32, #tpu.memory_space<hbm>> -> memref<40000x128xf32, #tpu.memory_space<hbm>>
      tpu.enqueue_indirect_dma source(%dma_start3A_120 : memref<40000x128xf32, #tpu.memory_space<hbm>>) target(%arg12 : memref<128x128xf32, #tpu.memory_space<vmem>>) offsets(%arg8 : memref<128xi32, #tpu.memory_space<vmem>>) semaphore(%arg20 : memref<!tpu.dma_semaphore, #tpu.memory_space<semaphore_mem>>)
      %dma_wait3A_121 = arith.constant 0 : i32
      %dma_wait3A_122 = arith.constant 0 : i32
      %dma_wait3A_123 = tpu.memref_slice %arg2[%dma_wait3A_121, %dma_wait3A_122] : memref<40000x128xf32, #tpu.memory_space<hbm>> -> memref<40000x128xf32, #tpu.memory_space<hbm>>
      tpu.wait_indirect_dma semaphore(%arg20 : memref<!tpu.dma_semaphore, #tpu.memory_space<semaphore_mem>>) src(%dma_wait3A_123 : memref<40000x128xf32, #tpu.memory_space<hbm>>) dst(%arg12 : memref<128x128xf32, #tpu.memory_space<vmem>>)
      "tpu.region"() ({
        %run_scoped3A = tpu.sem_alloc : memref<!tpu.dma_semaphore, #tpu.memory_space<semaphore_mem>>
        %dma_start3A_124 = arith.constant 0 : i32
        %dma_start3A_125 = arith.constant 0 : i32
        %dma_start3A_126 = tpu.memref_slice %arg7[%dma_start3A_124, %dma_start3A_125] : memref<10000x128xf32, #tpu.memory_space<vmem_shared>> -> memref<10000x128xf32, #tpu.memory_space<vmem_shared>>
        tpu.enqueue_indirect_dma source(%arg12 : memref<128x128xf32, #tpu.memory_space<vmem>>) target(%dma_start3A_126 : memref<10000x128xf32, #tpu.memory_space<vmem_shared>>) offsets(%arg9 : memref<128xi32, #tpu.memory_space<vmem>>) semaphore(%run_scoped3A : memref<!tpu.dma_semaphore, #tpu.memory_space<semaphore_mem>>) {add = true}
        %dma_wait3A_127 = arith.constant 0 : i32
        %dma_wait3A_128 = arith.constant 0 : i32
        %dma_wait3A_129 = tpu.memref_slice %arg7[%dma_wait3A_127, %dma_wait3A_128] : memref<10000x128xf32, #tpu.memory_space<vmem_shared>> -> memref<10000x128xf32, #tpu.memory_space<vmem_shared>>
        tpu.wait_indirect_dma semaphore(%run_scoped3A : memref<!tpu.dma_semaphore, #tpu.memory_space<semaphore_mem>>) src(%arg12 : memref<128x128xf32, #tpu.memory_space<vmem>>) dst(%dma_wait3A_129 : memref<10000x128xf32, #tpu.memory_space<vmem_shared>>)
        tpu.yield
      }) : () -> ()
    } else {
    }
    %barrier3A_96 = arith.constant 0 : index
    tpu.barrier barrier_id(%barrier3A_96)
    %lt3A_97 = arith.constant 15 : i32
    %lt3A_98 = arith.cmpi slt, %arg1, %lt3A_97 : i32
    %convert_element_type3A_99 = arith.extui %lt3A_98 : i1 to i32
    %cond3A_100 = arith.constant 0 : i32
    %cond3A_101 = arith.cmpi ne, %convert_element_type3A_99, %cond3A_100 : i32
    scf.if %cond3A_101 {
      %mul3A_108 = arith.constant 10000 : i32
      %mul3A_109 = arith.muli %arg0, %mul3A_108 : i32
      %add3A_110 = arith.addi %mul3A_109, %mul3A_0 : i32
      "tpu.region"() ({
        %run_scoped3A = tpu.sem_alloc : memref<!tpu.dma_semaphore, #tpu.memory_space<semaphore_mem>>
        %dma_start3A_111 = arith.constant 128 : i32
        %dma_start3A_112 = tpu.memref_slice %arg6[%add3A_110, %dma_start3A_111] : memref<20000x256xf32, #tpu.memory_space<hbm>> -> memref<640x128xf32, #tpu.memory_space<hbm>>
        %dma_start3A_113 = arith.constant 0 : i32
        %dma_start3A_114 = tpu.memref_slice %arg7[%mul3A_0, %dma_start3A_113] : memref<10000x128xf32, #tpu.memory_space<vmem_shared>> -> memref<640x128xf32, #tpu.memory_space<vmem_shared>>
        tpu.enqueue_dma source(%dma_start3A_114 : memref<640x128xf32, #tpu.memory_space<vmem_shared>>) target(%dma_start3A_112 : memref<640x128xf32, #tpu.memory_space<hbm>>) target_semaphore(%run_scoped3A : memref<!tpu.dma_semaphore, #tpu.memory_space<semaphore_mem>>)
        %dma_wait3A_115 = arith.constant 128 : i32
        %dma_wait3A_116 = tpu.memref_slice %arg6[%add3A_110, %dma_wait3A_115] : memref<20000x256xf32, #tpu.memory_space<hbm>> -> memref<640x128xf32, #tpu.memory_space<hbm>>
        %dma_wait3A_117 = arith.constant 0 : i32
        %dma_wait3A_118 = tpu.memref_slice %arg7[%mul3A_0, %dma_wait3A_117] : memref<10000x128xf32, #tpu.memory_space<vmem_shared>> -> memref<640x128xf32, #tpu.memory_space<vmem_shared>>
        tpu.wait_dma2 semaphore(%run_scoped3A : memref<!tpu.dma_semaphore, #tpu.memory_space<semaphore_mem>>) src(%dma_wait3A_118 : memref<640x128xf32, #tpu.memory_space<vmem_shared>>) dst(%dma_wait3A_116 : memref<640x128xf32, #tpu.memory_space<hbm>>)
        tpu.yield
      }) : () -> ()
    } else {
    }
    %eq3A_102 = arith.constant 15 : i32
    %eq3A_103 = arith.cmpi eq, %arg1, %eq3A_102 : i32
    %convert_element_type3A_104 = arith.extui %eq3A_103 : i1 to i32
    %cond3A_105 = arith.constant 0 : i32
    %cond3A_106 = arith.cmpi ne, %convert_element_type3A_104, %cond3A_105 : i32
    scf.if %cond3A_106 {
      %mul3A_108 = arith.constant 10000 : i32
      %mul3A_109 = arith.muli %arg0, %mul3A_108 : i32
      %add3A_110 = arith.addi %mul3A_109, %mul3A_0 : i32
      "tpu.region"() ({
        %run_scoped3A = tpu.sem_alloc : memref<!tpu.dma_semaphore, #tpu.memory_space<semaphore_mem>>
        %dma_start3A_111 = arith.constant 128 : i32
        %dma_start3A_112 = tpu.memref_slice %arg6[%add3A_110, %dma_start3A_111] : memref<20000x256xf32, #tpu.memory_space<hbm>> -> memref<400x128xf32, #tpu.memory_space<hbm>>
        %dma_start3A_113 = arith.constant 0 : i32
        %dma_start3A_114 = tpu.memref_slice %arg7[%mul3A_0, %dma_start3A_113] : memref<10000x128xf32, #tpu.memory_space<vmem_shared>> -> memref<400x128xf32, #tpu.memory_space<vmem_shared>>
        tpu.enqueue_dma source(%dma_start3A_114 : memref<400x128xf32, #tpu.memory_space<vmem_shared>>) target(%dma_start3A_112 : memref<400x128xf32, #tpu.memory_space<hbm>>) target_semaphore(%run_scoped3A : memref<!tpu.dma_semaphore, #tpu.memory_space<semaphore_mem>>)
        %dma_wait3A_115 = arith.constant 128 : i32
        %dma_wait3A_116 = tpu.memref_slice %arg6[%add3A_110, %dma_wait3A_115] : memref<20000x256xf32, #tpu.memory_space<hbm>> -> memref<400x128xf32, #tpu.memory_space<hbm>>
        %dma_wait3A_117 = arith.constant 0 : i32
        %dma_wait3A_118 = tpu.memref_slice %arg7[%mul3A_0, %dma_wait3A_117] : memref<10000x128xf32, #tpu.memory_space<vmem_shared>> -> memref<400x128xf32, #tpu.memory_space<vmem_shared>>
        tpu.wait_dma2 semaphore(%run_scoped3A : memref<!tpu.dma_semaphore, #tpu.memory_space<semaphore_mem>>) src(%dma_wait3A_118 : memref<400x128xf32, #tpu.memory_space<vmem_shared>>) dst(%dma_wait3A_116 : memref<400x128xf32, #tpu.memory_space<hbm>>)
        tpu.yield
      }) : () -> ()
    } else {
    }
    %barrier3A_107 = arith.constant 0 : index
    tpu.barrier barrier_id(%barrier3A_107)
    return
  }
}

module attributes {stable_mosaic.version = 14 : i64} {
  func.func @_tc_dense1(%arg0: i32, %arg1: i32, %arg2: memref<1000x128xf32, #tpu.memory_space<vmem>>, %arg3: memref<1000x128xf32, #tpu.memory_space<vmem>>, %arg4: memref<1000x128xf32, #tpu.memory_space<vmem>>, %arg5: memref<1x128x256xf32, #tpu.memory_space<vmem>>, %arg6: memref<1x128x256xf32, #tpu.memory_space<vmem>>, %arg7: memref<1x1x256xf32, #tpu.memory_space<vmem>>, %arg8: memref<2x1000x128xf32, #tpu.memory_space<vmem>>) attributes {dimension_semantics = [#tpu.dimension_semantics<arbitrary>, #tpu.dimension_semantics<arbitrary>], iteration_bounds = array<i64: 2, 10>, scalar_prefetch = 0 : i64, scratch_operands = 0 : i64, tpu.core_type = #tpu.core_type<tc>, window_params = [{transform_indices = @transform_0, window_bounds = array<i64: 1000, 128>}, {transform_indices = @transform_1, window_bounds = array<i64: 1000, 128>}, {transform_indices = @transform_2, window_bounds = array<i64: 1000, 128>}, {transform_indices = @transform_3, window_bounds = array<i64: 1, 128, 256>}, {transform_indices = @transform_4, window_bounds = array<i64: 1, 128, 256>}, {transform_indices = @transform_5, window_bounds = array<i64: 1, 1, 256>}, {transform_indices = @transform_6, window_bounds = array<i64: 2, 1000, 128>}]} {
    %get3A = arith.constant 0 : index
    %get3A_0 = arith.constant 0 : index
    %get3A_1 = vector.load %arg3[%get3A, %get3A_0] : memref<1000x128xf32, #tpu.memory_space<vmem>>, vector<1000x1xf32>
    %max3A = arith.constant 1.000000e+00 : f32
    %max3A_2 = vector.broadcast %max3A : f32 to vector<1000x1xf32>
    %max3A_3 = arith.maximumf %get3A_1, %max3A_2 : vector<1000x1xf32>
    %get3A_4 = arith.constant 0 : index
    %get3A_5 = arith.constant 0 : index
    %get3A_6 = vector.load %arg2[%get3A_4, %get3A_5] : memref<1000x128xf32, #tpu.memory_space<vmem>>, vector<1000x128xf32>
    %div3A = vector.broadcast %max3A_3 : vector<1000x1xf32> to vector<1000x128xf32>
    %div3A_7 = arith.divf %get3A_6, %div3A : vector<1000x128xf32>
    %get3A_8 = arith.constant 0 : index
    %get3A_9 = arith.constant 0 : index
    %get3A_10 = arith.constant 0 : index
    %get3A_11 = vector.load %arg5[%get3A_8, %get3A_9, %get3A_10] : memref<1x128x256xf32, #tpu.memory_space<vmem>>, vector<1x128x256xf32>
    %get3A_12 = vector.shape_cast %get3A_11 : vector<1x128x256xf32> to vector<128x256xf32>
    %dot_general3A = arith.constant dense<0.000000e+00> : vector<1000x256xf32>
    %dot_general3A_13 = tpu.matmul %div3A_7, %get3A_12, %dot_general3A {dimension_numbers = #tpu.dot_dimension_numbers<[1], [0], [0], [1], [0, 0, 1, 1], [], []>, transpose_lhs_hint = false} : vector<1000x128xf32>, vector<128x256xf32>, vector<1000x256xf32> -> vector<1000x256xf32>
    %get3A_14 = arith.constant 0 : index
    %get3A_15 = arith.constant 0 : index
    %get3A_16 = vector.load %arg4[%get3A_14, %get3A_15] : memref<1000x128xf32, #tpu.memory_space<vmem>>, vector<1000x128xf32>
    %get3A_17 = arith.constant 0 : index
    %get3A_18 = arith.constant 0 : index
    %get3A_19 = arith.constant 0 : index
    %get3A_20 = vector.load %arg6[%get3A_17, %get3A_18, %get3A_19] : memref<1x128x256xf32, #tpu.memory_space<vmem>>, vector<1x128x256xf32>
    %get3A_21 = vector.shape_cast %get3A_20 : vector<1x128x256xf32> to vector<128x256xf32>
    %dot_general3A_22 = arith.constant dense<0.000000e+00> : vector<1000x256xf32>
    %dot_general3A_23 = tpu.matmul %get3A_16, %get3A_21, %dot_general3A_22 {dimension_numbers = #tpu.dot_dimension_numbers<[1], [0], [0], [1], [0, 0, 1, 1], [], []>, transpose_lhs_hint = false} : vector<1000x128xf32>, vector<128x256xf32>, vector<1000x256xf32> -> vector<1000x256xf32>
    %add3A = arith.addf %dot_general3A_13, %dot_general3A_23 : vector<1000x256xf32>
    %get3A_24 = arith.constant 0 : index
    %get3A_25 = arith.constant 0 : index
    %get3A_26 = arith.constant 0 : index
    %get3A_27 = vector.load %arg7[%get3A_24, %get3A_25, %get3A_26] : memref<1x1x256xf32, #tpu.memory_space<vmem>>, vector<1x1x256xf32>
    %get3A_28 = vector.shape_cast %get3A_27 : vector<1x1x256xf32> to vector<1x256xf32>
    %add3A_29 = vector.broadcast %get3A_28 : vector<1x256xf32> to vector<1000x256xf32>
    %add3A_30 = arith.addf %add3A, %add3A_29 : vector<1000x256xf32>
    %max3A_31 = arith.constant 0.000000e+00 : f32
    %max3A_32 = vector.broadcast %max3A_31 : f32 to vector<1000x256xf32>
    %max3A_33 = arith.maximumf %add3A_30, %max3A_32 : vector<1000x256xf32>
    %slice3A = vector.extract_strided_slice %max3A_33 {offsets = [0, 0], sizes = [1000, 128], strides = [1, 1]} : vector<1000x256xf32> to vector<1000x128xf32>
    %swap3A = arith.constant 0 : index
    %swap3A_34 = arith.constant 0 : index
    %swap3A_35 = arith.constant 0 : index
    %swap3A_36 = vector.load %arg8[%swap3A, %swap3A_34, %swap3A_35] : memref<2x1000x128xf32, #tpu.memory_space<vmem>>, vector<1x1000x128xf32>
    %swap3A_37 = vector.shape_cast %swap3A_36 : vector<1x1000x128xf32> to vector<1000x128xf32>
    %swap3A_38 = vector.shape_cast %slice3A : vector<1000x128xf32> to vector<1x1000x128xf32>
    tpu.vector_store %arg8[%swap3A, %swap3A_34, %swap3A_35], %swap3A_38 {strides = array<i32>} : memref<2x1000x128xf32, #tpu.memory_space<vmem>>, vector<1x1000x128xf32>,
    %slice3A_39 = vector.extract_strided_slice %max3A_33 {offsets = [0, 128], sizes = [1000, 128], strides = [1, 1]} : vector<1000x256xf32> to vector<1000x128xf32>
    %swap3A_40 = arith.constant 1 : index
    %swap3A_41 = arith.constant 0 : index
    %swap3A_42 = arith.constant 0 : index
    %swap3A_43 = vector.load %arg8[%swap3A_40, %swap3A_41, %swap3A_42] : memref<2x1000x128xf32, #tpu.memory_space<vmem>>, vector<1x1000x128xf32>
    %swap3A_44 = vector.shape_cast %swap3A_43 : vector<1x1000x128xf32> to vector<1000x128xf32>
    %swap3A_45 = vector.shape_cast %slice3A_39 : vector<1000x128xf32> to vector<1x1000x128xf32>
    tpu.vector_store %arg8[%swap3A_40, %swap3A_41, %swap3A_42], %swap3A_45 {strides = array<i32>} : memref<2x1000x128xf32, #tpu.memory_space<vmem>>, vector<1x1000x128xf32>,
    return
  }
  func.func @transform_0(%arg0: i32, %arg1: i32) -> (i32, i32) {
    %mul3A = arith.constant 10 : i32
    %mul3A_0 = arith.muli %arg0, %mul3A : i32
    %add3A = arith.addi %mul3A_0, %arg1 : i32
    %c0_i32 = arith.constant 0 : i32
    %c0_i32_1 = arith.constant 0 : i32
    return %add3A, %c0_i32 : i32, i32
  }
  func.func @transform_1(%arg0: i32, %arg1: i32) -> (i32, i32) {
    %mul3A = arith.constant 10 : i32
    %mul3A_0 = arith.muli %arg0, %mul3A : i32
    %add3A = arith.addi %mul3A_0, %arg1 : i32
    %c0_i32 = arith.constant 0 : i32
    %c0_i32_1 = arith.constant 0 : i32
    return %add3A, %c0_i32 : i32, i32
  }
  func.func @transform_2(%arg0: i32, %arg1: i32) -> (i32, i32) {
    %mul3A = arith.constant 10 : i32
    %mul3A_0 = arith.muli %arg0, %mul3A : i32
    %add3A = arith.addi %mul3A_0, %arg1 : i32
    %c0_i32 = arith.constant 0 : i32
    %c0_i32_1 = arith.constant 0 : i32
    return %add3A, %c0_i32 : i32, i32
  }
  func.func @transform_3(%arg0: i32, %arg1: i32) -> (i32, i32, i32) {
    %c0_i32 = arith.constant 0 : i32
    %c0_i32_0 = arith.constant 0 : i32
    %c0_i32_1 = arith.constant 0 : i32
    return %arg0, %c0_i32, %c0_i32_0 : i32, i32, i32
  }
  func.func @transform_4(%arg0: i32, %arg1: i32) -> (i32, i32, i32) {
    %c0_i32 = arith.constant 0 : i32
    %c0_i32_0 = arith.constant 0 : i32
    %c0_i32_1 = arith.constant 0 : i32
    return %arg0, %c0_i32, %c0_i32_0 : i32, i32, i32
  }
  func.func @transform_5(%arg0: i32, %arg1: i32) -> (i32, i32, i32) {
    %c0_i32 = arith.constant 0 : i32
    %c0_i32_0 = arith.constant 0 : i32
    %c0_i32_1 = arith.constant 0 : i32
    return %arg0, %c0_i32, %c0_i32_0 : i32, i32, i32
  }
  func.func @transform_6(%arg0: i32, %arg1: i32) -> (i32, i32, i32) {
    %sub3A = arith.constant 1 : i32
    %sub3A_0 = arith.subi %sub3A, %arg0 : i32
    %c0_i32 = arith.constant 0 : i32
    %c0_i32_1 = arith.constant 0 : i32
    return %sub3A_0, %arg1, %c0_i32 : i32, i32, i32
  }
}

module attributes {stable_mosaic.version = 14 : i64} {
  func.func @_tc_dense2(%arg0: i32, %arg1: i32, %arg2: memref<1000x256xf32, #tpu.memory_space<vmem>>, %arg3: memref<1000x128xf32, #tpu.memory_space<vmem>>, %arg4: memref<2x1000x128xf32, #tpu.memory_space<vmem>>, %arg5: memref<1x256x128xf32, #tpu.memory_space<vmem>>, %arg6: memref<1x256x128xf32, #tpu.memory_space<vmem>>, %arg7: memref<1x1x128xf32, #tpu.memory_space<vmem>>, %arg8: memref<1x128x128xf32, #tpu.memory_space<vmem>>, %arg9: memref<1x1x128xf32, #tpu.memory_space<vmem>>, %arg10: memref<1x1000x128xf32, #tpu.memory_space<vmem>>) attributes {dimension_semantics = [#tpu.dimension_semantics<arbitrary>, #tpu.dimension_semantics<arbitrary>], iteration_bounds = array<i64: 2, 10>, scalar_prefetch = 0 : i64, scratch_operands = 0 : i64, tpu.core_type = #tpu.core_type<tc>, window_params = [{transform_indices = @transform_0, window_bounds = array<i64: 1000, 256>}, {transform_indices = @transform_1, window_bounds = array<i64: 1000, 128>}, {transform_indices = @transform_2, window_bounds = array<i64: 2, 1000, 128>}, {transform_indices = @transform_3, window_bounds = array<i64: 1, 256, 128>}, {transform_indices = @transform_4, window_bounds = array<i64: 1, 256, 128>}, {transform_indices = @transform_5, window_bounds = array<i64: 1, 1, 128>}, {transform_indices = @transform_6, window_bounds = array<i64: 1, 128, 128>}, {transform_indices = @transform_7, window_bounds = array<i64: 1, 1, 128>}, {transform_indices = @transform_8, window_bounds = array<i64: 1, 1000, 128>}]} {
    %get3A = arith.constant 0 : index
    %get3A_0 = arith.constant 0 : index
    %get3A_1 = vector.load %arg3[%get3A, %get3A_0] : memref<1000x128xf32, #tpu.memory_space<vmem>>, vector<1000x1xf32>
    %max3A = arith.constant 1.000000e+00 : f32
    %max3A_2 = vector.broadcast %max3A : f32 to vector<1000x1xf32>
    %max3A_3 = arith.maximumf %get3A_1, %max3A_2 : vector<1000x1xf32>
    %get3A_4 = arith.constant 0 : index
    %get3A_5 = arith.constant 0 : index
    %get3A_6 = vector.load %arg2[%get3A_4, %get3A_5] : memref<1000x256xf32, #tpu.memory_space<vmem>>, vector<1000x256xf32>
    %div3A = vector.broadcast %max3A_3 : vector<1000x1xf32> to vector<1000x256xf32>
    %div3A_7 = arith.divf %get3A_6, %div3A : vector<1000x256xf32>
    %get3A_8 = arith.constant 0 : index
    %get3A_9 = arith.constant 0 : index
    %get3A_10 = arith.constant 0 : index
    %get3A_11 = vector.load %arg5[%get3A_8, %get3A_9, %get3A_10] : memref<1x256x128xf32, #tpu.memory_space<vmem>>, vector<1x256x128xf32>
    %get3A_12 = vector.shape_cast %get3A_11 : vector<1x256x128xf32> to vector<256x128xf32>
    %dot_general3A = arith.constant dense<0.000000e+00> : vector<1000x128xf32>
    %dot_general3A_13 = tpu.matmul %div3A_7, %get3A_12, %dot_general3A {dimension_numbers = #tpu.dot_dimension_numbers<[1], [0], [0], [1], [0, 0, 1, 1], [], []>, transpose_lhs_hint = false} : vector<1000x256xf32>, vector<256x128xf32>, vector<1000x128xf32> -> vector<1000x128xf32>
    %get3A_14 = arith.constant 0 : index
    %get3A_15 = arith.constant 0 : index
    %get3A_16 = arith.constant 0 : index
    %get3A_17 = vector.load %arg4[%get3A_14, %get3A_15, %get3A_16] : memref<2x1000x128xf32, #tpu.memory_space<vmem>>, vector<1x1000x128xf32>
    %get3A_18 = vector.shape_cast %get3A_17 : vector<1x1000x128xf32> to vector<1000x128xf32>
    %get3A_19 = arith.constant 0 : index
    %get3A_20 = arith.constant 0 : index
    %get3A_21 = arith.constant 0 : index
    %get3A_22 = vector.load %arg6[%get3A_19, %get3A_20, %get3A_21] : memref<1x256x128xf32, #tpu.memory_space<vmem>>, vector<1x128x128xf32>
    %get3A_23 = vector.shape_cast %get3A_22 : vector<1x128x128xf32> to vector<128x128xf32>
    %dot_general3A_24 = arith.constant dense<0.000000e+00> : vector<1000x128xf32>
    %dot_general3A_25 = tpu.matmul %get3A_18, %get3A_23, %dot_general3A_24 {dimension_numbers = #tpu.dot_dimension_numbers<[1], [0], [0], [1], [0, 0, 1, 1], [], []>, transpose_lhs_hint = false} : vector<1000x128xf32>, vector<128x128xf32>, vector<1000x128xf32> -> vector<1000x128xf32>
    %add3A = arith.addf %dot_general3A_13, %dot_general3A_25 : vector<1000x128xf32>
    %get3A_26 = arith.constant 1 : index
    %get3A_27 = arith.constant 0 : index
    %get3A_28 = arith.constant 0 : index
    %get3A_29 = vector.load %arg4[%get3A_26, %get3A_27, %get3A_28] : memref<2x1000x128xf32, #tpu.memory_space<vmem>>, vector<1x1000x128xf32>
    %get3A_30 = vector.shape_cast %get3A_29 : vector<1x1000x128xf32> to vector<1000x128xf32>
    %get3A_31 = arith.constant 0 : index
    %get3A_32 = arith.constant 128 : index
    %get3A_33 = arith.constant 0 : index
    %get3A_34 = vector.load %arg6[%get3A_31, %get3A_32, %get3A_33] : memref<1x256x128xf32, #tpu.memory_space<vmem>>, vector<1x128x128xf32>
    %get3A_35 = vector.shape_cast %get3A_34 : vector<1x128x128xf32> to vector<128x128xf32>
    %dot_general3A_36 = arith.constant dense<0.000000e+00> : vector<1000x128xf32>
    %dot_general3A_37 = tpu.matmul %get3A_30, %get3A_35, %dot_general3A_36 {dimension_numbers = #tpu.dot_dimension_numbers<[1], [0], [0], [1], [0, 0, 1, 1], [], []>, transpose_lhs_hint = false} : vector<1000x128xf32>, vector<128x128xf32>, vector<1000x128xf32> -> vector<1000x128xf32>
    %add3A_38 = arith.addf %add3A, %dot_general3A_37 : vector<1000x128xf32>
    %get3A_39 = arith.constant 0 : index
    %get3A_40 = arith.constant 0 : index
    %get3A_41 = arith.constant 0 : index
    %get3A_42 = vector.load %arg7[%get3A_39, %get3A_40, %get3A_41] : memref<1x1x128xf32, #tpu.memory_space<vmem>>, vector<1x1x128xf32>
    %get3A_43 = vector.shape_cast %get3A_42 : vector<1x1x128xf32> to vector<1x128xf32>
    %add3A_44 = vector.broadcast %get3A_43 : vector<1x128xf32> to vector<1000x128xf32>
    %add3A_45 = arith.addf %add3A_38, %add3A_44 : vector<1000x128xf32>
    %get3A_46 = arith.constant 0 : index
    %get3A_47 = arith.constant 0 : index
    %get3A_48 = arith.constant 0 : index
    %get3A_49 = vector.load %arg8[%get3A_46, %get3A_47, %get3A_48] : memref<1x128x128xf32, #tpu.memory_space<vmem>>, vector<1x128x128xf32>
    %get3A_50 = vector.shape_cast %get3A_49 : vector<1x128x128xf32> to vector<128x128xf32>
    %dot_general3A_51 = arith.constant dense<0.000000e+00> : vector<1000x128xf32>
    %dot_general3A_52 = tpu.matmul %add3A_45, %get3A_50, %dot_general3A_51 {dimension_numbers = #tpu.dot_dimension_numbers<[1], [0], [0], [1], [0, 0, 1, 1], [], []>, transpose_lhs_hint = false} : vector<1000x128xf32>, vector<128x128xf32>, vector<1000x128xf32> -> vector<1000x128xf32>
    %get3A_53 = arith.constant 0 : index
    %get3A_54 = arith.constant 0 : index
    %get3A_55 = arith.constant 0 : index
    %get3A_56 = vector.load %arg9[%get3A_53, %get3A_54, %get3A_55] : memref<1x1x128xf32, #tpu.memory_space<vmem>>, vector<1x1x128xf32>
    %get3A_57 = vector.shape_cast %get3A_56 : vector<1x1x128xf32> to vector<1x128xf32>
    %add3A_58 = vector.broadcast %get3A_57 : vector<1x128xf32> to vector<1000x128xf32>
    %add3A_59 = arith.addf %dot_general3A_52, %add3A_58 : vector<1000x128xf32>
    %swap3A = arith.constant 0 : index
    %swap3A_60 = arith.constant 0 : index
    %swap3A_61 = arith.constant 0 : index
    %swap3A_62 = vector.load %arg10[%swap3A, %swap3A_60, %swap3A_61] : memref<1x1000x128xf32, #tpu.memory_space<vmem>>, vector<1x1000x128xf32>
    %swap3A_63 = vector.shape_cast %swap3A_62 : vector<1x1000x128xf32> to vector<1000x128xf32>
    %swap3A_64 = vector.shape_cast %add3A_59 : vector<1000x128xf32> to vector<1x1000x128xf32>
    tpu.vector_store %arg10[%swap3A, %swap3A_60, %swap3A_61], %swap3A_64 {strides = array<i32>} : memref<1x1000x128xf32, #tpu.memory_space<vmem>>, vector<1x1000x128xf32>,
    return
  }
  func.func @transform_0(%arg0: i32, %arg1: i32) -> (i32, i32) {
    %mul3A = arith.constant 10 : i32
    %mul3A_0 = arith.muli %arg0, %mul3A : i32
    %add3A = arith.addi %mul3A_0, %arg1 : i32
    %c0_i32 = arith.constant 0 : i32
    %c0_i32_1 = arith.constant 0 : i32
    return %add3A, %c0_i32 : i32, i32
  }
  func.func @transform_1(%arg0: i32, %arg1: i32) -> (i32, i32) {
    %mul3A = arith.constant 10 : i32
    %mul3A_0 = arith.muli %arg0, %mul3A : i32
    %add3A = arith.addi %mul3A_0, %arg1 : i32
    %c0_i32 = arith.constant 0 : i32
    %c0_i32_1 = arith.constant 0 : i32
    return %add3A, %c0_i32 : i32, i32
  }
  func.func @transform_2(%arg0: i32, %arg1: i32) -> (i32, i32, i32) {
    %sub3A = arith.constant 1 : i32
    %sub3A_0 = arith.subi %sub3A, %arg0 : i32
    %c0_i32 = arith.constant 0 : i32
    %c0_i32_1 = arith.constant 0 : i32
    return %sub3A_0, %arg1, %c0_i32 : i32, i32, i32
  }
  func.func @transform_3(%arg0: i32, %arg1: i32) -> (i32, i32, i32) {
    %c0_i32 = arith.constant 0 : i32
    %c0_i32_0 = arith.constant 0 : i32
    %c0_i32_1 = arith.constant 0 : i32
    return %arg0, %c0_i32, %c0_i32_0 : i32, i32, i32
  }
  func.func @transform_4(%arg0: i32, %arg1: i32) -> (i32, i32, i32) {
    %c0_i32 = arith.constant 0 : i32
    %c0_i32_0 = arith.constant 0 : i32
    %c0_i32_1 = arith.constant 0 : i32
    return %arg0, %c0_i32, %c0_i32_0 : i32, i32, i32
  }
  func.func @transform_5(%arg0: i32, %arg1: i32) -> (i32, i32, i32) {
    %c0_i32 = arith.constant 0 : i32
    %c0_i32_0 = arith.constant 0 : i32
    %c0_i32_1 = arith.constant 0 : i32
    return %arg0, %c0_i32, %c0_i32_0 : i32, i32, i32
  }
  func.func @transform_6(%arg0: i32, %arg1: i32) -> (i32, i32, i32) {
    %c0_i32 = arith.constant 0 : i32
    %c0_i32_0 = arith.constant 0 : i32
    %c0_i32_1 = arith.constant 0 : i32
    return %arg0, %c0_i32, %c0_i32_0 : i32, i32, i32
  }
  func.func @transform_7(%arg0: i32, %arg1: i32) -> (i32, i32, i32) {
    %c0_i32 = arith.constant 0 : i32
    %c0_i32_0 = arith.constant 0 : i32
    %c0_i32_1 = arith.constant 0 : i32
    return %arg0, %c0_i32, %c0_i32_0 : i32, i32, i32
  }
  func.func @transform_8(%arg0: i32, %arg1: i32) -> (i32, i32, i32) {
    %c0_i32 = arith.constant 0 : i32
    %c0_i32_0 = arith.constant 0 : i32
    return %arg0, %arg1, %c0_i32 : i32, i32, i32
  }
}

</mosaic_0001>

<sc_bundles>
// kernel: kernel.6.cloned.1.call-start
scs
__scs_entry_jumppad:
0x0: {  	(pc) =	sbr.rel $0x88, $3  }
0x1: {  	(tag) =	ssettag $0x0;
	lr =	simm.s32 $0x1  }
0x2: {  	[smem:$0x3F8D] =	sst lr;
	_ =	strace $0xD0000000  }
0x3: {  	_ = 	snop  }
0x4: {  	_ = 	snop  }
0x5: {  	_ = 	snop  }
0x6: {  	_ = 	snop  }
0x7: {  	_ = 	snop  }
__scs_overlays_trampoline_lowered:
0x8: {  	[smem:$0x3F9C] =	sst s0  }
0x9: {  	[smem:$0x3F9D] =	sst s1  }
0xa: {  	[smem:$0x3F9E] =	sst s2  }
0xb: {  	[smem:$0x3F9F] =	sst s3  }
0xc: {  	[smem:$0x3FA0] =	sst s4  }
0xd: {  	[smem:$0x3FA1] =	sst s5  }
0xe: {  	[smem:$0x3FA2] =	sst s6  }
0xf: {  	[smem:$0x3FA3] =	sst s7  }
0x10: {  	[smem:$0x3FA4] =	sst s8  }
0x11: {  	[smem:$0x3FA5] =	sst s9;
	s0 =	simm.s32 @!p0 $0x0  }
0x12: {  	s1 =	sld [smem:$0x3F8B];
	s0 =	simm.s32 @p0 $0x1  }
0x13: {  	[smem:$0x3FA6] =	sst s0;
	s0 =	simm.s32 @!p1 $0x0  }
0x14: {  	s2 =	sld [smem:$0x3F8A];
	s0 =	simm.s32 @p1 $0x1  }
0x15: {  	[smem:$0x3FA7] =	sst s0;
	s0 =	simm.s32 @!p2 $0x0  }
0x16: {  	s3 =	sld [smem:$0x3FDB];
	s0 =	simm.s32 @p2 $0x1  }
0x17: {  	s4 =	simm.s32 $0x1BF5;
	[smem:$0x3FA9] =	sst s0  }
0x18: {  	s0 =	sld [smem:$0x3F8C];
	_ =	swait.ge [sflag:s4], $0x0  }
0x19: {  	s7 =	sld [smem:$0x3F8D]  }
0x1a: {  	s8 =	sadd.s32 $0xFFFFE003, lr  }
0x1b: {  	s9 =	sadd.s32 $0xFFFFFEF7, lr;
	s5 =	simm.s32 $0xFFFFFFFF;
	p2 =	slt.u32 s8, $0xFFFFF086  }
0x1c: {  	p1 =	slt.u32 s9, $0xF7A;
	s5 =	simm.s32 @!p2 $0x0  }
0x1d: {  	s5 =	simm.s32 @p1 $0x1;
	p0 =	seq.s32 s7, s2  }
0x1e: {  	s7 =	smul.u32 @!p0 $0xF7A, s2;
	p2 =	seq.s32 @!p0 s5, $0x0  }
0x1f: {  	s9 =	smul.u32 $0xF7A, s1;
	s8 =	simm.s32 @!p0 $0x1BF5;
	p2 =	por !p2, p0  }
0x20: {  	[sflag:s8] =	ssyncset.s32 @!p0 $0xFFFFF086;
	s6 =	sadd.s32 @!p0 s3, s7;
	s7 =	simm.s32 @!p0 $0x108  }
0x21: {  	s3 =	sadd.s32 s3, s9;
	s6 =	sadd.s32 @!p0 $0x88, s6;
	s7 =	simm.s32 @p2 $0x1082  }
0x22: {  	[simem:s7], [sflag:s8] =	dma.local @!p0 [hbm:s6], $0xF7A  }
0x23: {  	s9 =	sor.u32 $0xD0000000, s2;
	s6 =	simm.s32 $0x108;
	_ =	swait.ge @!p0 [sflag:s8], $0x0  }
0x24: {  	s3 =	sadd.s32 $0x88, s3;
	s6 =	simm.s32 @!p1 $0x1082;
	[sflag:s4] =	ssyncset.s32 $0xFFFFF086  }
0x25: {  	[simem:s6], [sflag:s4] =	dma.local [hbm:s3], $0xF7A  }
0x26: {  	[smem:$0x3F8D] =	sst s1;
	(tag) =	ssettag s2;
	_ =	strace s9  }
0x27: {  	s1 =	sld [smem:$0x3F9D]  }
0x28: {  	s2 =	sld [smem:$0x3F9E]  }
0x29: {  	s4 =	sld [smem:$0x3FA0]  }
0x2a: {  	p0 =	seq.s32 s5, $0x0;
	s5 =	sld [smem:$0x3FA1]  }
0x2b: {  	s6 =	sld [smem:$0x3FA2]  }
0x2c: {  	s7 =	sld [smem:$0x3FA3]  }
0x2d: {  	s3 =	simm.s32 $0x108;
	s8 =	sld [smem:$0x3FA4]  }
0x2e: {  	s3 =	simm.s32 @!p0 $0x1082;
	s9 =	sld [smem:$0x3FA5]  }
0x2f: {  	lr =	sadd.s32 s0, s3;
	s0 =	sld [smem:$0x3F9C]  }
0x30: {  	s3 =	sld [smem:$0x3F9F]  }
0x31: {  	[smem:$0x3FA8] =	sst s10  }
0x32: {  	s10 =	sld [smem:$0x3FA6];
	_ =	sdelay $0x3  }
0x33: {  	p0 =	seq.s32 s10, $0x1;
	s10 =	sld [smem:$0x3FA8];
	_ =	sdelay $0x3  }
0x34: {  	[smem:$0x3FA8] =	sst s10  }
0x35: {  	s10 =	sld [smem:$0x3FA7];
	_ =	sdelay $0x3  }
0x36: {  	p1 =	seq.s32 s10, $0x1;
	s10 =	sld [smem:$0x3FA8];
	_ =	sdelay $0x3  }
0x37: {  	[smem:$0x3FA8] =	sst s10  }
0x38: {  	s10 =	sld [smem:$0x3FA9]  }
0x39: {  	_ = 	snop;
	(pc) =	sbr.ind lr, $3  }
0x3a: {  	_ = 	snop  }
0x3b: {  	_ = 	snop  }
0x3c: {  	p2 =	seq.s32 s10, $0x1;
	s10 =	sld [smem:$0x3FA8]  }
0x3d: {  	_ =	shalt  }
0x3e: {  	_ =	shalt  }
0x3f: {  	_ =	shalt  }
0x40: {  	_ =	shalt  }
0x41: {  	_ =	shalt  }
0x42: {  	_ =	shalt  }
0x43: {  	_ =	shalt  }
0x44: {  	_ =	shalt  }
0x45: {  	_ =	shalt  }
0x46: {  	_ =	shalt  }
0x47: {  	_ =	shalt  }
0x48: {  	_ =	shalt  }
0x49: {  	_ =	shalt  }
0x4a: {  	_ =	shalt  }
0x4b: {  	_ =	shalt  }
0x4c: {  	_ =	shalt  }
0x4d: {  	_ =	shalt  }
0x4e: {  	_ =	shalt  }
0x4f: {  	_ =	shalt  }
0x50: {  	_ =	shalt  }
0x51: {  	_ =	shalt  }
0x52: {  	_ =	shalt  }
0x53: {  	_ =	shalt  }
0x54: {  	_ =	shalt  }
0x55: {  	_ =	shalt  }
0x56: {  	_ =	shalt  }
0x57: {  	_ =	shalt  }
0x58: {  	_ =	shalt  }
0x59: {  	_ =	shalt  }
0x5a: {  	_ =	shalt  }
0x5b: {  	_ =	shalt  }
0x5c: {  	_ =	shalt  }
0x5d: {  	_ =	shalt  }
0x5e: {  	_ =	shalt  }
0x5f: {  	_ =	shalt  }
0x60: {  	_ =	shalt  }
0x61: {  	_ =	shalt  }
0x62: {  	_ =	shalt  }
0x63: {  	_ =	shalt  }
0x64: {  	_ =	shalt  }
0x65: {  	_ =	shalt  }
0x66: {  	_ =	shalt  }
0x67: {  	_ =	shalt  }
0x68: {  	_ =	shalt  }
0x69: {  	_ =	shalt  }
0x6a: {  	_ =	shalt  }
0x6b: {  	_ =	shalt  }
0x6c: {  	_ =	shalt  }
0x6d: {  	_ =	shalt  }
0x6e: {  	_ =	shalt  }
0x6f: {  	_ =	shalt  }
0x70: {  	_ =	shalt  }
0x71: {  	_ =	shalt  }
0x72: {  	_ =	shalt  }
0x73: {  	_ =	shalt  }
0x74: {  	_ =	shalt  }
0x75: {  	_ =	shalt  }
0x76: {  	_ =	shalt  }
0x77: {  	_ =	shalt  }
0x78: {  	_ =	shalt  }
0x79: {  	_ =	shalt  }
0x7a: {  	_ =	shalt  }
0x7b: {  	_ =	shalt  }
0x7c: {  	_ =	shalt  }
0x7d: {  	_ =	shalt  }
0x7e: {  	_ =	shalt  }
0x7f: {  	_ =	shalt  }
0x80: {  	_ =	shalt  }
0x81: {  	_ =	shalt  }
0x82: {  	_ =	shalt  }
0x83: {  	_ =	shalt  }
0x84: {  	_ =	shalt  }
0x85: {  	_ =	shalt  }
0x86: {  	_ =	shalt  }
0x87: {  	_ =	shalt  }
.Lfunc_end0:
.L_simem_size_0:
called_computation_lowered:
.L_overlay_start_0:
0x88: {  	s2 =	sld [smem:$0x3FD9]  }
0x89: {  	s3 =	sld [smem:$0x3FFE];
	_ =	sdelay $0x1  }
0x8a: {  	s1 =	srdreg.scid  }
0x8b: {  	s0 =	sand.u32 $0x1, s1  }
0x8c: {  	s14 =	sshll.u32 s0, $0xA;
	s2 =	sadd.s32 s3, s2  }
0x8d: {  	s2 =	sadd.s32 s2, s14  }
0x8e: {  	[smem:$0x3FB4] =	sst s2  }
0x8f: {  	_ = 	snop  }
0x90: {  	s2 =	sld [smem:$0x3FD0];
	_ =	sdelay $0x2  }
0x91: {  	s15 =	simm.s32 $0xA;
	s4 =	simm.s32 $0x10  }
0x92: {  	[smem:s4], [sflag:s15] =	dma.local [hbm:s2], $0x1  }
0x93: {  	_ =	swait.eq [sflag:s15], $0x1  }
0x94: {  	[sflag:s15] =	ssyncset.done $0x0  }
0x95: {  	[sflag:s15] =	ssyncadd.s32 $0xFFFFFFFF  }
0x96: {  	s16 =	sld [smem:$0x10];
	(tm) =	ssettm $0x1  }
0x97: {  	s17 =	sld [smem:$0x3FFB];
	_ =	sdelay $0x3  }
0x98: {  	_ =	strace s17  }
0x99: {  	s3 =	sld [smem:$0x3FFC];
	_ =	sdelay $0x3  }
0x9a: {  	_ =	strace s3  }
0x9b: {  	s3 =	sld [smem:$0x3FFD];
	_ =	sdelay $0x3  }
0x9c: {  	_ =	strace s3  }
0x9d: {  	_ =	strace $0x8FFFFFFF  }
0x9e: {  	s18 =	sld [smem:$0x3FDB];
	_ =	sdelay $0x1  }
0x9f: {  	s19 =	simm.s32 $_scs_section_size  }
0xa0: {  	s5 =	simm.s32 $_size__tile_overlayer_lowered;
	s6 =	simm.s32 $_tile_overlayer_lowered  }
0xa1: {  	s22 =	simm.s32 $0x1BFF;
	s21 =	sshll.u32 s6, $0x1;
	s3 =	sadd.s32 s19, s18  }
0xa2: {  	s7 =	simm.s32 $0x0;
	s20 =	sshll.u32 s5, $0x1;
	s5 =	sadd.s32 s21, s3  }
0xa3: {  	[timem:s7], [sflag:s22] =	dma.local [hbm:s5], s20  }
0xa4: {  	_ =	swait.ge [sflag:s22], s20  }
0xa5: {  	s4 =	ssub.s32 $0x0, s20;
	[sflag:s22] =	ssyncset.done $0x0  }
0xa6: {  	[sflag:s22] =	ssyncadd.s32 s4;
	_ =	sdelay $0x1  }
0xa7: {  	s23 =	simm.s32 $0x1B8B  }
0xa8: {  	_ =	swait.ge [sflag:s23], $0x1  }
0xa9: {  	[sflag:s23] =	ssyncset.done $0x0  }
0xaa: {  	s25 =	simm.s32 $0x1B8E;
	s24 =	sld [smem:$0x3FFE];
	[sflag:s23] =	ssyncadd.s32 $0xFFFFFFFF  }
0xab: {  	s26 =	simm.s32 $execute0_lowered;
	[smem:$0x3FD2] =	sst s25  }
0xac: {  	s5 =	sshll.u32 s26, $0x1;
	_ =	strace $0x80000046;
	[dreg:$0x1] =	wrdreg $0xFFFFFFFF  }
0xad: {  	s28 =	simm.s32 $_size_execute0_lowered;
	s3 =	sadd.s32 s3, s5;
	[dreg:$0x0] =	wrdreg $0x0  }
0xae: {  	s5 =	sshll.u32 s28, $0x1;
	[dreg:$0x2] =	wrdreg s3  }
0xaf: {  	[dreg:$0x3] =	wrdreg s5  }
0xb0: {  	[dreg:$0x4] =	wrdreg $0xC0  }
0xb1: {  	_ =	task [dreg:s7], $0x5FFFF  }
0xb2: {  	[dreg:$0x1] =	wrdreg $0xFFFFFFFF  }
0xb3: {  	[dreg:$0x0] =	wrdreg $0x60  }
0xb4: {  	[dreg:$0x2] =	wrdreg s24  }
0xb5: {  	[dreg:$0x3] =	wrdreg s16  }
0xb6: {  	[dreg:$0x4] =	wrdreg $0x0  }
0xb7: {  	[dreg:$0x5] =	wrdreg $0x9  }
0xb8: {  	_ =	task.clear_ibuf [dreg:s7], $0x6FFFF;
	_ =	strace $0x90000046  }
0xb9: {  	s29 =	simm.s32 $0x9;
	_ =	strace $0x80000048  }
0xba: {  	_ =	swait.ge [sflag:s29], $0x1  }
0xbb: {  	[sflag:s29] =	ssyncadd.s32 $0xFFFFFFFF  }
0xbc: {  	_ =	strace $0x90000048  }
0xbd: {  	_ =	sfence  }
0xbe: {  	s30 =	sld [smem:$0x0];
	_ =	sdelay $0x2  }
0xbf: {  	s31 =	sshll.u32 s1, $0xD;
	s1 =	sshrl.u32 s1, $0x2  }
0xc0: {  	s3 =	sand.u32 $0x4000, s31;
	s1 =	sadd.s32 s1, s30  }
0xc1: {  	s0 =	sor.u32 s3, s0;
	s1 =	sshll.u32 s1, $0x11  }
0xc2: {  	s0 =	sor.u32 s1, s0  }
0xc3: {  	s0 =	sadd.s32 $0x8F2B, s0  }
0xc4: {  	[sflag:s0] =	ssyncadd.remote.s32 $0x1  }
0xc5: {  	_ =	sfence.sel $0xFFFF  }
0xc6: {  	[dreg:$0x0] =	wrdreg $0xFFFFFFFF;
	(pc) =	sbr.abs _section_cstart, $3  }
0xc7: {  	[dreg:$0x1] =	wrdreg $0xFFFFFFFF  }
0xc8: {  	_ =	task.clear_ibuf [dreg:s7], $0x2FFFF;
	_ =	strace $0x9FFFFFFF  }
0xc9: {  	(tm) =	ssettm $0x7FFFFFFF  }
tec
execute0_lowered:
.L_overlay_start_1:
0x0: {  	(tag) =	ssettag $0x1  }
0x1: {  	s0 =	rddreg [dreg:$0x0]  }
0x2: {  	s3 =	rddreg [dreg:$0x1]  }
0x3: {  	s1 =	rddreg [dreg:$0x2];
	s2 =	simm.s32 $0x0;
	s5 =	srdreg.scid  }
0x4: {  	s24 =	stileid.u32;
	s28 =	simm.s32 $0x1BA80;
	s29 =	simm.s32 $0x8  }
0x5: {  	s30 =	simm.s32 $0x13880;
	s31 =	simm.s32 $0x13900;
	[smem:$0x7FF] =	sst s2  }
0x6: {  	s4 =	sadd.s32 $0x9F200, s0;
	s6 =	sadd.s32 $0xB2C00, s0;
	s11 =	smul.u32 $0x280, s24  }
0x7: {  	s7 =	sadd.s32 $0xC6E00, s0;
	s5 =	sand.u32 $0x1, s5;
	s14 =	smul.u32 $0x50000, s24  }
0x8: {  	s8 =	sadd.s32 $0x115000, s0;
	s12 =	sshll.u32 s24, $0x7;
	s21 =	smul.u32 $0x2800, s24  }
0x9: {  	p0 =	seq.s32 s24, $0xF;
	p1 =	sgt.u32 s24, $0x3;
	s9 =	smul.u32 $0x4E200, s5  }
0xa: {  	_ =	strace $0x80000047;
	s10 =	ssub.s32 $0x2, s5;
	s18 =	smul.u32 $0x138800, s5  }
0xb: {  	s16 =	smul.u32 $0x2710, s5;
	s13 =	sshrl.u32 s10, $0x1;
	s14 =	sshrl.u32 s14, $0x2  }
0xc: {  	s9 =	sadd.s32 s12, s9;
	s10 =	ssub.s32 s10, s13;
	s13 =	sshrl.u32 s18, $0x3  }
0xd: {  	s11 =	sadd.s32 s11, s16;
	s12 =	sshrl.u32 s9, $0x3;
	s19 =	sadd.s32 $0x4E000, s9  }
0xe: {  	s20 =	sadd.s32 $0x25800, s13;
	s11 =	sshll.u32 s11, $0x4;
	s26 =	sadd.s32 $0x800, s9  }
0xf: {  	s16 =	sadd.s32 $0x1000, s9;
	s18 =	sadd.s32 $0x1800, s9;
	s9 =	sadd.s32 $0x2000, s9  }
0x10: {  	s15 =	sadd.s32 s4, s12;
	s5 =	sadd.s32 s6, s12;
	s22 =	sshrl.u32 s19, $0x3  }
0x11: {  	s23 =	sadd.s32 s7, s20;
	s7 =	sadd.s32 s7, s11;
	[dreg:$0x4] =	wrdreg s15  }
0x12: {  	s12 =	sadd.s32 s8, s20;
	s8 =	sadd.s32 s8, s11;
	[dreg:$0x5] =	wrdreg s23  }
0x13: {  	s17 =	sshrl.u32 s16, $0x3;
	s20 =	sshrl.u32 s9, $0x3;
	[dreg:$0x8] =	wrdreg s7  }
0x14: {  	s9 =	simm.s32 $0x1;
	s11 =	simm.s32 $0x6;
	[dreg:$0x9] =	wrdreg s12  }
0x15: {  	s25 =	sadd.s32 s4, s22;
	s13 =	sadd.s32 s6, s22;
	[dreg:$0xa] =	wrdreg s8  }
0x16: {  	s19 =	sadd.s32 s4, s17;
	s8 =	sshrl.u32 s18, $0x3;
	s18 =	sadd.s32 s20, s6  }
0x17: {  	s22 =	sadd.s32 s14, s1;
	s23 =	sadd.s32 s3, s21;
	s21 =	sadd.s32 $0x25800, s3  }
0x18: {  	s7 =	simm.s32 $0x13A00;
	s12 =	simm.s32 $0x2;
	[dreg:$0x6] =	wrdreg s25  }
0x19: {  	s14 =	simm.s32 $0x5;
	[dreg:$0x7] =	wrdreg s13;
	s13 =	sshrl.u32 s26, $0x3  }
0x1a: {  	[dreg:$0xc] =	wrdreg s19;
	s16 =	sadd.s32 s8, s6;
	s19 =	sadd.s32 s20, s4  }
0x1b: {  	s20 =	sadd.s32 $0x2E00, s0;
	s0 =	sadd.s32 $0xC6600, s0;
	[dreg:$0xe] =	wrdreg s21  }
0x1c: {  	s25 =	smax.u32 s10, $0x1;
	s26 =	sadd.s32 $0x12C000, s1;
	s10 =	simm.s32 $0x13980  }
.Ltmp0:
0x1d: {  	s21 =	simm.s32 $0x4;
	[dreg:$0xd] =	wrdreg s0;
	(pc) =	sbr.rel .LBB2_1-.Ltmp0, $4  }
0x1e: {  	s15 =	sadd.s32 s4, s13;
	s13 =	sadd.s32 s6, s13;
	[dreg:$0xf] =	wrdreg s25  }
0x1f: {  	[dreg:$0x10] =	wrdreg s26;
	s0 =	simm.s32 $0x80;
	s25 =	simm.s32 $0x0  }
0x20: {  	[dreg:$0xb] =	wrdreg s15;
	s15 =	sadd.s32 s6, s17;
	s17 =	sadd.s32 s8, s4  }
0x21: {  	s6 =	simm.s32 $0x13A80;
	s4 =	simm.s32 $0x17A80;
	s8 =	simm.s32 $0x3  }
.LBB2_16:
0x22: {  	s3 =	rddreg [dreg:$0x10]  }
0x23: {  	s24 =	rddreg [dreg:$0x9];
	s26 =	simm.s32 $0x1FC8;
	s3 =	sshrl.u32 s3, $0x3  }
0x24: {  	[hbm:s24], [sflag:s26] =	dma.local [spmem:s3], $0x1900  }
0x25: {  	_ =	swait.ge [sflag:s29], $0x1900  }
0x26: {  	[sflag:s29] =	ssyncset.done $0x0  }
0x27: {  	[sflag:s29] =	ssyncadd.s32 $0xFFFFE700  }
.LBB2_17:
0x28: {  	s25 =	sadd.s32 $0x1, s25;
	s3 =	rddreg [dreg:$0xf]  }
0x29: {  	p2 =	sne.s32 s25, s3  }
.Ltmp1:
0x2a: {  	_ = 	snop;
	(pc) =	sbr.rel @!p2 .LBB2_18-.Ltmp1, $1  }
0x2b: {  	_ =	sdelay $0x3  }
.LBB2_1:
0x2c: {  	s3 =	rddreg [dreg:$0xd]  }
0x2d: {  	[tilespmem:s28], [sflag:$0x8] =	stream.linear.gather [hbm4b:s3+s2], $0x4000, $0x38;
	[tilespmem:$0x1FA80] =	vst v63  }
0x2e: {  	_ =	swait.ge [sflag:s29], $0x4000  }
0x2f: {  	s24 =	simm.s32 @p0 $0x1FC8;
	[sflag:s29] =	ssyncset.done $0x0;
	s3 =	rddreg [dreg:$0x10]  }
0x30: {  	s26 =	rddreg [dreg:$0xe];
	[sflag:s29] =	ssyncadd.s32 $0xFFFFC000;
	s3 =	sshrl.u32 @p0 s3, $0x3  }
0x31: {  	[spmem:s3], [sflag:s24] =	dma.local @p0 [hbm:s26], $0x1900  }
0x32: {  	s3 =	simm.s32 @p0 $0x8  }
0x33: {  	s24 =	stileid.u32;
	_ =	swait.ge @p0 [sflag:s3], $0x1900  }
0x34: {  	s24 =	sshll.u32 @!p0 s24, $0x6;
	[sflag:s3] =	ssyncset.done @p0 $0x0  }
0x35: {  	[sflag:s3] =	ssyncadd.s32 @p0 $0xFFFFE700;
	s3 =	sor.u32 @!p0 $0x1C08, s24;
	s24 =	sshrl.u32 @!p0 s22, $0x3  }
0x36: {  	[spmem:s24], [sflag:s3] =	dma.local @!p0 [hbm:s23], $0x2800  }
0x37: {  	s3 =	simm.s32 @!p0 $0x8  }
0x38: {  	_ =	swait.ge @!p0 [sflag:s3], $0x2800  }
0x39: {  	[sflag:s3] =	ssyncset.done @!p0 $0x0  }
0x3a: {  	[sflag:s3] =	ssyncadd.s32 @!p0 $0xFFFFD800  }
0x3b: {  	[bflag:$0x0] =	sbarrier.arrive $0xFFFF  }
0x3c: {  	s26 =	rddreg [dreg:$0x4]  }
0x3d: {  	[tilespmem:s30], [sflag:$0x8] =	stream.linear.gather [hbm4b:s26+s2], $0x80, $0x38;
	[tilespmem:$0x1FA80] =	vst v63  }
0x3e: {  	_ =	swait.ge [sflag:s29], $0x80  }
0x3f: {  	[sflag:s29] =	ssyncset.done $0x0  }
0x40: {  	[sflag:s29] =	ssyncadd.s32 $0xFFFFFF80  }
0x41: {  	[tilespmem:s31], [sflag:$0x8] =	stream.linear.gather [hbm4b:s5+s2], $0x80, $0x38;
	[tilespmem:$0x1FA80] =	vst v63  }
0x42: {  	_ =	swait.ge [sflag:s29], $0x80  }
0x43: {  	[sflag:s29] =	ssyncset.done $0x0  }
0x44: {  	[sflag:s29] =	ssyncadd.s32 $0xFFFFFF80  }
0x45: {  	[tilespmem:s6], [sflag:$0x1] =	stream.indirect.gather [hbm4b:s20+s0], $0x80, s30, s0, $0xb8;
	[tilespmem:$0x1FA80] =	vst v63  }
0x46: {  	s24 =	rddreg [dreg:$0xb]  }
0x47: {  	[tilespmem:s10], [sflag:$0x6] =	stream.linear.gather [hbm4b:s24+s2], $0x80, $0x38;
	[tilespmem:$0x1FA80] =	vst v63  }
0x48: {  	_ = 	snop  }
0x49: {  	[tilespmem:s7], [sflag:$0x6] =	stream.linear.gather [hbm4b:s13+s2], $0x80, $0x38;
	[tilespmem:$0x1FA80] =	vst v63  }
0x4a: {  	_ =	swait.ge [sflag:s9], $0x4000  }
0x4b: {  	[sflag:s9] =	ssyncset.done $0x0  }
0x4c: {  	[sflag:s9] =	ssyncadd.s32 $0xFFFFC000  }
0x4d: {  	_ =	swait.ge [sflag:s11], $0x80  }
0x4e: {  	[sflag:s11] =	ssyncset.done $0x0  }
0x4f: {  	[sflag:s11] =	ssyncadd.s32 $0xFFFFFF80  }
0x50: {  	_ =	swait.ge [sflag:s11], $0x80  }
0x51: {  	[sflag:s11] =	ssyncset.done $0x0  }
0x52: {  	[sflag:s11] =	ssyncadd.s32 $0xFFFFFF80  }
0x53: {  	[tilespmem:s4], [sflag:$0x2] =	stream.indirect.gather [hbm4b:s20+s0], $0x80, s10, s0, $0xb8;
	[tilespmem:$0x1FA80] =	vst v63  }
0x54: {  	_ = 	snop  }
0x55: {  	[spmem:s1] =	stream.indirect.scatter.add.f32 [tilespmem:s6], [sflag:$0x3], $0x80, s31, s0, $0xb8;
	[tilespmem:$0x1FA80] =	vst v63  }
0x56: {  	_ =	swait.ge [sflag:s8], $0x4000  }
0x57: {  	[sflag:s8] =	ssyncset.done $0x0  }
0x58: {  	s26 =	rddreg [dreg:$0xc];
	[sflag:s8] =	ssyncadd.s32 $0xFFFFC000  }
0x59: {  	[tilespmem:s30], [sflag:$0x5] =	stream.linear.gather [hbm4b:s26+s2], $0x80, $0x38;
	[tilespmem:$0x1FA80] =	vst v63  }
0x5a: {  	_ = 	snop  }
0x5b: {  	[tilespmem:s31], [sflag:$0x5] =	stream.linear.gather [hbm4b:s15+s2], $0x80, $0x38;
	[tilespmem:$0x1FA80] =	vst v63  }
0x5c: {  	_ =	swait.ge [sflag:s12], $0x4000  }
0x5d: {  	[sflag:s12] =	ssyncset.done $0x0  }
0x5e: {  	[sflag:s12] =	ssyncadd.s32 $0xFFFFC000  }
0x5f: {  	[spmem:s1] =	stream.indirect.scatter.add.f32 [tilespmem:s4], [sflag:$0x4], $0x80, s7, s0, $0xb8;
	[tilespmem:$0x1FA80] =	vst v63  }
0x60: {  	_ =	swait.ge [sflag:s14], $0x80  }
0x61: {  	[sflag:s14] =	ssyncset.done $0x0  }
0x62: {  	[sflag:s14] =	ssyncadd.s32 $0xFFFFFF80  }
0x63: {  	_ =	swait.ge [sflag:s14], $0x80  }
0x64: {  	[sflag:s14] =	ssyncset.done $0x0  }
0x65: {  	s3 =	simm.s32 $0x0;
	[sflag:s14] =	ssyncadd.s32 $0xFFFFFF80  }
0x66: {  	[tilespmem:s6], [sflag:$0x1] =	stream.indirect.gather [hbm4b:s20+s0], $0x80, s30, s0, $0xb8;
	[tilespmem:$0x1FA80] =	vst v63  }
.LBB2_2:
0x67: {  	_ =	swait.ge [sflag:s21], $0x4000  }
0x68: {  	[sflag:s21] =	ssyncset.done $0x0  }
0x69: {  	s24 =	sadd.s32 s3, s17;
	[sflag:s21] =	ssyncadd.s32 $0xFFFFC000  }
0x6a: {  	[tilespmem:s10], [sflag:$0x6] =	stream.linear.gather [hbm4b:s24+s2], $0x80, $0x38;
	[tilespmem:$0x1FA80] =	vst v63  }
0x6b: {  	s26 =	sadd.s32 s3, s16  }
0x6c: {  	[tilespmem:s7], [sflag:$0x6] =	stream.linear.gather [hbm4b:s26+s2], $0x80, $0x38;
	[tilespmem:$0x1FA80] =	vst v63  }
0x6d: {  	_ =	swait.ge [sflag:s9], $0x4000  }
0x6e: {  	[sflag:s9] =	ssyncset.done $0x0  }
0x6f: {  	[sflag:s9] =	ssyncadd.s32 $0xFFFFC000  }
0x70: {  	_ =	swait.ge [sflag:s11], $0x80  }
0x71: {  	[sflag:s11] =	ssyncset.done $0x0  }
0x72: {  	[sflag:s11] =	ssyncadd.s32 $0xFFFFFF80  }
0x73: {  	_ =	swait.ge [sflag:s11], $0x80  }
0x74: {  	[sflag:s11] =	ssyncset.done $0x0  }
0x75: {  	p2 =	seq.s32 s3, $0x9800;
	[sflag:s11] =	ssyncadd.s32 $0xFFFFFF80  }
0x76: {  	[tilespmem:s4], [sflag:$0x2] =	stream.indirect.gather [hbm4b:s20+s0], $0x80, s10, s0, $0xb8;
	[tilespmem:$0x1FA80] =	vst v63  }
.Ltmp2:
0x77: {  	_ = 	snop;
	(pc) =	sbr.rel @p2 .LBB2_4-.Ltmp2, $4  }
0x78: {  	[spmem:s1] =	stream.indirect.scatter.add.f32 [tilespmem:s6], [sflag:$0x3], $0x80, s31, s0, $0xb8;
	[tilespmem:$0x1FA80] =	vst v63  }
0x79: {  	_ =	swait.ge [sflag:s8], $0x4000  }
0x7a: {  	[sflag:s8] =	ssyncset.done $0x0  }
0x7b: {  	[sflag:s8] =	ssyncadd.s32 $0xFFFFC000  }
0x7c: {  	s24 =	sadd.s32 s3, s19  }
0x7d: {  	[tilespmem:s30], [sflag:$0x5] =	stream.linear.gather [hbm4b:s24+s2], $0x80, $0x38;
	[tilespmem:$0x1FA80] =	vst v63  }
0x7e: {  	s26 =	sadd.s32 s3, s18  }
0x7f: {  	[tilespmem:s31], [sflag:$0x5] =	stream.linear.gather [hbm4b:s26+s2], $0x80, $0x38;
	[tilespmem:$0x1FA80] =	vst v63  }
0x80: {  	_ =	swait.ge [sflag:s12], $0x4000  }
0x81: {  	[sflag:s12] =	ssyncset.done $0x0  }
0x82: {  	[sflag:s12] =	ssyncadd.s32 $0xFFFFC000  }
0x83: {  	[spmem:s1] =	stream.indirect.scatter.add.f32 [tilespmem:s4], [sflag:$0x4], $0x80, s7, s0, $0xb8;
	[tilespmem:$0x1FA80] =	vst v63  }
0x84: {  	_ =	swait.ge [sflag:s14], $0x80  }
0x85: {  	[sflag:s14] =	ssyncset.done $0x0  }
.Ltmp3:
0x86: {  	[sflag:s14] =	ssyncadd.s32 $0xFFFFFF80;
	(pc) =	sbr.rel .LBB2_2-.Ltmp3, $4  }
0x87: {  	_ =	swait.ge [sflag:s14], $0x80  }
0x88: {  	[sflag:s14] =	ssyncset.done $0x0  }
0x89: {  	s3 =	sadd.s32 $0x200, s3;
	[sflag:s14] =	ssyncadd.s32 $0xFFFFFF80  }
0x8a: {  	[tilespmem:s6], [sflag:$0x1] =	stream.indirect.gather [hbm4b:s20+s0], $0x80, s30, s0, $0xb8;
	[tilespmem:$0x1FA80] =	vst v63  }
.LBB2_4:
0x8b: {  	_ =	swait.ge [sflag:s12], $0x4000  }
0x8c: {  	[sflag:s12] =	ssyncset.done $0x0  }
.Ltmp4:
0x8d: {  	[sflag:s12] =	ssyncadd.s32 $0xFFFFC000;
	(pc) =	sbr.rel @p1 .LBB2_6-.Ltmp4, $4  }
0x8e: {  	[spmem:s1] =	stream.indirect.scatter.add.f32 [tilespmem:s4], [sflag:$0x4], $0x80, s7, s0, $0xb8;
	[tilespmem:$0x1FA80] =	vst v63  }
0x8f: {  	_ =	swait.ge [sflag:s21], $0x4000  }
0x90: {  	[sflag:s21] =	ssyncset.done $0x0  }
0x91: {  	[sflag:s21] =	ssyncadd.s32 $0xFFFFC000  }
0x92: {  	s3 =	rddreg [dreg:$0x6]  }
0x93: {  	[tilespmem:s30], [sflag:$0x8] =	stream.linear.gather [hbm4b:s3+s2], $0x80, $0x38;
	[tilespmem:$0x1FA80] =	vst v63  }
0x94: {  	_ =	swait.ge [sflag:s29], $0x80  }
0x95: {  	[sflag:s29] =	ssyncset.done $0x0  }
0x96: {  	s24 =	rddreg [dreg:$0x7];
	[sflag:s29] =	ssyncadd.s32 $0xFFFFFF80  }
0x97: {  	[tilespmem:s31], [sflag:$0x8] =	stream.linear.gather [hbm4b:s24+s2], $0x80, $0x38;
	[tilespmem:$0x1FA80] =	vst v63  }
0x98: {  	_ =	swait.ge [sflag:s29], $0x80  }
0x99: {  	[sflag:s29] =	ssyncset.done $0x0  }
0x9a: {  	s26 =	simm.s32 $0x7;
	[sflag:s29] =	ssyncadd.s32 $0xFFFFFF80  }
0x9b: {  	[tilespmem:s6], [sflag:$0x7] =	stream.indirect.gather [hbm4b:s20+s0], $0x80, s30, s0, $0xb8;
	[tilespmem:$0x1FA80] =	vst v63  }
0x9c: {  	_ =	swait.ge [sflag:s26], $0x4000  }
0x9d: {  	[sflag:s26] =	ssyncset.done $0x0  }
0x9e: {  	[sflag:s26] =	ssyncadd.s32 $0xFFFFC000  }
0x9f: {  	[spmem:s1] =	stream.indirect.scatter.add.f32 [tilespmem:s6], [sflag:$0x8], $0x80, s31, s0, $0xb8;
	[tilespmem:$0x1FA80] =	vst v63  }
.Ltmp5:
0xa0: {  	_ =	swait.ge [sflag:s29], $0x4000;
	(pc) =	sbr.rel .LBB2_7-.Ltmp5, $3  }
0xa1: {  	[sflag:s29] =	ssyncset.done $0x0  }
0xa2: {  	[sflag:s29] =	ssyncadd.s32 $0xFFFFC000  }
0xa3: {  	[bflag:$0x0] =	sbarrier.arrive $0xFFFF;
	_ =	sdelay $0x1  }
.LBB2_6:
.Ltmp6:
0xa4: {  	(pc) =	sbr.rel @!p0 .LBB2_7-.Ltmp6, $2  }
0xa5: {  	_ =	sdelay $0x1  }
0xa6: {  	[bflag:$0x0] =	sbarrier.arrive $0xFFFF;
	_ =	sdelay $0x1  }
0xa7: {  	s3 =	rddreg [dreg:$0x10]  }
0xa8: {  	s24 =	rddreg [dreg:$0x5];
	s26 =	simm.s32 $0x1FC8;
	s3 =	sshrl.u32 s3, $0x3  }
0xa9: {  	[hbm:s24], [sflag:s26] =	dma.local [spmem:s3], $0x1900  }
0xaa: {  	_ =	swait.ge [sflag:s29], $0x1900  }
0xab: {  	[sflag:s29] =	ssyncset.done $0x0  }
0xac: {  	[sflag:s29] =	ssyncadd.s32 $0xFFFFE700  }
0xad: {  	[bflag:$0x0] =	sbarrier.arrive $0xFFFF  }
.Ltmp7:
0xae: {  	s24 =	rddreg [dreg:$0xe];
	(pc) =	sbr.rel .LBB2_9-.Ltmp7, $4  }
0xaf: {  	[spmem:s3], [sflag:s26] =	dma.local [hbm:s24], $0x1900  }
0xb0: {  	_ =	swait.ge [sflag:s29], $0x1900  }
0xb1: {  	[sflag:s29] =	ssyncset.done $0x0  }
0xb2: {  	[sflag:s29] =	ssyncadd.s32 $0xFFFFE700  }
.LBB2_7:
0xb3: {  	s3 =	stileid.u32  }
0xb4: {  	s3 =	sshll.u32 s3, $0x6  }
0xb5: {  	s24 =	sshrl.u32 s22, $0x3;
	s26 =	rddreg [dreg:$0x8];
	s3 =	sor.u32 $0x1C08, s3  }
0xb6: {  	[hbm:s26], [sflag:s3] =	dma.local [spmem:s24], $0x2800  }
0xb7: {  	_ =	swait.ge [sflag:s29], $0x2800  }
0xb8: {  	[sflag:s29] =	ssyncset.done $0x0  }
0xb9: {  	[sflag:s29] =	ssyncadd.s32 $0xFFFFD800  }
0xba: {  	[bflag:$0x0] =	sbarrier.arrive $0xFFFF  }
0xbb: {  	[spmem:s24], [sflag:s3] =	dma.local [hbm:s23], $0x2800  }
0xbc: {  	_ =	swait.ge [sflag:s29], $0x2800  }
0xbd: {  	[sflag:s29] =	ssyncset.done $0x0  }
0xbe: {  	[sflag:s29] =	ssyncadd.s32 $0xFFFFD800  }
.LBB2_9:
0xbf: {  	[bflag:$0x0] =	sbarrier.arrive $0xFFFF;
	s3 =	simm.s32 $0x0  }
0xc0: {  	[tilespmem:s31], [sflag:$0x8] =	stream.linear.gather [hbm4b:s5+s3], $0x80, $0x38;
	[tilespmem:$0x1FA80] =	vst v63  }
0xc1: {  	_ =	swait.ge [sflag:s29], $0x80  }
0xc2: {  	[sflag:s29] =	ssyncset.done $0x0  }
0xc3: {  	[sflag:s29] =	ssyncadd.s32 $0xFFFFFF80  }
0xc4: {  	[spmem:s1] =	stream.indirect.scatter.add.f32 [tilespmem:s28], [sflag:$0x3], $0x80, s31, s0, $0xb8;
	[tilespmem:$0x1FA80] =	vst v63  }
0xc5: {  	_ = 	snop  }
0xc6: {  	[tilespmem:s7], [sflag:$0x6] =	stream.linear.gather [hbm4b:s13+s3], $0x80, $0x38;
	[tilespmem:$0x1FA80] =	vst v63  }
0xc7: {  	_ =	swait.ge [sflag:s11], $0x80  }
0xc8: {  	[sflag:s11] =	ssyncset.done $0x0  }
0xc9: {  	[sflag:s11] =	ssyncadd.s32 $0xFFFFFF80  }
0xca: {  	[spmem:s1] =	stream.indirect.scatter.add.f32 [tilespmem:s28], [sflag:$0x4], $0x80, s7, s0, $0xb8;
	[tilespmem:$0x1FA80] =	vst v63  }
0xcb: {  	_ =	swait.ge [sflag:s8], $0x4000  }
0xcc: {  	[sflag:s8] =	ssyncset.done $0x0  }
0xcd: {  	[sflag:s8] =	ssyncadd.s32 $0xFFFFC000  }
0xce: {  	[tilespmem:s31], [sflag:$0x5] =	stream.linear.gather [hbm4b:s15+s3], $0x80, $0x38;
	[tilespmem:$0x1FA80] =	vst v63  }
0xcf: {  	_ =	swait.ge [sflag:s14], $0x80  }
0xd0: {  	[sflag:s14] =	ssyncset.done $0x0  }
0xd1: {  	[sflag:s14] =	ssyncadd.s32 $0xFFFFFF80  }
.LBB2_10:
0xd2: {  	[spmem:s1] =	stream.indirect.scatter.add.f32 [tilespmem:s28], [sflag:$0x3], $0x80, s31, s0, $0xb8;
	[tilespmem:$0x1FA80] =	vst v63  }
0xd3: {  	_ =	swait.ge [sflag:s21], $0x4000  }
0xd4: {  	[sflag:s21] =	ssyncset.done $0x0  }
0xd5: {  	s24 =	sadd.s32 s3, s16;
	[sflag:s21] =	ssyncadd.s32 $0xFFFFC000  }
0xd6: {  	[tilespmem:s7], [sflag:$0x6] =	stream.linear.gather [hbm4b:s24+s2], $0x80, $0x38;
	[tilespmem:$0x1FA80] =	vst v63  }
0xd7: {  	_ =	swait.ge [sflag:s11], $0x80  }
0xd8: {  	p2 =	seq.s32 s3, $0x9800;
	[sflag:s11] =	ssyncset.done $0x0  }
.Ltmp8:
0xd9: {  	[sflag:s11] =	ssyncadd.s32 $0xFFFFFF80;
	(pc) =	sbr.rel @p2 .LBB2_12-.Ltmp8, $4  }
0xda: {  	[spmem:s1] =	stream.indirect.scatter.add.f32 [tilespmem:s28], [sflag:$0x4], $0x80, s7, s0, $0xb8;
	[tilespmem:$0x1FA80] =	vst v63  }
0xdb: {  	_ =	swait.ge [sflag:s8], $0x4000  }
0xdc: {  	[sflag:s8] =	ssyncset.done $0x0  }
0xdd: {  	[sflag:s8] =	ssyncadd.s32 $0xFFFFC000  }
.Ltmp9:
0xde: {  	s24 =	sadd.s32 s3, s18;
	(pc) =	sbr.rel .LBB2_10-.Ltmp9, $4  }
0xdf: {  	[tilespmem:s31], [sflag:$0x5] =	stream.linear.gather [hbm4b:s24+s2], $0x80, $0x38;
	[tilespmem:$0x1FA80] =	vst v63  }
0xe0: {  	_ =	swait.ge [sflag:s14], $0x80  }
0xe1: {  	[sflag:s14] =	ssyncset.done $0x0  }
0xe2: {  	s3 =	sadd.s32 $0x200, s3;
	[sflag:s14] =	ssyncadd.s32 $0xFFFFFF80  }
.LBB2_12:
.Ltmp10:
0xe3: {  	(pc) =	sbr.rel @p1 .LBB2_14-.Ltmp10, $4  }
0xe4: {  	_ = 	snop  }
0xe5: {  	_ =	swait.ge [sflag:s21], $0x4000  }
0xe6: {  	[sflag:s21] =	ssyncset.done $0x0  }
0xe7: {  	[sflag:s21] =	ssyncadd.s32 $0xFFFFC000  }
0xe8: {  	s3 =	rddreg [dreg:$0x7]  }
0xe9: {  	[tilespmem:s31], [sflag:$0x8] =	stream.linear.gather [hbm4b:s3+s2], $0x80, $0x38;
	[tilespmem:$0x1FA80] =	vst v63  }
0xea: {  	_ =	swait.ge [sflag:s29], $0x80  }
0xeb: {  	[sflag:s29] =	ssyncset.done $0x0  }
0xec: {  	[sflag:s29] =	ssyncadd.s32 $0xFFFFFF80  }
0xed: {  	[spmem:s1] =	stream.indirect.scatter.add.f32 [tilespmem:s28], [sflag:$0x8], $0x80, s31, s0, $0xb8;
	[tilespmem:$0x1FA80] =	vst v63  }
.Ltmp11:
0xee: {  	_ =	swait.ge [sflag:s29], $0x4000;
	(pc) =	sbr.rel .LBB2_15-.Ltmp11, $3  }
0xef: {  	[sflag:s29] =	ssyncset.done $0x0  }
0xf0: {  	[sflag:s29] =	ssyncadd.s32 $0xFFFFC000  }
0xf1: {  	[bflag:$0x0] =	sbarrier.arrive $0xFFFF;
	_ =	sdelay $0x1  }
.LBB2_14:
.Ltmp12:
0xf2: {  	(pc) =	sbr.rel @p0 .LBB2_16-.Ltmp12, $2  }
0xf3: {  	_ =	sdelay $0x1  }
0xf4: {  	[bflag:$0x0] =	sbarrier.arrive $0xFFFF;
	_ =	sdelay $0x1  }
.LBB2_15:
0xf5: {  	s3 =	stileid.u32  }
0xf6: {  	s24 =	sshrl.u32 s22, $0x3;
	s3 =	sshll.u32 s3, $0x6  }
.Ltmp13:
0xf7: {  	s26 =	rddreg [dreg:$0xa];
	s3 =	sor.u32 $0x1C08, s3;
	(pc) =	sbr.rel .LBB2_17-.Ltmp13, $4  }
0xf8: {  	[hbm:s26], [sflag:s3] =	dma.local [spmem:s24], $0x2800  }
0xf9: {  	_ =	swait.ge [sflag:s29], $0x2800  }
0xfa: {  	[sflag:s29] =	ssyncset.done $0x0  }
0xfb: {  	[sflag:s29] =	ssyncadd.s32 $0xFFFFD800  }
.LBB2_18:
0xfc: {  	_ =	sfence.sel $0x180000  }
0xfd: {  	[bflag:$0x0] =	sbarrier.arrive $0xFFFF  }
0xfe: {  	_ =	strace $0x90000047  }
0xff: {  	s0 =	stileid.u32;
	[bflag:$0x2] =	sbarrier.arrive $0xFFFF  }
0x100: {  	p0 =	sne.s32 s0, $0x0;
	s0 =	rddreg [dreg:$0x3]  }
0x101: {  	s0 =	sadd.s32 @!p0 $0x100000, s0  }
0x102: {  	[sflag:s0] =	ssyncadd.tile.s32 @!p0 $0x1;
	_ =	shalt  }
.Lfunc_end2:
_tile_overlayer_lowered:
.L_overlay_start_2:
0x103: {  	(tag) =	ssettag $0x2  }
0x104: {  	s0 =	rddreg [dreg:$0x0];
	s2 =	stileid.u32  }
0x105: {  	s1 =	rddreg [dreg:$0x1];
	p0 =	sne.s32 s2, $0x0  }
0x106: {  	s3 =	rddreg [dreg:$0x2];
	[bflag:$0x3] =	sbarrier.arrive $0xFFFF;
	s2 =	simm.s32 @!p0 $0x1C08  }
0x107: {  	[timem:s3], [sflag:s2] =	dma.local @!p0 [hbm:s0], s1  }
0x108: {  	s0 =	simm.s32 @!p0 $0x8  }
0x109: {  	_ =	swait.ge @!p0 [sflag:s0], s1  }
0x10a: {  	s1 =	ssub.s32 @!p0 $0x0, s1;
	[sflag:s0] =	ssyncset.done @!p0 $0x0  }
0x10b: {  	[sflag:s0] =	ssyncadd.s32 @!p0 s1  }
0x10c: {  	[bflag:$0x3] =	sbarrier.arrive $0xFFFF  }
0x10d: {  	_ =	shalt  }

// kernel: kernel.9.cloned.1.call-start
scs
__scs_entry_jumppad:
0x0: {  	(pc) =	sbr.rel $0x88, $3  }
0x1: {  	(tag) =	ssettag $0x0;
	lr =	simm.s32 $0x1  }
0x2: {  	[smem:$0x3F8D] =	sst lr;
	_ =	strace $0xD0000000  }
0x3: {  	_ = 	snop  }
0x4: {  	_ = 	snop  }
0x5: {  	_ = 	snop  }
0x6: {  	_ = 	snop  }
0x7: {  	_ = 	snop  }
__scs_overlays_trampoline_lowered:
0x8: {  	[smem:$0x3F9C] =	sst s0  }
0x9: {  	[smem:$0x3F9D] =	sst s1  }
0xa: {  	[smem:$0x3F9E] =	sst s2  }
0xb: {  	[smem:$0x3F9F] =	sst s3  }
0xc: {  	[smem:$0x3FA0] =	sst s4  }
0xd: {  	[smem:$0x3FA1] =	sst s5  }
0xe: {  	[smem:$0x3FA2] =	sst s6  }
0xf: {  	[smem:$0x3FA3] =	sst s7  }
0x10: {  	[smem:$0x3FA4] =	sst s8  }
0x11: {  	[smem:$0x3FA5] =	sst s9;
	s0 =	simm.s32 @!p0 $0x0  }
0x12: {  	s1 =	sld [smem:$0x3F8B];
	s0 =	simm.s32 @p0 $0x1  }
0x13: {  	[smem:$0x3FA6] =	sst s0;
	s0 =	simm.s32 @!p1 $0x0  }
0x14: {  	s2 =	sld [smem:$0x3F8A];
	s0 =	simm.s32 @p1 $0x1  }
0x15: {  	[smem:$0x3FA7] =	sst s0;
	s0 =	simm.s32 @!p2 $0x0  }
0x16: {  	s3 =	sld [smem:$0x3FDB];
	s0 =	simm.s32 @p2 $0x1  }
0x17: {  	s4 =	simm.s32 $0x1BF5;
	[smem:$0x3FA9] =	sst s0  }
0x18: {  	s0 =	sld [smem:$0x3F8C];
	_ =	swait.ge [sflag:s4], $0x0  }
0x19: {  	s7 =	sld [smem:$0x3F8D]  }
0x1a: {  	s8 =	sadd.s32 $0xFFFFE003, lr  }
0x1b: {  	s9 =	sadd.s32 $0xFFFFFEF7, lr;
	s5 =	simm.s32 $0xFFFFFFFF;
	p2 =	slt.u32 s8, $0xFFFFF086  }
0x1c: {  	p1 =	slt.u32 s9, $0xF7A;
	s5 =	simm.s32 @!p2 $0x0  }
0x1d: {  	s5 =	simm.s32 @p1 $0x1;
	p0 =	seq.s32 s7, s2  }
0x1e: {  	s7 =	smul.u32 @!p0 $0xF7A, s2;
	p2 =	seq.s32 @!p0 s5, $0x0  }
0x1f: {  	s9 =	smul.u32 $0xF7A, s1;
	s8 =	simm.s32 @!p0 $0x1BF5;
	p2 =	por !p2, p0  }
0x20: {  	[sflag:s8] =	ssyncset.s32 @!p0 $0xFFFFF086;
	s6 =	sadd.s32 @!p0 s3, s7;
	s7 =	simm.s32 @!p0 $0x108  }
0x21: {  	s3 =	sadd.s32 s3, s9;
	s6 =	sadd.s32 @!p0 $0x88, s6;
	s7 =	simm.s32 @p2 $0x1082  }
0x22: {  	[simem:s7], [sflag:s8] =	dma.local @!p0 [hbm:s6], $0xF7A  }
0x23: {  	s9 =	sor.u32 $0xD0000000, s2;
	s6 =	simm.s32 $0x108;
	_ =	swait.ge @!p0 [sflag:s8], $0x0  }
0x24: {  	s3 =	sadd.s32 $0x88, s3;
	s6 =	simm.s32 @!p1 $0x1082;
	[sflag:s4] =	ssyncset.s32 $0xFFFFF086  }
0x25: {  	[simem:s6], [sflag:s4] =	dma.local [hbm:s3], $0xF7A  }
0x26: {  	[smem:$0x3F8D] =	sst s1;
	(tag) =	ssettag s2;
	_ =	strace s9  }
0x27: {  	s1 =	sld [smem:$0x3F9D]  }
0x28: {  	s2 =	sld [smem:$0x3F9E]  }
0x29: {  	s4 =	sld [smem:$0x3FA0]  }
0x2a: {  	p0 =	seq.s32 s5, $0x0;
	s5 =	sld [smem:$0x3FA1]  }
0x2b: {  	s6 =	sld [smem:$0x3FA2]  }
0x2c: {  	s7 =	sld [smem:$0x3FA3]  }
0x2d: {  	s3 =	simm.s32 $0x108;
	s8 =	sld [smem:$0x3FA4]  }
0x2e: {  	s3 =	simm.s32 @!p0 $0x1082;
	s9 =	sld [smem:$0x3FA5]  }
0x2f: {  	lr =	sadd.s32 s0, s3;
	s0 =	sld [smem:$0x3F9C]  }
0x30: {  	s3 =	sld [smem:$0x3F9F]  }
0x31: {  	[smem:$0x3FA8] =	sst s10  }
0x32: {  	s10 =	sld [smem:$0x3FA6];
	_ =	sdelay $0x3  }
0x33: {  	p0 =	seq.s32 s10, $0x1;
	s10 =	sld [smem:$0x3FA8];
	_ =	sdelay $0x3  }
0x34: {  	[smem:$0x3FA8] =	sst s10  }
0x35: {  	s10 =	sld [smem:$0x3FA7];
	_ =	sdelay $0x3  }
0x36: {  	p1 =	seq.s32 s10, $0x1;
	s10 =	sld [smem:$0x3FA8];
	_ =	sdelay $0x3  }
0x37: {  	[smem:$0x3FA8] =	sst s10  }
0x38: {  	s10 =	sld [smem:$0x3FA9]  }
0x39: {  	_ = 	snop;
	(pc) =	sbr.ind lr, $3  }
0x3a: {  	_ = 	snop  }
0x3b: {  	_ = 	snop  }
0x3c: {  	p2 =	seq.s32 s10, $0x1;
	s10 =	sld [smem:$0x3FA8]  }
0x3d: {  	_ =	shalt  }
0x3e: {  	_ =	shalt  }
0x3f: {  	_ =	shalt  }
0x40: {  	_ =	shalt  }
0x41: {  	_ =	shalt  }
0x42: {  	_ =	shalt  }
0x43: {  	_ =	shalt  }
0x44: {  	_ =	shalt  }
0x45: {  	_ =	shalt  }
0x46: {  	_ =	shalt  }
0x47: {  	_ =	shalt  }
0x48: {  	_ =	shalt  }
0x49: {  	_ =	shalt  }
0x4a: {  	_ =	shalt  }
0x4b: {  	_ =	shalt  }
0x4c: {  	_ =	shalt  }
0x4d: {  	_ =	shalt  }
0x4e: {  	_ =	shalt  }
0x4f: {  	_ =	shalt  }
0x50: {  	_ =	shalt  }
0x51: {  	_ =	shalt  }
0x52: {  	_ =	shalt  }
0x53: {  	_ =	shalt  }
0x54: {  	_ =	shalt  }
0x55: {  	_ =	shalt  }
0x56: {  	_ =	shalt  }
0x57: {  	_ =	shalt  }
0x58: {  	_ =	shalt  }
0x59: {  	_ =	shalt  }
0x5a: {  	_ =	shalt  }
0x5b: {  	_ =	shalt  }
0x5c: {  	_ =	shalt  }
0x5d: {  	_ =	shalt  }
0x5e: {  	_ =	shalt  }
0x5f: {  	_ =	shalt  }
0x60: {  	_ =	shalt  }
0x61: {  	_ =	shalt  }
0x62: {  	_ =	shalt  }
0x63: {  	_ =	shalt  }
0x64: {  	_ =	shalt  }
0x65: {  	_ =	shalt  }
0x66: {  	_ =	shalt  }
0x67: {  	_ =	shalt  }
0x68: {  	_ =	shalt  }
0x69: {  	_ =	shalt  }
0x6a: {  	_ =	shalt  }
0x6b: {  	_ =	shalt  }
0x6c: {  	_ =	shalt  }
0x6d: {  	_ =	shalt  }
0x6e: {  	_ =	shalt  }
0x6f: {  	_ =	shalt  }
0x70: {  	_ =	shalt  }
0x71: {  	_ =	shalt  }
0x72: {  	_ =	shalt  }
0x73: {  	_ =	shalt  }
0x74: {  	_ =	shalt  }
0x75: {  	_ =	shalt  }
0x76: {  	_ =	shalt  }
0x77: {  	_ =	shalt  }
0x78: {  	_ =	shalt  }
0x79: {  	_ =	shalt  }
0x7a: {  	_ =	shalt  }
0x7b: {  	_ =	shalt  }
0x7c: {  	_ =	shalt  }
0x7d: {  	_ =	shalt  }
0x7e: {  	_ =	shalt  }
0x7f: {  	_ =	shalt  }
0x80: {  	_ =	shalt  }
0x81: {  	_ =	shalt  }
0x82: {  	_ =	shalt  }
0x83: {  	_ =	shalt  }
0x84: {  	_ =	shalt  }
0x85: {  	_ =	shalt  }
0x86: {  	_ =	shalt  }
0x87: {  	_ =	shalt  }
.Lfunc_end0:
.L_simem_size_0:
called_computation.1_lowered:
.L_overlay_start_0:
0x88: {  	s2 =	sld [smem:$0x3FD9]  }
0x89: {  	s3 =	sld [smem:$0x3FFE];
	_ =	sdelay $0x1  }
0x8a: {  	s1 =	srdreg.scid  }
0x8b: {  	s0 =	sand.u32 $0x1, s1  }
0x8c: {  	s14 =	sshll.u32 s0, $0xA;
	s2 =	sadd.s32 s3, s2  }
0x8d: {  	s2 =	sadd.s32 s2, s14  }
0x8e: {  	[smem:$0x3FB4] =	sst s2  }
0x8f: {  	_ = 	snop  }
0x90: {  	s2 =	sld [smem:$0x3FD0];
	_ =	sdelay $0x2  }
0x91: {  	s15 =	simm.s32 $0xA;
	s4 =	simm.s32 $0x10  }
0x92: {  	[smem:s4], [sflag:s15] =	dma.local [hbm:s2], $0x1  }
0x93: {  	_ =	swait.eq [sflag:s15], $0x1  }
0x94: {  	[sflag:s15] =	ssyncset.done $0x0  }
0x95: {  	s16 =	sld [smem:$0x10];
	[sflag:s15] =	ssyncadd.s32 $0xFFFFFFFF  }
0x96: {  	s17 =	sld [smem:$0x11];
	(tm) =	ssettm $0x1  }
0x97: {  	s18 =	sld [smem:$0x3FFB];
	_ =	sdelay $0x3  }
0x98: {  	_ =	strace s18  }
0x99: {  	s4 =	sld [smem:$0x3FFC];
	_ =	sdelay $0x3  }
0x9a: {  	_ =	strace s4  }
0x9b: {  	s4 =	sld [smem:$0x3FFD];
	_ =	sdelay $0x3  }
0x9c: {  	_ =	strace s4  }
0x9d: {  	_ =	strace $0x8FFFFFFF  }
0x9e: {  	s19 =	sld [smem:$0x3FDB];
	_ =	sdelay $0x1  }
0x9f: {  	s5 =	simm.s32 $_scs_section_size  }
0xa0: {  	s6 =	simm.s32 $_size__tile_overlayer_lowered;
	s7 =	simm.s32 $_tile_overlayer_lowered  }
0xa1: {  	s22 =	simm.s32 $0x1BFF;
	s21 =	sshll.u32 s7, $0x1;
	s4 =	sadd.s32 s5, s19  }
0xa2: {  	s8 =	simm.s32 $0x0;
	s20 =	sshll.u32 s6, $0x1;
	s6 =	sadd.s32 s21, s4  }
0xa3: {  	[timem:s8], [sflag:s22] =	dma.local [hbm:s6], s20  }
0xa4: {  	_ =	swait.ge [sflag:s22], s20  }
0xa5: {  	s5 =	ssub.s32 $0x0, s20;
	[sflag:s22] =	ssyncset.done $0x0  }
0xa6: {  	[sflag:s22] =	ssyncadd.s32 s5;
	_ =	sdelay $0x1  }
0xa7: {  	s23 =	simm.s32 $0x1B8B  }
0xa8: {  	_ =	swait.ge [sflag:s23], $0x1  }
0xa9: {  	[sflag:s23] =	ssyncset.done $0x0  }
0xaa: {  	s25 =	simm.s32 $0x1B8E;
	s24 =	sld [smem:$0x3FFE];
	[sflag:s23] =	ssyncadd.s32 $0xFFFFFFFF  }
0xab: {  	s26 =	simm.s32 $execute0_lowered;
	[smem:$0x3FD2] =	sst s25  }
0xac: {  	s6 =	sshll.u32 s26, $0x1;
	_ =	strace $0x80000049;
	[dreg:$0x1] =	wrdreg $0xFFFFFFFF  }
0xad: {  	s28 =	simm.s32 $_size_execute0_lowered;
	s4 =	sadd.s32 s4, s6;
	[dreg:$0x0] =	wrdreg $0x0  }
0xae: {  	s6 =	sshll.u32 s28, $0x1;
	[dreg:$0x2] =	wrdreg s4  }
0xaf: {  	[dreg:$0x3] =	wrdreg s6  }
0xb0: {  	[dreg:$0x4] =	wrdreg $0xC0  }
0xb1: {  	_ =	task [dreg:s8], $0x5FFFF  }
0xb2: {  	[dreg:$0x1] =	wrdreg $0xFFFFFFFF  }
0xb3: {  	[dreg:$0x0] =	wrdreg $0x60  }
0xb4: {  	[dreg:$0x2] =	wrdreg s24  }
0xb5: {  	[dreg:$0x3] =	wrdreg s17  }
0xb6: {  	[dreg:$0x4] =	wrdreg s16  }
0xb7: {  	[dreg:$0x5] =	wrdreg $0x0  }
0xb8: {  	[dreg:$0x6] =	wrdreg $0x9  }
0xb9: {  	_ =	task.clear_ibuf [dreg:s8], $0x7FFFF;
	_ =	strace $0x90000049  }
0xba: {  	s29 =	simm.s32 $0x9;
	_ =	strace $0x8000004B  }
0xbb: {  	_ =	swait.ge [sflag:s29], $0x1  }
0xbc: {  	[sflag:s29] =	ssyncadd.s32 $0xFFFFFFFF  }
0xbd: {  	_ =	strace $0x9000004B  }
0xbe: {  	_ =	sfence  }
0xbf: {  	s30 =	sld [smem:$0x0];
	_ =	sdelay $0x2  }
0xc0: {  	s31 =	sshll.u32 s1, $0xD;
	s1 =	sshrl.u32 s1, $0x2  }
0xc1: {  	s3 =	sand.u32 $0x4000, s31;
	s1 =	sadd.s32 s1, s30  }
0xc2: {  	s0 =	sor.u32 s3, s0;
	s1 =	sshll.u32 s1, $0x11  }
0xc3: {  	s0 =	sor.u32 s1, s0  }
0xc4: {  	s0 =	sadd.s32 $0x8F2B, s0  }
0xc5: {  	[sflag:s0] =	ssyncadd.remote.s32 $0x1  }
0xc6: {  	_ =	sfence.sel $0xFFFF  }
0xc7: {  	[dreg:$0x0] =	wrdreg $0xFFFFFFFF;
	(pc) =	sbr.abs _section_cstart, $3  }
0xc8: {  	[dreg:$0x1] =	wrdreg $0xFFFFFFFF  }
0xc9: {  	_ =	task.clear_ibuf [dreg:s8], $0x2FFFF;
	_ =	strace $0x9FFFFFFF  }
0xca: {  	(tm) =	ssettm $0x7FFFFFFF  }
0xcb: {  	_ =	shalt  }
tec
execute0_lowered:
.L_overlay_start_1:
0x0: {  	(tag) =	ssettag $0x1  }
0x1: {  	s2 =	rddreg [dreg:$0x0]  }
0x2: {  	s4 =	rddreg [dreg:$0x1]  }
0x3: {  	s1 =	rddreg [dreg:$0x2]  }
0x4: {  	s0 =	simm.s32 $0x0;
	s3 =	srdreg.scid;
	s19 =	stileid.u32  }
0x5: {  	s28 =	simm.s32 $0x13880;
	s29 =	simm.s32 $0x8;
	s30 =	simm.s32 $0x4  }
0x6: {  	[smem:$0x7FF] =	sst s0;
	s3 =	sand.u32 $0x1, s3;
	s12 =	smul.u32 $0x280, s19  }
0x7: {  	s6 =	sadd.s32 $0xB2C00, s2;
	s8 =	sadd.s32 $0x2E00, s2;
	s9 =	smul.u32 $0x9C400, s3  }
0x8: {  	s11 =	sshll.u32 s19, $0x7;
	p0 =	seq.s32 s19, $0xF;
	s10 =	smul.u32 $0x4E200, s3  }
0x9: {  	p1 =	sgt.u32 s19, $0x3;
	s5 =	ssub.s32 $0x2, s3;
	s15 =	smul.u32 $0x271000, s3  }
0xa: {  	s16 =	sor.u32 $0x4E000, s11;
	s18 =	smul.u32 $0x2710, s3;
	s7 =	sshrl.u32 s5, $0x1  }
0xb: {  	s20 =	sor.u32 $0x800, s11;
	s5 =	ssub.s32 s5, s7;
	s13 =	sadd.s32 s11, s9  }
0xc: {  	s14 =	sadd.s32 s11, s10;
	s15 =	sshrl.u32 s15, $0x3;
	s17 =	sadd.s32 s9, s16  }
0xd: {  	s31 =	sadd.s32 s10, s16;
	s12 =	sadd.s32 s12, s18;
	s22 =	sadd.s32 s9, s20  }
0xe: {  	s23 =	sshrl.u32 s13, $0x3;
	s24 =	sshrl.u32 s14, $0x3;
	s25 =	sshrl.u32 s17, $0x3  }
0xf: {  	s3 =	sshrl.u32 s31, $0x3;
	s12 =	sshll.u32 s12, $0x5;
	s17 =	sadd.s32 $0x4E200, s9  }
0x10: {  	s7 =	sadd.s32 s4, s23;
	s26 =	sadd.s32 s6, s24;
	s18 =	sadd.s32 s16, s17  }
0x11: {  	s23 =	sshrl.u32 s22, $0x3;
	s24 =	sadd.s32 s10, s20;
	s16 =	sadd.s32 $0x1800, s14  }
0x12: {  	s22 =	sadd.s32 $0x2000, s14;
	s14 =	smax.u32 s5, $0x1;
	s5 =	simm.s32 $0x1  }
0x13: {  	[dreg:$0x5] =	wrdreg s7;
	s7 =	sadd.s32 s8, s15;
	s15 =	sadd.s32 s4, s25  }
0x14: {  	s21 =	sshrl.u32 s18, $0x3;
	[dreg:$0x6] =	wrdreg s15;
	s15 =	sadd.s32 s6, s3  }
0x15: {  	s18 =	sshrl.u32 s16, $0x3;
	[dreg:$0x7] =	wrdreg s15;
	s15 =	sadd.s32 s11, s17  }
0x16: {  	s3 =	sadd.s32 s8, s12;
	s11 =	sor.u32 $0x1000, s11;
	s8 =	sshrl.u32 s15, $0x3  }
0x17: {  	s9 =	sadd.s32 s9, s11;
	s25 =	sadd.s32 s10, s11;
	s10 =	sadd.s32 s17, s20  }
0x18: {  	s15 =	sadd.s32 s17, s11;
	s20 =	sadd.s32 $0x1800, s13;
	s8 =	sadd.s32 s4, s8  }
0x19: {  	s11 =	sadd.s32 $0x4B000, s7;
	s9 =	sshrl.u32 s9, $0x3;
	[dreg:$0x9] =	wrdreg s8  }
0x1a: {  	s8 =	sadd.s32 s4, s21;
	s31 =	sadd.s32 s4, s9;
	s9 =	sshrl.u32 s25, $0x3  }
0x1b: {  	s21 =	sadd.s32 $0x2000, s13;
	s25 =	sadd.s32 $0x50200, s13;
	[dreg:$0xa] =	wrdreg s8  }
0x1c: {  	s8 =	sadd.s32 s4, s23;
	[dreg:$0xc] =	wrdreg s31;
	s12 =	sadd.s32 s6, s9  }
0x1d: {  	s9 =	sshrl.u32 s15, $0x3;
	s23 =	sshrl.u32 s22, $0x3;
	s22 =	rddreg [dreg:$0x3]  }
0x1e: {  	s15 =	sadd.s32 s18, s6;
	s31 =	smul.u32 $0x50000, s19;
	[dreg:$0xb] =	wrdreg s8  }
0x1f: {  	s8 =	sshrl.u32 s24, $0x3;
	s17 =	sadd.s32 s4, s9;
	s9 =	sshrl.u32 s21, $0x3  }
0x20: {  	s18 =	sadd.s32 s23, s6;
	s24 =	sadd.s32 $0x4FA00, s13;
	s23 =	sadd.s32 $0x163200, s2  }
0x21: {  	s13 =	sadd.s32 $0x4B080, s7;
	s2 =	simm.s32 $0x13A00;
	s8 =	sadd.s32 s6, s8  }
0x22: {  	s7 =	simm.s32 $0x6;
	[dreg:$0x15] =	wrdreg s8;
	s8 =	sshrl.u32 s10, $0x3  }
0x23: {  	[dreg:$0xe] =	wrdreg s17;
	s17 =	sadd.s32 s9, s4;
	s8 =	sadd.s32 s4, s8  }
0x24: {  	s6 =	sshrl.u32 s24, $0x3;
	s9 =	smul.u32 $0x2800, s19;
	[dreg:$0xd] =	wrdreg s8  }
0x25: {  	s24 =	sadd.s32 $0x12C000, s22;
	_ =	strace $0x8000004A;
	[dreg:$0x10] =	wrdreg s11  }
0x26: {  	s19 =	simm.s32 $0x13980;
	s8 =	sshrl.u32 s20, $0x3;
	[dreg:$0x11] =	wrdreg s13  }
0x27: {  	s20 =	sadd.s32 s6, s4;
	s6 =	simm.s32 $0x13A80;
	[dreg:$0x12] =	wrdreg s14  }
0x28: {  	s16 =	sadd.s32 s8, s4;
	s8 =	sshrl.u32 s25, $0x3;
	[dreg:$0x13] =	wrdreg s24  }
0x29: {  	s25 =	sadd.s32 s1, s9;
	s1 =	sadd.s32 $0x25800, s1;
	[dreg:$0x8] =	wrdreg s3  }
.Ltmp0:
0x2a: {  	s9 =	simm.s32 $0x17A80;
	s11 =	simm.s32 $0x3;
	(pc) =	sbr.rel .LBB2_1-.Ltmp0, $4  }
0x2b: {  	s13 =	simm.s32 $0x2;
	s14 =	simm.s32 $0x5;
	s24 =	simm.s32 $0x0  }
0x2c: {  	s21 =	sadd.s32 s8, s4;
	s8 =	sshrl.u32 s31, $0x2;
	[dreg:$0xf] =	wrdreg s1  }
0x2d: {  	s31 =	sadd.s32 $0x80, s3;
	s3 =	smov.u32 s26;
	s4 =	simm.s32 $0x13900  }
0x2e: {  	s10 =	sadd.s32 s8, s22;
	[dreg:$0x14] =	wrdreg s31;
	s8 =	simm.s32 $0x80  }
.LBB2_16:
0x2f: {  	s1 =	rddreg [dreg:$0x13]  }
0x30: {  	s26 =	rddreg [dreg:$0x11]  }
0x31: {  	s29 =	simm.s32 $0x100;
	s31 =	simm.s32 $0x1FC8;
	s1 =	sshrl.u32 s1, $0x3  }
0x32: {  	[hbm:s26@s29], [sflag:s31] =	dma.strided [spmem:s1@s8], $0x1900, s24, $0x10   }
0x33: {  	_ =	swait.ge [sflag:s24], $0x1900  }
0x34: {  	[sflag:s24] =	ssyncset.done $0x0  }
0x35: {  	s29 =	simm.s32 $0x8;
	[sflag:s24] =	ssyncadd.s32 $0xFFFFE700;
	s24 =	rddreg [dreg:$0x16]  }
.LBB2_17:
0x36: {  	s24 =	sadd.s32 $0x1, s24;
	s1 =	rddreg [dreg:$0x12]  }
0x37: {  	p2 =	sne.s32 s24, s1  }
.Ltmp1:
0x38: {  	_ = 	snop;
	(pc) =	sbr.rel @!p2 .LBB2_18-.Ltmp1, $2  }
0x39: {  	_ =	sdelay $0x1  }
0x3a: {  	[bflag:$0x0] =	sbarrier.arrive $0xFFFF;
	_ =	sdelay $0x1  }
.LBB2_1:
0x3b: {  	s1 =	rddreg [dreg:$0x13]  }
0x3c: {  	s26 =	rddreg [dreg:$0xf];
	s31 =	sshrl.u32 @p0 s1, $0x3;
	s1 =	simm.s32 @p0 $0x1FC8  }
0x3d: {  	[spmem:s31], [sflag:s1] =	dma.local @p0 [hbm:s26], $0x1900  }
0x3e: {  	s1 =	simm.s32 @p0 $0x8  }
0x3f: {  	s31 =	stileid.u32;
	_ =	swait.ge @p0 [sflag:s1], $0x1900  }
0x40: {  	s31 =	sshll.u32 @!p0 s31, $0x6;
	[sflag:s1] =	ssyncset.done @p0 $0x0  }
0x41: {  	[sflag:s1] =	ssyncadd.s32 @p0 $0xFFFFE700;
	s1 =	sor.u32 @!p0 $0x1C08, s31;
	s31 =	sshrl.u32 @!p0 s10, $0x3  }
0x42: {  	[spmem:s31], [sflag:s1] =	dma.local @!p0 [hbm:s25], $0x2800  }
0x43: {  	s1 =	simm.s32 @!p0 $0x8  }
0x44: {  	_ =	swait.ge @!p0 [sflag:s1], $0x2800  }
0x45: {  	[sflag:s1] =	ssyncset.done @!p0 $0x0  }
0x46: {  	[sflag:s1] =	ssyncadd.s32 @!p0 $0xFFFFD800  }
0x47: {  	[bflag:$0x0] =	sbarrier.arrive $0xFFFF  }
0x48: {  	s26 =	rddreg [dreg:$0x5]  }
0x49: {  	[tilespmem:s28], [sflag:$0x8] =	stream.linear.gather [hbm4b:s26+s0], $0x80, $0x38;
	[tilespmem:$0x1BA80] =	vst v63  }
0x4a: {  	_ =	swait.ge [sflag:s29], $0x80  }
0x4b: {  	[sflag:s29] =	ssyncset.done $0x0  }
0x4c: {  	[sflag:s29] =	ssyncadd.s32 $0xFFFFFF80  }
0x4d: {  	[tilespmem:s4], [sflag:$0x8] =	stream.linear.gather [hbm4b:s3+s0], $0x80, $0x38;
	[tilespmem:$0x1BA80] =	vst v63  }
0x4e: {  	_ =	swait.ge [sflag:s29], $0x80  }
0x4f: {  	[sflag:s29] =	ssyncset.done $0x0  }
0x50: {  	[sflag:s29] =	ssyncadd.s32 $0xFFFFFF80  }
0x51: {  	[tilespmem:s6], [sflag:$0x1] =	stream.indirect.gather [hbm4b:s23+s8], $0x80, s28, s8, $0xb8;
	[tilespmem:$0x1BA80] =	vst v63  }
0x52: {  	s26 =	rddreg [dreg:$0xb]  }
0x53: {  	[tilespmem:s19], [sflag:$0x6] =	stream.linear.gather [hbm4b:s26+s0], $0x80, $0x38;
	[tilespmem:$0x1BA80] =	vst v63  }
0x54: {  	s26 =	rddreg [dreg:$0x15]  }
0x55: {  	[tilespmem:s2], [sflag:$0x6] =	stream.linear.gather [hbm4b:s26+s0], $0x80, $0x38;
	[tilespmem:$0x1BA80] =	vst v63  }
0x56: {  	_ =	swait.ge [sflag:s5], $0x4000  }
0x57: {  	[sflag:s5] =	ssyncset.done $0x0  }
0x58: {  	[sflag:s5] =	ssyncadd.s32 $0xFFFFC000  }
0x59: {  	_ =	swait.ge [sflag:s7], $0x80  }
0x5a: {  	[sflag:s7] =	ssyncset.done $0x0  }
0x5b: {  	[sflag:s7] =	ssyncadd.s32 $0xFFFFFF80  }
0x5c: {  	_ =	swait.ge [sflag:s7], $0x80  }
0x5d: {  	[sflag:s7] =	ssyncset.done $0x0  }
0x5e: {  	[sflag:s7] =	ssyncadd.s32 $0xFFFFFF80  }
0x5f: {  	[tilespmem:s9], [sflag:$0x2] =	stream.indirect.gather [hbm4b:s23+s8], $0x80, s19, s8, $0xb8;
	[tilespmem:$0x1BA80] =	vst v63  }
0x60: {  	_ = 	snop  }
0x61: {  	[spmem:s22] =	stream.indirect.scatter.add.f32 [tilespmem:s6], [sflag:$0x3], $0x80, s4, s8, $0xb8;
	[tilespmem:$0x1BA80] =	vst v63  }
0x62: {  	_ =	swait.ge [sflag:s11], $0x4000  }
0x63: {  	[sflag:s11] =	ssyncset.done $0x0  }
0x64: {  	s26 =	rddreg [dreg:$0xc];
	[sflag:s11] =	ssyncadd.s32 $0xFFFFC000  }
0x65: {  	[tilespmem:s28], [sflag:$0x5] =	stream.linear.gather [hbm4b:s26+s0], $0x80, $0x38;
	[tilespmem:$0x1BA80] =	vst v63  }
0x66: {  	_ = 	snop  }
0x67: {  	[tilespmem:s4], [sflag:$0x5] =	stream.linear.gather [hbm4b:s12+s0], $0x80, $0x38;
	[tilespmem:$0x1BA80] =	vst v63  }
0x68: {  	_ =	swait.ge [sflag:s13], $0x4000  }
0x69: {  	[sflag:s13] =	ssyncset.done $0x0  }
0x6a: {  	[sflag:s13] =	ssyncadd.s32 $0xFFFFC000  }
0x6b: {  	[spmem:s22] =	stream.indirect.scatter.add.f32 [tilespmem:s9], [sflag:$0x4], $0x80, s2, s8, $0xb8;
	[tilespmem:$0x1BA80] =	vst v63  }
0x6c: {  	_ =	swait.ge [sflag:s14], $0x80  }
0x6d: {  	[sflag:s14] =	ssyncset.done $0x0  }
0x6e: {  	[sflag:s14] =	ssyncadd.s32 $0xFFFFFF80  }
0x6f: {  	_ =	swait.ge [sflag:s14], $0x80  }
0x70: {  	[sflag:s14] =	ssyncset.done $0x0  }
0x71: {  	s31 =	simm.s32 $0x0;
	[sflag:s14] =	ssyncadd.s32 $0xFFFFFF80  }
0x72: {  	[tilespmem:s6], [sflag:$0x1] =	stream.indirect.gather [hbm4b:s23+s8], $0x80, s28, s8, $0xb8;
	[tilespmem:$0x1BA80] =	vst v63  }
.LBB2_2:
0x73: {  	_ =	swait.ge [sflag:s30], $0x4000  }
0x74: {  	[sflag:s30] =	ssyncset.done $0x0  }
0x75: {  	s1 =	sadd.s32 s31, s16;
	[sflag:s30] =	ssyncadd.s32 $0xFFFFC000  }
0x76: {  	[tilespmem:s19], [sflag:$0x6] =	stream.linear.gather [hbm4b:s1+s0], $0x80, $0x38;
	[tilespmem:$0x1BA80] =	vst v63  }
0x77: {  	s26 =	sadd.s32 s31, s15  }
0x78: {  	[tilespmem:s2], [sflag:$0x6] =	stream.linear.gather [hbm4b:s26+s0], $0x80, $0x38;
	[tilespmem:$0x1BA80] =	vst v63  }
0x79: {  	_ =	swait.ge [sflag:s5], $0x4000  }
0x7a: {  	[sflag:s5] =	ssyncset.done $0x0  }
0x7b: {  	[sflag:s5] =	ssyncadd.s32 $0xFFFFC000  }
0x7c: {  	_ =	swait.ge [sflag:s7], $0x80  }
0x7d: {  	[sflag:s7] =	ssyncset.done $0x0  }
0x7e: {  	[sflag:s7] =	ssyncadd.s32 $0xFFFFFF80  }
0x7f: {  	_ =	swait.ge [sflag:s7], $0x80  }
0x80: {  	[sflag:s7] =	ssyncset.done $0x0  }
0x81: {  	p2 =	seq.s32 s31, $0x9800;
	[sflag:s7] =	ssyncadd.s32 $0xFFFFFF80  }
0x82: {  	[tilespmem:s9], [sflag:$0x2] =	stream.indirect.gather [hbm4b:s23+s8], $0x80, s19, s8, $0xb8;
	[tilespmem:$0x1BA80] =	vst v63  }
.Ltmp2:
0x83: {  	_ = 	snop;
	(pc) =	sbr.rel @p2 .LBB2_4-.Ltmp2, $4  }
0x84: {  	[spmem:s22] =	stream.indirect.scatter.add.f32 [tilespmem:s6], [sflag:$0x3], $0x80, s4, s8, $0xb8;
	[tilespmem:$0x1BA80] =	vst v63  }
0x85: {  	_ =	swait.ge [sflag:s11], $0x4000  }
0x86: {  	[sflag:s11] =	ssyncset.done $0x0  }
0x87: {  	[sflag:s11] =	ssyncadd.s32 $0xFFFFC000  }
0x88: {  	s1 =	sadd.s32 s31, s17  }
0x89: {  	[tilespmem:s28], [sflag:$0x5] =	stream.linear.gather [hbm4b:s1+s0], $0x80, $0x38;
	[tilespmem:$0x1BA80] =	vst v63  }
0x8a: {  	s26 =	sadd.s32 s31, s18  }
0x8b: {  	[tilespmem:s4], [sflag:$0x5] =	stream.linear.gather [hbm4b:s26+s0], $0x80, $0x38;
	[tilespmem:$0x1BA80] =	vst v63  }
0x8c: {  	_ =	swait.ge [sflag:s13], $0x4000  }
0x8d: {  	[sflag:s13] =	ssyncset.done $0x0  }
0x8e: {  	[sflag:s13] =	ssyncadd.s32 $0xFFFFC000  }
0x8f: {  	[spmem:s22] =	stream.indirect.scatter.add.f32 [tilespmem:s9], [sflag:$0x4], $0x80, s2, s8, $0xb8;
	[tilespmem:$0x1BA80] =	vst v63  }
0x90: {  	_ =	swait.ge [sflag:s14], $0x80  }
0x91: {  	[sflag:s14] =	ssyncset.done $0x0  }
.Ltmp3:
0x92: {  	[sflag:s14] =	ssyncadd.s32 $0xFFFFFF80;
	(pc) =	sbr.rel .LBB2_2-.Ltmp3, $4  }
0x93: {  	_ =	swait.ge [sflag:s14], $0x80  }
0x94: {  	[sflag:s14] =	ssyncset.done $0x0  }
0x95: {  	s31 =	sadd.s32 $0x200, s31;
	[sflag:s14] =	ssyncadd.s32 $0xFFFFFF80  }
0x96: {  	[tilespmem:s6], [sflag:$0x1] =	stream.indirect.gather [hbm4b:s23+s8], $0x80, s28, s8, $0xb8;
	[tilespmem:$0x1BA80] =	vst v63  }
.LBB2_4:
0x97: {  	[dreg:$0x16] =	wrdreg s24  }
0x98: {  	_ =	swait.ge [sflag:s13], $0x4000  }
0x99: {  	[sflag:s13] =	ssyncset.done $0x0  }
.Ltmp4:
0x9a: {  	[sflag:s13] =	ssyncadd.s32 $0xFFFFC000;
	(pc) =	sbr.rel @p1 .LBB2_6-.Ltmp4, $4  }
0x9b: {  	[spmem:s22] =	stream.indirect.scatter.add.f32 [tilespmem:s9], [sflag:$0x4], $0x80, s2, s8, $0xb8;
	[tilespmem:$0x1BA80] =	vst v63  }
0x9c: {  	_ =	swait.ge [sflag:s30], $0x4000  }
0x9d: {  	[sflag:s30] =	ssyncset.done $0x0  }
0x9e: {  	[sflag:s30] =	ssyncadd.s32 $0xFFFFC000  }
0x9f: {  	s1 =	rddreg [dreg:$0x6]  }
0xa0: {  	[tilespmem:s28], [sflag:$0x8] =	stream.linear.gather [hbm4b:s1+s0], $0x80, $0x38;
	[tilespmem:$0x1BA80] =	vst v63  }
0xa1: {  	_ =	swait.ge [sflag:s29], $0x80  }
0xa2: {  	[sflag:s29] =	ssyncset.done $0x0  }
0xa3: {  	s26 =	rddreg [dreg:$0x7];
	[sflag:s29] =	ssyncadd.s32 $0xFFFFFF80  }
0xa4: {  	[tilespmem:s4], [sflag:$0x8] =	stream.linear.gather [hbm4b:s26+s0], $0x80, $0x38;
	[tilespmem:$0x1BA80] =	vst v63  }
0xa5: {  	_ =	swait.ge [sflag:s29], $0x80  }
0xa6: {  	[sflag:s29] =	ssyncset.done $0x0  }
0xa7: {  	s31 =	simm.s32 $0x7;
	[sflag:s29] =	ssyncadd.s32 $0xFFFFFF80  }
0xa8: {  	[tilespmem:s6], [sflag:$0x7] =	stream.indirect.gather [hbm4b:s23+s8], $0x80, s28, s8, $0xb8;
	[tilespmem:$0x1BA80] =	vst v63  }
0xa9: {  	_ =	swait.ge [sflag:s31], $0x4000  }
0xaa: {  	[sflag:s31] =	ssyncset.done $0x0  }
0xab: {  	[sflag:s31] =	ssyncadd.s32 $0xFFFFC000  }
0xac: {  	[spmem:s22] =	stream.indirect.scatter.add.f32 [tilespmem:s6], [sflag:$0x8], $0x80, s4, s8, $0xb8;
	[tilespmem:$0x1BA80] =	vst v63  }
.Ltmp5:
0xad: {  	_ =	swait.ge [sflag:s29], $0x4000;
	(pc) =	sbr.rel .LBB2_7-.Ltmp5, $4  }
0xae: {  	[sflag:s29] =	ssyncset.done $0x0  }
0xaf: {  	[sflag:s29] =	ssyncadd.s32 $0xFFFFC000  }
0xb0: {  	[bflag:$0x0] =	sbarrier.arrive $0xFFFF  }
0xb1: {  	s24 =	simm.s32 $0x8  }
.LBB2_6:
.Ltmp6:
0xb2: {  	(pc) =	sbr.rel @!p0 .LBB2_7-.Ltmp6, $3  }
0xb3: {  	_ =	sdelay $0x1  }
0xb4: {  	[bflag:$0x0] =	sbarrier.arrive $0xFFFF  }
0xb5: {  	s24 =	simm.s32 $0x8  }
0xb6: {  	s1 =	rddreg [dreg:$0x13]  }
0xb7: {  	s26 =	rddreg [dreg:$0x10]  }
0xb8: {  	s29 =	simm.s32 $0x100;
	s31 =	simm.s32 $0x1FC8;
	s1 =	sshrl.u32 s1, $0x3  }
0xb9: {  	[hbm:s26@s29], [sflag:s31] =	dma.strided [spmem:s1@s8], $0x1900, s24, $0x10   }
0xba: {  	_ =	swait.ge [sflag:s24], $0x1900  }
0xbb: {  	[sflag:s24] =	ssyncset.done $0x0  }
0xbc: {  	[sflag:s24] =	ssyncadd.s32 $0xFFFFE700  }
0xbd: {  	[bflag:$0x0] =	sbarrier.arrive $0xFFFF  }
.Ltmp7:
0xbe: {  	s29 =	rddreg [dreg:$0xf];
	(pc) =	sbr.rel .LBB2_9-.Ltmp7, $4  }
0xbf: {  	[spmem:s1], [sflag:s31] =	dma.local [hbm:s29], $0x1900  }
0xc0: {  	_ =	swait.ge [sflag:s24], $0x1900  }
0xc1: {  	[sflag:s24] =	ssyncset.done $0x0  }
0xc2: {  	s26 =	simm.s32 $0x8;
	[sflag:s24] =	ssyncadd.s32 $0xFFFFE700  }
.LBB2_7:
0xc3: {  	s1 =	stileid.u32;
	s31 =	sshrl.u32 s10, $0x3;
	s26 =	smov.u32 s10  }
0xc4: {  	s10 =	smov.u32 s25;
	s25 =	smov.u32 s3;
	s1 =	sshll.u32 s1, $0x6  }
0xc5: {  	s3 =	rddreg [dreg:$0x8];
	s29 =	simm.s32 $0x100;
	s1 =	sor.u32 $0x1C08, s1  }
0xc6: {  	[hbm:s3@s29], [sflag:s1] =	dma.strided [spmem:s31@s8], $0x2800, s24, $0x10   }
0xc7: {  	_ =	swait.ge [sflag:s24], $0x2800  }
0xc8: {  	[sflag:s24] =	ssyncset.done $0x0  }
0xc9: {  	[sflag:s24] =	ssyncadd.s32 $0xFFFFD800  }
0xca: {  	s3 =	smov.u32 s25;
	s25 =	smov.u32 s10;
	[bflag:$0x0] =	sbarrier.arrive $0xFFFF  }
0xcb: {  	[spmem:s31], [sflag:s1] =	dma.local [hbm:s25], $0x2800  }
0xcc: {  	_ =	swait.ge [sflag:s24], $0x2800  }
0xcd: {  	[sflag:s24] =	ssyncset.done $0x0  }
0xce: {  	s10 =	smov.u32 s26;
	s26 =	simm.s32 $0x8;
	[sflag:s24] =	ssyncadd.s32 $0xFFFFD800  }
.LBB2_9:
0xcf: {  	[bflag:$0x0] =	sbarrier.arrive $0xFFFF  }
0xd0: {  	s31 =	simm.s32 $0x0;
	s1 =	rddreg [dreg:$0x9]  }
0xd1: {  	[tilespmem:s28], [sflag:$0x8] =	stream.linear.gather [hbm4b:s1+s31], $0x80, $0x38;
	[tilespmem:$0x1BA80] =	vst v63  }
0xd2: {  	_ =	swait.ge [sflag:s26], $0x80  }
0xd3: {  	[sflag:s26] =	ssyncset.done $0x0  }
0xd4: {  	[sflag:s26] =	ssyncadd.s32 $0xFFFFFF80  }
0xd5: {  	[tilespmem:s4], [sflag:$0x8] =	stream.linear.gather [hbm4b:s3+s31], $0x80, $0x38;
	[tilespmem:$0x1BA80] =	vst v63  }
0xd6: {  	_ =	swait.ge [sflag:s26], $0x80  }
0xd7: {  	[sflag:s26] =	ssyncset.done $0x0  }
0xd8: {  	[sflag:s26] =	ssyncadd.s32 $0xFFFFFF80  }
0xd9: {  	[tilespmem:s6], [sflag:$0x1] =	stream.indirect.gather [hbm4b:s23+s8], $0x80, s28, s8, $0xb8;
	[tilespmem:$0x1BA80] =	vst v63  }
0xda: {  	s29 =	rddreg [dreg:$0xd]  }
0xdb: {  	[tilespmem:s19], [sflag:$0x6] =	stream.linear.gather [hbm4b:s29+s31], $0x80, $0x38;
	[tilespmem:$0x1BA80] =	vst v63  }
0xdc: {  	s24 =	rddreg [dreg:$0x15]  }
0xdd: {  	[tilespmem:s2], [sflag:$0x6] =	stream.linear.gather [hbm4b:s24+s31], $0x80, $0x38;
	[tilespmem:$0x1BA80] =	vst v63  }
0xde: {  	_ =	swait.ge [sflag:s5], $0x4000  }
0xdf: {  	[sflag:s5] =	ssyncset.done $0x0  }
0xe0: {  	[sflag:s5] =	ssyncadd.s32 $0xFFFFC000  }
0xe1: {  	_ =	swait.ge [sflag:s7], $0x80  }
0xe2: {  	[sflag:s7] =	ssyncset.done $0x0  }
0xe3: {  	[sflag:s7] =	ssyncadd.s32 $0xFFFFFF80  }
0xe4: {  	_ =	swait.ge [sflag:s7], $0x80  }
0xe5: {  	[sflag:s7] =	ssyncset.done $0x0  }
0xe6: {  	[sflag:s7] =	ssyncadd.s32 $0xFFFFFF80  }
0xe7: {  	[tilespmem:s9], [sflag:$0x2] =	stream.indirect.gather [hbm4b:s23+s8], $0x80, s19, s8, $0xb8;
	[tilespmem:$0x1BA80] =	vst v63  }
0xe8: {  	_ = 	snop  }
0xe9: {  	[spmem:s22] =	stream.indirect.scatter.add.f32 [tilespmem:s6], [sflag:$0x3], $0x80, s4, s8, $0xb8;
	[tilespmem:$0x1BA80] =	vst v63  }
0xea: {  	_ =	swait.ge [sflag:s11], $0x4000  }
0xeb: {  	[sflag:s11] =	ssyncset.done $0x0  }
0xec: {  	s29 =	rddreg [dreg:$0xe];
	[sflag:s11] =	ssyncadd.s32 $0xFFFFC000  }
0xed: {  	[tilespmem:s28], [sflag:$0x5] =	stream.linear.gather [hbm4b:s29+s31], $0x80, $0x38;
	[tilespmem:$0x1BA80] =	vst v63  }
0xee: {  	_ = 	snop  }
0xef: {  	[tilespmem:s4], [sflag:$0x5] =	stream.linear.gather [hbm4b:s12+s31], $0x80, $0x38;
	[tilespmem:$0x1BA80] =	vst v63  }
0xf0: {  	_ =	swait.ge [sflag:s13], $0x4000  }
0xf1: {  	[sflag:s13] =	ssyncset.done $0x0  }
0xf2: {  	[sflag:s13] =	ssyncadd.s32 $0xFFFFC000  }
0xf3: {  	[spmem:s22] =	stream.indirect.scatter.add.f32 [tilespmem:s9], [sflag:$0x4], $0x80, s2, s8, $0xb8;
	[tilespmem:$0x1BA80] =	vst v63  }
0xf4: {  	_ =	swait.ge [sflag:s14], $0x80  }
0xf5: {  	[sflag:s14] =	ssyncset.done $0x0  }
0xf6: {  	[sflag:s14] =	ssyncadd.s32 $0xFFFFFF80  }
0xf7: {  	_ =	swait.ge [sflag:s14], $0x80  }
0xf8: {  	[sflag:s14] =	ssyncset.done $0x0  }
0xf9: {  	[sflag:s14] =	ssyncadd.s32 $0xFFFFFF80  }
0xfa: {  	[tilespmem:s6], [sflag:$0x1] =	stream.indirect.gather [hbm4b:s23+s8], $0x80, s28, s8, $0xb8;
	[tilespmem:$0x1BA80] =	vst v63  }
.LBB2_10:
0xfb: {  	_ =	swait.ge [sflag:s30], $0x4000  }
0xfc: {  	[sflag:s30] =	ssyncset.done $0x0  }
0xfd: {  	s1 =	sadd.s32 s31, s20;
	[sflag:s30] =	ssyncadd.s32 $0xFFFFC000  }
0xfe: {  	[tilespmem:s19], [sflag:$0x6] =	stream.linear.gather [hbm4b:s1+s0], $0x80, $0x38;
	[tilespmem:$0x1BA80] =	vst v63  }
0xff: {  	s29 =	sadd.s32 s31, s15  }
0x100: {  	[tilespmem:s2], [sflag:$0x6] =	stream.linear.gather [hbm4b:s29+s0], $0x80, $0x38;
	[tilespmem:$0x1BA80] =	vst v63  }
0x101: {  	_ =	swait.ge [sflag:s5], $0x4000  }
0x102: {  	[sflag:s5] =	ssyncset.done $0x0  }
0x103: {  	[sflag:s5] =	ssyncadd.s32 $0xFFFFC000  }
0x104: {  	_ =	swait.ge [sflag:s7], $0x80  }
0x105: {  	[sflag:s7] =	ssyncset.done $0x0  }
0x106: {  	[sflag:s7] =	ssyncadd.s32 $0xFFFFFF80  }
0x107: {  	_ =	swait.ge [sflag:s7], $0x80  }
0x108: {  	[sflag:s7] =	ssyncset.done $0x0  }
0x109: {  	p2 =	seq.s32 s31, $0x9800;
	[sflag:s7] =	ssyncadd.s32 $0xFFFFFF80  }
0x10a: {  	[tilespmem:s9], [sflag:$0x2] =	stream.indirect.gather [hbm4b:s23+s8], $0x80, s19, s8, $0xb8;
	[tilespmem:$0x1BA80] =	vst v63  }
.Ltmp8:
0x10b: {  	_ = 	snop;
	(pc) =	sbr.rel @p2 .LBB2_12-.Ltmp8, $4  }
0x10c: {  	[spmem:s22] =	stream.indirect.scatter.add.f32 [tilespmem:s6], [sflag:$0x3], $0x80, s4, s8, $0xb8;
	[tilespmem:$0x1BA80] =	vst v63  }
0x10d: {  	_ =	swait.ge [sflag:s11], $0x4000  }
0x10e: {  	[sflag:s11] =	ssyncset.done $0x0  }
0x10f: {  	[sflag:s11] =	ssyncadd.s32 $0xFFFFC000  }
0x110: {  	s1 =	sadd.s32 s31, s21  }
0x111: {  	[tilespmem:s28], [sflag:$0x5] =	stream.linear.gather [hbm4b:s1+s0], $0x80, $0x38;
	[tilespmem:$0x1BA80] =	vst v63  }
0x112: {  	s29 =	sadd.s32 s31, s18  }
0x113: {  	[tilespmem:s4], [sflag:$0x5] =	stream.linear.gather [hbm4b:s29+s0], $0x80, $0x38;
	[tilespmem:$0x1BA80] =	vst v63  }
0x114: {  	_ =	swait.ge [sflag:s13], $0x4000  }
0x115: {  	[sflag:s13] =	ssyncset.done $0x0  }
0x116: {  	[sflag:s13] =	ssyncadd.s32 $0xFFFFC000  }
0x117: {  	[spmem:s22] =	stream.indirect.scatter.add.f32 [tilespmem:s9], [sflag:$0x4], $0x80, s2, s8, $0xb8;
	[tilespmem:$0x1BA80] =	vst v63  }
0x118: {  	_ =	swait.ge [sflag:s14], $0x80  }
0x119: {  	[sflag:s14] =	ssyncset.done $0x0  }
.Ltmp9:
0x11a: {  	[sflag:s14] =	ssyncadd.s32 $0xFFFFFF80;
	(pc) =	sbr.rel .LBB2_10-.Ltmp9, $4  }
0x11b: {  	_ =	swait.ge [sflag:s14], $0x80  }
0x11c: {  	[sflag:s14] =	ssyncset.done $0x0  }
0x11d: {  	s31 =	sadd.s32 $0x200, s31;
	[sflag:s14] =	ssyncadd.s32 $0xFFFFFF80  }
0x11e: {  	[tilespmem:s6], [sflag:$0x1] =	stream.indirect.gather [hbm4b:s23+s8], $0x80, s28, s8, $0xb8;
	[tilespmem:$0x1BA80] =	vst v63  }
.LBB2_12:
0x11f: {  	_ =	swait.ge [sflag:s13], $0x4000  }
0x120: {  	[sflag:s13] =	ssyncset.done $0x0  }
.Ltmp10:
0x121: {  	[sflag:s13] =	ssyncadd.s32 $0xFFFFC000;
	(pc) =	sbr.rel @p1 .LBB2_14-.Ltmp10, $4  }
0x122: {  	[spmem:s22] =	stream.indirect.scatter.add.f32 [tilespmem:s9], [sflag:$0x4], $0x80, s2, s8, $0xb8;
	[tilespmem:$0x1BA80] =	vst v63  }
0x123: {  	_ =	swait.ge [sflag:s30], $0x4000  }
0x124: {  	[sflag:s30] =	ssyncset.done $0x0  }
0x125: {  	[sflag:s30] =	ssyncadd.s32 $0xFFFFC000  }
0x126: {  	s1 =	rddreg [dreg:$0xa]  }
0x127: {  	[tilespmem:s28], [sflag:$0x8] =	stream.linear.gather [hbm4b:s1+s0], $0x80, $0x38;
	[tilespmem:$0x1BA80] =	vst v63  }
0x128: {  	_ =	swait.ge [sflag:s26], $0x80  }
0x129: {  	[sflag:s26] =	ssyncset.done $0x0  }
0x12a: {  	s29 =	rddreg [dreg:$0x7];
	[sflag:s26] =	ssyncadd.s32 $0xFFFFFF80  }
0x12b: {  	[tilespmem:s4], [sflag:$0x8] =	stream.linear.gather [hbm4b:s29+s0], $0x80, $0x38;
	[tilespmem:$0x1BA80] =	vst v63  }
0x12c: {  	_ =	swait.ge [sflag:s26], $0x80  }
0x12d: {  	[sflag:s26] =	ssyncset.done $0x0  }
0x12e: {  	s31 =	simm.s32 $0x7;
	[sflag:s26] =	ssyncadd.s32 $0xFFFFFF80  }
0x12f: {  	[tilespmem:s6], [sflag:$0x7] =	stream.indirect.gather [hbm4b:s23+s8], $0x80, s28, s8, $0xb8;
	[tilespmem:$0x1BA80] =	vst v63  }
0x130: {  	_ =	swait.ge [sflag:s31], $0x4000  }
0x131: {  	[sflag:s31] =	ssyncset.done $0x0  }
0x132: {  	[sflag:s31] =	ssyncadd.s32 $0xFFFFC000  }
0x133: {  	[spmem:s22] =	stream.indirect.scatter.add.f32 [tilespmem:s6], [sflag:$0x8], $0x80, s4, s8, $0xb8;
	[tilespmem:$0x1BA80] =	vst v63  }
.Ltmp11:
0x134: {  	_ =	swait.ge [sflag:s26], $0x4000;
	(pc) =	sbr.rel .LBB2_15-.Ltmp11, $4  }
0x135: {  	[sflag:s26] =	ssyncset.done $0x0  }
0x136: {  	[sflag:s26] =	ssyncadd.s32 $0xFFFFC000  }
0x137: {  	[bflag:$0x0] =	sbarrier.arrive $0xFFFF  }
0x138: {  	s24 =	simm.s32 $0x8  }
.LBB2_14:
.Ltmp12:
0x139: {  	(pc) =	sbr.rel @p0 .LBB2_16-.Ltmp12, $3  }
0x13a: {  	_ =	sdelay $0x1  }
0x13b: {  	[bflag:$0x0] =	sbarrier.arrive $0xFFFF  }
0x13c: {  	s24 =	simm.s32 $0x8  }
.LBB2_15:
0x13d: {  	s1 =	stileid.u32  }
0x13e: {  	s31 =	sshrl.u32 s10, $0x3;
	s26 =	rddreg [dreg:$0x14];
	s1 =	sshll.u32 s1, $0x6  }
.Ltmp13:
0x13f: {  	s29 =	simm.s32 $0x100;
	s1 =	sor.u32 $0x1C08, s1;
	(pc) =	sbr.rel .LBB2_17-.Ltmp13, $4  }
0x140: {  	[hbm:s26@s29], [sflag:s1] =	dma.strided [spmem:s31@s8], $0x2800, s24, $0x10   }
0x141: {  	_ =	swait.ge [sflag:s24], $0x2800  }
0x142: {  	[sflag:s24] =	ssyncset.done $0x0  }
0x143: {  	s29 =	simm.s32 $0x8;
	[sflag:s24] =	ssyncadd.s32 $0xFFFFD800;
	s24 =	rddreg [dreg:$0x16]  }
.LBB2_18:
0x144: {  	_ =	sfence.sel $0x180000  }
0x145: {  	[bflag:$0x0] =	sbarrier.arrive $0xFFFF  }
0x146: {  	_ =	strace $0x9000004A  }
0x147: {  	s0 =	stileid.u32;
	[bflag:$0x2] =	sbarrier.arrive $0xFFFF  }
0x148: {  	p0 =	sne.s32 s0, $0x0;
	s0 =	rddreg [dreg:$0x4]  }
0x149: {  	s0 =	sadd.s32 @!p0 $0x100000, s0  }
0x14a: {  	[sflag:s0] =	ssyncadd.tile.s32 @!p0 $0x1;
	_ =	shalt  }
.Lfunc_end2:
_tile_overlayer_lowered:
.L_overlay_start_2:
0x14b: {  	(tag) =	ssettag $0x2  }
0x14c: {  	s0 =	rddreg [dreg:$0x0];
	s2 =	stileid.u32  }
0x14d: {  	s1 =	rddreg [dreg:$0x1];
	p0 =	sne.s32 s2, $0x0  }
0x14e: {  	s3 =	rddreg [dreg:$0x2];
	[bflag:$0x3] =	sbarrier.arrive $0xFFFF;
	s2 =	simm.s32 @!p0 $0x1C08  }
0x14f: {  	[timem:s3], [sflag:s2] =	dma.local @!p0 [hbm:s0], s1  }
0x150: {  	s0 =	simm.s32 @!p0 $0x8  }
0x151: {  	_ =	swait.ge @!p0 [sflag:s0], s1  }
0x152: {  	s1 =	ssub.s32 @!p0 $0x0, s1;
	[sflag:s0] =	ssyncset.done @!p0 $0x0  }
0x153: {  	[sflag:s0] =	ssyncadd.s32 @!p0 s1  }
0x154: {  	[bflag:$0x3] =	sbarrier.arrive $0xFFFF  }
0x155: {  	_ =	shalt  }

</sc_bundles>
